<compile_context>
chip_gen: v7x
topology: tpu7x:2x2x1
jax: 0.10.2.dev20260603
libtpu: 0.0.44.dev20260713+nightly
codegen_flags: <defaults>
</compile_context>

<pallas_src>
import functools

import jax
import jax.numpy as jnp
import numpy as np
from jax import lax
from jax.experimental import pallas as pl
from jax.experimental.pallas import tpu as pltpu
from jax.experimental.pallas import tpu_sc as plsc

K_LEVEL = 16
HK = K_LEVEL // 2
MBS, NCOBJ = 4, 8
BS = MBS * NCOBJ
NUM_TOP = 128
BAG = 64
D = 512
X = BAG * HK
NPAIR = 2 * BS
ROWS_PER_PAIR = NUM_TOP
TOT_IDX = NPAIR * NUM_TOP * HK
G_ROWS = NPAIR * ROWS_PER_PAIR

NW = 32
PAIRS_PER_W = NPAIR // NW
IDX_PER_W = PAIRS_PER_W * NUM_TOP * HK
CHUNK_ROWS = 16
TOPS_PER_CHUNK = CHUNK_ROWS // HK
NCHUNK = IDX_PER_W // CHUNK_ROWS
LANES = 16
GROUPS = D // LANES


def _sc_gather_segsum(table_hbm, idx_hbm, out_hbm, idx_v, buf0, buf1, buf2,
                      buf3, buf4, buf5, buf6, buf7, outb0, outb1, sg0, sg1,
                      sg2, sg3, sg4, sg5, sg6, sg7, so0, so1):
    nc = 2
    wid = lax.axis_index("s") * nc + lax.axis_index("c")

    pltpu.sync_copy(idx_hbm.at[pl.ds(wid * IDX_PER_W, IDX_PER_W)], idx_v)

    def start_gather(c, buf, sem):
        src = table_hbm.at[idx_v.at[pl.ds(c * CHUNK_ROWS, CHUNK_ROWS)]]
        pltpu.async_copy(src, buf, sem)

    def wait_gather(buf, sem):
        pltpu.make_async_copy(table_hbm.at[pl.ds(0, CHUNK_ROWS)], buf,
                              sem).wait()

    def accumulate(buf, outb):
        @plsc.parallel_loop(0, TOPS_PER_CHUNK * GROUPS, unroll=4)
        def _(it):
            t = it // GROUPS
            g = it % GROUPS
            r0 = t * HK
            sl = pl.ds(g * LANES, LANES)
            v01 = buf[r0, sl] + buf[r0 + 1, sl]
            v23 = buf[r0 + 2, sl] + buf[r0 + 3, sl]
            v45 = buf[r0 + 4, sl] + buf[r0 + 5, sl]
            v67 = buf[r0 + 6, sl] + buf[r0 + 7, sl]
            outb[t, sl] = (v01 + v23) + (v45 + v67)

    out_base = wid * (PAIRS_PER_W * ROWS_PER_PAIR)

    def start_out(c, outb, sem):
        dst = out_hbm.at[pl.ds(out_base + c * TOPS_PER_CHUNK, TOPS_PER_CHUNK)]
        pltpu.async_copy(outb, dst, sem)

    def wait_out(outb, sem):
        pltpu.make_async_copy(out_hbm.at[pl.ds(0, TOPS_PER_CHUNK)], outb,
                              sem).wait()

    bufs = (buf0, buf1, buf2, buf3, buf4, buf5, buf6, buf7)
    gsems = (sg0, sg1, sg2, sg3, sg4, sg5, sg6, sg7)
    outbs = (outb0, outb1)
    osems = (so0, so1)
    NBUF = 8
    LOOKAHEAD = 7
    for c in range(LOOKAHEAD):
        start_gather(c, bufs[c], gsems[c])

    def outer(i, _):
        c0 = NBUF * i
        for j in range(NBUF):
            c = c0 + j
            b = j
            ob = j % 2
            wait_gather(bufs[b], gsems[b])

            @pl.when(c >= 2)
            def _():
                wait_out(outbs[ob], osems[ob])

            accumulate(bufs[b], outbs[ob])
            start_out(c, outbs[ob], osems[ob])

            @pl.when(c + LOOKAHEAD < NCHUNK)
            def _():
                start_gather(c + LOOKAHEAD, bufs[(b + LOOKAHEAD) % NBUF],
                             gsems[(b + LOOKAHEAD) % NBUF])
        return 0

    lax.fori_loop(0, NCHUNK // NBUF, outer, 0)
    wait_out(outbs[0], osems[0])
    wait_out(outbs[1], osems[1])


@functools.partial(
    pl.kernel,
    out_type=jax.ShapeDtypeStruct((G_ROWS, D), jnp.float32),
    mesh=plsc.VectorSubcoreMesh(core_axis_name="c", subcore_axis_name="s"),
    scratch_types=[
        pltpu.VMEM((IDX_PER_W,), jnp.int32),
        pltpu.VMEM((CHUNK_ROWS, D), jnp.float32),
        pltpu.VMEM((CHUNK_ROWS, D), jnp.float32),
        pltpu.VMEM((CHUNK_ROWS, D), jnp.float32),
        pltpu.VMEM((CHUNK_ROWS, D), jnp.float32),
        pltpu.VMEM((CHUNK_ROWS, D), jnp.float32),
        pltpu.VMEM((CHUNK_ROWS, D), jnp.float32),
        pltpu.VMEM((CHUNK_ROWS, D), jnp.float32),
        pltpu.VMEM((CHUNK_ROWS, D), jnp.float32),
        pltpu.VMEM((TOPS_PER_CHUNK, D), jnp.float32),
        pltpu.VMEM((TOPS_PER_CHUNK, D), jnp.float32),
        pltpu.SemaphoreType.DMA,
        pltpu.SemaphoreType.DMA,
        pltpu.SemaphoreType.DMA,
        pltpu.SemaphoreType.DMA,
        pltpu.SemaphoreType.DMA,
        pltpu.SemaphoreType.DMA,
        pltpu.SemaphoreType.DMA,
        pltpu.SemaphoreType.DMA,
        pltpu.SemaphoreType.DMA,
        pltpu.SemaphoreType.DMA,
    ],
)
def _gather_segsum(table_hbm, idx_hbm, out_hbm, idx_v, buf0, buf1, buf2, buf3,
                   buf4, buf5, buf6, buf7, outb0, outb1, sg0, sg1, sg2, sg3,
                   sg4, sg5, sg6, sg7, so0, so1):
    _sc_gather_segsum(table_hbm, idx_hbm, out_hbm, idx_v, buf0, buf1, buf2,
                      buf3, buf4, buf5, buf6, buf7, outb0, outb1, sg0, sg1,
                      sg2, sg3, sg4, sg5, sg6, sg7, so0, so1)


ITEMS_PER_STEP = 8


def _tc_bilinear(g0_ref, w_ref, g1_ref, o_ref):
    g0 = g0_ref[...].astype(jnp.bfloat16)
    w = w_ref[...]
    h = jnp.dot(g0, w, preferred_element_type=jnp.float32)
    h = h.astype(jnp.bfloat16)
    scale = 1.0 / np.sqrt(D)
    for j in range(ITEMS_PER_STEP):
        rows = slice(j * NUM_TOP, (j + 1) * NUM_TOP)
        g1 = g1_ref[rows].astype(jnp.bfloat16)
        o_ref[j] = jnp.dot(h[rows], g1.T,
                           preferred_element_type=jnp.float32) * scale


def kernel(orig_fea, ind0, ind1, W):
    table = orig_fea.reshape(NPAIR * X, D)

    offs = jnp.arange(HK, dtype=jnp.int32) * BAG
    item = (jnp.arange(BS, dtype=jnp.int32) * (2 * X))[:, None, None]
    side = (jnp.arange(2, dtype=jnp.int32) * X)[:, None, None, None]
    idx_all = (jnp.stack([ind0, ind1]) + offs + item + side).reshape(-1)

    G = _gather_segsum(table, idx_all)
    W16 = W.astype(jnp.bfloat16)

    nstep = BS // ITEMS_PER_STEP
    blk = ITEMS_PER_STEP * NUM_TOP
    scores = pl.pallas_call(
        _tc_bilinear,
        grid=(nstep,),
        in_specs=[
            pl.BlockSpec((blk, D), lambda i: (i, 0)),
            pl.BlockSpec((D, D), lambda i: (0, 0)),
            pl.BlockSpec((blk, D), lambda i: (nstep + i, 0)),
        ],
        out_specs=pl.BlockSpec((ITEMS_PER_STEP, NUM_TOP, NUM_TOP),
                               lambda i: (i, 0, 0)),
        out_shape=jax.ShapeDtypeStruct((BS, NUM_TOP, NUM_TOP), jnp.float32),
    )(G, W16, G)

    scores = scores.reshape(BS, NUM_TOP * NUM_TOP, 1)

    ii, jj = jnp.meshgrid(jnp.arange(NUM_TOP, dtype=jnp.int32),
                          jnp.arange(NUM_TOP, dtype=jnp.int32), indexing="ij")
    pairs = jnp.stack([ii, jj], axis=-1)
    pairs = jnp.broadcast_to(pairs[None], (BS, NUM_TOP, NUM_TOP, 2))
    pairs = pairs.reshape(BS, NUM_TOP * NUM_TOP, 2)
    return scores, pairs

# --- scband reference (transcript-rebuilt; emitter-appended) ---
"""Pipeline reference for scband-pairwise-cross-similarity-26877905339203 (READ-ONLY COPY).

The authoritative reference and input builder live on the scoring server;
editing this copy changes nothing except your own understanding.
"""

import jax, jax.numpy as jnp
import numpy as np

# Static configuration matching init_kwargs / input_specs
K_LEVEL = 16
HK = K_LEVEL // 2            # conv kernel/stride, also cobj_size = 8
MBS, NCOBJ = 4, 8
BS = MBS * NCOBJ             # 32 subtree items
NUM_TOP = 128
BAG = 64                     # bag_size B = orig_fea.shape[1]
D = 512
KK = 2 * NCOBJ * HK          # 128 objects per minibatch sample
X = BAG * HK                 # 512 = max distinct ids per side


def setup_inputs(seed: int = 0) -> dict:
    key = jax.random.key(seed)
    k1, k2, k3, k4 = jax.random.split(key, 4)
    orig_fea = jax.random.normal(k1, (MBS * KK, BAG, D), dtype=jnp.float32)
    ind0 = jax.random.randint(k2, (BS, NUM_TOP, HK), 0, BAG, dtype=jnp.int32)
    ind1 = jax.random.randint(k3, (BS, NUM_TOP, HK), 0, BAG, dtype=jnp.int32)
    # Learned parameter of the RelationModule (bilinear similarity)
    W = jax.random.normal(k4, (D, D), dtype=jnp.float32) / np.sqrt(D)
    return {"orig_fea": orig_fea, "ind0": ind0, "ind1": ind1, "W": W}


def _relation(fea0, fea1, W):
    # RelationModule: bilinear dot-product relation, returns [n0, n1, 1]
    s = (fea0 @ W) @ fea1.T / np.sqrt(D)
    return s[..., None]


def reference(orig_fea, ind0, ind1, W):
    def create_ids(ind):
        ids = ind + BAG * jnp.arange(HK, dtype=jnp.int32)
        return ids.reshape(ind.shape[0], -1)

    ids0 = create_ids(ind0)                      # [BS, T], T = NUM_TOP*HK
    ids1 = create_ids(ind1)
    T = ids0.shape[1]
    rsolo = orig_fea.reshape(BS, 2, -1, D)       # [BS, 2, X, D]

    scores_list = []
    for i in range(BS):
        # unique_with_inverse (static size = X, the max possible distinct ids)
        u0, inv0 = jnp.unique(ids0[i], return_inverse=True, size=X, fill_value=0)
        u1, inv1 = jnp.unique(ids1[i], return_inverse=True, size=X, fill_value=0)
        rf0 = rsolo[i, 0][u0]                    # gather unique rows [X, D]
        rf1 = rsolo[i, 1][u1]
        rs = _relation(rf0, rf1, W)              # [X, X, 1]
        sc = rs[inv0][:, inv1.reshape(-1)]       # scatter-back via inverse -> [T, T, 1]
        scores_list.append(sc)
    scores = jnp.stack(scores_list)              # [BS, T, T, 1]

    # Conv2D(1, kernel=HK, stride=HK, kernel=ones, bias=0) == HKxHK block-sum pooling
    nt = T // HK                                 # = NUM_TOP
    scores = scores.reshape(BS, nt, HK, nt, HK, 1).sum(axis=(2, 4))  # [BS, nt, nt, 1]
    scores = scores.reshape(BS, nt * nt, 1)

    ii, jj = jnp.meshgrid(jnp.arange(NUM_TOP, dtype=jnp.int32),
                          jnp.arange(NUM_TOP, dtype=jnp.int32), indexing='ij')
    pairs = jnp.stack([ii, jj], axis=-1)                     # [nt, nt, 2]
    pairs = jnp.broadcast_to(pairs[None], (BS, NUM_TOP, NUM_TOP, 2))
    pairs = pairs.reshape(BS, NUM_TOP * NUM_TOP, 2)
    return scores, pairs

if __name__ == "__main__":
    import jax
    _d = setup_inputs()
    print(jax.jit(kernel)(*tuple(_d.values())))

</pallas_src>

<mosaic_0001>
#map = affine_map<(d0, d1) -> (0, 0)>
#map1 = affine_map<(d0, d1) -> (0)>
module attributes {stable_mosaic.version = 14 : i64} {
  func.func @_gather_segsum(%arg0: i32, %arg1: i32, %arg2: memref<32768x512xf32, #tpu.memory_space<hbm>>, %arg3: memref<65536xi32, #tpu.memory_space<hbm>>, %arg4: memref<8192x512xf32, #tpu.memory_space<hbm>>, %arg5: memref<2048xi32, #tpu.memory_space<vmem>>, %arg6: memref<16x512xf32, #tpu.memory_space<vmem>>, %arg7: memref<16x512xf32, #tpu.memory_space<vmem>>, %arg8: memref<16x512xf32, #tpu.memory_space<vmem>>, %arg9: memref<16x512xf32, #tpu.memory_space<vmem>>, %arg10: memref<16x512xf32, #tpu.memory_space<vmem>>, %arg11: memref<16x512xf32, #tpu.memory_space<vmem>>, %arg12: memref<16x512xf32, #tpu.memory_space<vmem>>, %arg13: memref<16x512xf32, #tpu.memory_space<vmem>>, %arg14: memref<2x512xf32, #tpu.memory_space<vmem>>, %arg15: memref<2x512xf32, #tpu.memory_space<vmem>>, %arg16: memref<!tpu.dma_semaphore, #tpu.memory_space<semaphore_mem>>, %arg17: memref<!tpu.dma_semaphore, #tpu.memory_space<semaphore_mem>>, %arg18: memref<!tpu.dma_semaphore, #tpu.memory_space<semaphore_mem>>, %arg19: memref<!tpu.dma_semaphore, #tpu.memory_space<semaphore_mem>>, %arg20: memref<!tpu.dma_semaphore, #tpu.memory_space<semaphore_mem>>, %arg21: memref<!tpu.dma_semaphore, #tpu.memory_space<semaphore_mem>>, %arg22: memref<!tpu.dma_semaphore, #tpu.memory_space<semaphore_mem>>, %arg23: memref<!tpu.dma_semaphore, #tpu.memory_space<semaphore_mem>>, %arg24: memref<!tpu.dma_semaphore, #tpu.memory_space<semaphore_mem>>, %arg25: memref<!tpu.dma_semaphore, #tpu.memory_space<semaphore_mem>>) attributes {dimension_semantics = [#tpu.dimension_semantics<core_parallel>, #tpu.dimension_semantics<subcore_parallel>], iteration_bounds = array<i64: 2, 16>, scalar_prefetch = 0 : i64, scratch_operands = 21 : i64, tpu.core_type = #tpu.core_type<sc_vector_subcore>, window_params = [{transform_indices = #map}, {transform_indices = #map1}, {transform_indices = #map}]} {
    %mul3A = arith.constant 2 : i32
    %mul3A_0 = arith.muli %arg1, %mul3A : i32
    %add3A = arith.addi %mul3A_0, %arg0 : i32
    %mul3A_1 = arith.constant 2048 : i32
    %mul3A_2 = arith.muli %add3A, %mul3A_1 : i32
    "tpu.region"() ({
      %run_scoped3A = tpu.sem_alloc : memref<!tpu.dma_semaphore, #tpu.memory_space<semaphore_mem>>
      %dma_start3A_56 = tpu.memref_slice %arg3[%mul3A_2] : memref<65536xi32, #tpu.memory_space<hbm>> -> memref<2048xi32, #tpu.memory_space<hbm>>
      %dma_start3A_57 = tpu.memref_slice %arg3[%mul3A_2] : memref<65536xi32, #tpu.memory_space<hbm>> -> memref<2048xi32, #tpu.memory_space<hbm>>
      tpu.enqueue_dma source(%dma_start3A_57 : memref<2048xi32, #tpu.memory_space<hbm>>) target(%arg5 : memref<2048xi32, #tpu.memory_space<vmem>>) target_semaphore(%run_scoped3A : memref<!tpu.dma_semaphore, #tpu.memory_space<semaphore_mem>>)
      %dma_wait3A_58 = tpu.memref_slice %arg3[%mul3A_2] : memref<65536xi32, #tpu.memory_space<hbm>> -> memref<2048xi32, #tpu.memory_space<hbm>>
      %dma_wait3A_59 = tpu.memref_slice %arg3[%mul3A_2] : memref<65536xi32, #tpu.memory_space<hbm>> -> memref<2048xi32, #tpu.memory_space<hbm>>
      tpu.wait_dma2 semaphore(%run_scoped3A : memref<!tpu.dma_semaphore, #tpu.memory_space<semaphore_mem>>) src(%dma_wait3A_59 : memref<2048xi32, #tpu.memory_space<hbm>>) dst(%arg5 : memref<2048xi32, #tpu.memory_space<vmem>>)
      tpu.yield
    }) : () -> ()
    %mul3A_3 = arith.constant 256 : i32
    %mul3A_4 = arith.muli %add3A, %mul3A_3 : i32
    %dma_start3A = arith.constant 0 : i32
    %dma_start3A_5 = tpu.memref_slice %arg5[%dma_start3A] : memref<2048xi32, #tpu.memory_space<vmem>> -> memref<16xi32, #tpu.memory_space<vmem>>
    %dma_start3A_6 = arith.constant 0 : i32
    %dma_start3A_7 = arith.constant 0 : i32
    %dma_start3A_8 = tpu.memref_slice %arg2[%dma_start3A_6, %dma_start3A_7] : memref<32768x512xf32, #tpu.memory_space<hbm>> -> memref<32768x512xf32, #tpu.memory_space<hbm>>
    tpu.enqueue_indirect_dma source(%dma_start3A_8 : memref<32768x512xf32, #tpu.memory_space<hbm>>) target(%arg6 : memref<16x512xf32, #tpu.memory_space<vmem>>) offsets(%dma_start3A_5 : memref<16xi32, #tpu.memory_space<vmem>>) semaphore(%arg16 : memref<!tpu.dma_semaphore, #tpu.memory_space<semaphore_mem>>)
    %dma_start3A_9 = arith.constant 16 : i32
    %dma_start3A_10 = tpu.memref_slice %arg5[%dma_start3A_9] : memref<2048xi32, #tpu.memory_space<vmem>> -> memref<16xi32, #tpu.memory_space<vmem>>
    %dma_start3A_11 = arith.constant 0 : i32
    %dma_start3A_12 = arith.constant 0 : i32
    %dma_start3A_13 = tpu.memref_slice %arg2[%dma_start3A_11, %dma_start3A_12] : memref<32768x512xf32, #tpu.memory_space<hbm>> -> memref<32768x512xf32, #tpu.memory_space<hbm>>
    tpu.enqueue_indirect_dma source(%dma_start3A_13 : memref<32768x512xf32, #tpu.memory_space<hbm>>) target(%arg7 : memref<16x512xf32, #tpu.memory_space<vmem>>) offsets(%dma_start3A_10 : memref<16xi32, #tpu.memory_space<vmem>>) semaphore(%arg17 : memref<!tpu.dma_semaphore, #tpu.memory_space<semaphore_mem>>)
    %dma_start3A_14 = arith.constant 32 : i32
    %dma_start3A_15 = tpu.memref_slice %arg5[%dma_start3A_14] : memref<2048xi32, #tpu.memory_space<vmem>> -> memref<16xi32, #tpu.memory_space<vmem>>
    %dma_start3A_16 = arith.constant 0 : i32
    %dma_start3A_17 = arith.constant 0 : i32
    %dma_start3A_18 = tpu.memref_slice %arg2[%dma_start3A_16, %dma_start3A_17] : memref<32768x512xf32, #tpu.memory_space<hbm>> -> memref<32768x512xf32, #tpu.memory_space<hbm>>
    tpu.enqueue_indirect_dma source(%dma_start3A_18 : memref<32768x512xf32, #tpu.memory_space<hbm>>) target(%arg8 : memref<16x512xf32, #tpu.memory_space<vmem>>) offsets(%dma_start3A_15 : memref<16xi32, #tpu.memory_space<vmem>>) semaphore(%arg18 : memref<!tpu.dma_semaphore, #tpu.memory_space<semaphore_mem>>)
    %dma_start3A_19 = arith.constant 48 : i32
    %dma_start3A_20 = tpu.memref_slice %arg5[%dma_start3A_19] : memref<2048xi32, #tpu.memory_space<vmem>> -> memref<16xi32, #tpu.memory_space<vmem>>
    %dma_start3A_21 = arith.constant 0 : i32
    %dma_start3A_22 = arith.constant 0 : i32
    %dma_start3A_23 = tpu.memref_slice %arg2[%dma_start3A_21, %dma_start3A_22] : memref<32768x512xf32, #tpu.memory_space<hbm>> -> memref<32768x512xf32, #tpu.memory_space<hbm>>
    tpu.enqueue_indirect_dma source(%dma_start3A_23 : memref<32768x512xf32, #tpu.memory_space<hbm>>) target(%arg9 : memref<16x512xf32, #tpu.memory_space<vmem>>) offsets(%dma_start3A_20 : memref<16xi32, #tpu.memory_space<vmem>>) semaphore(%arg19 : memref<!tpu.dma_semaphore, #tpu.memory_space<semaphore_mem>>)
    %dma_start3A_24 = arith.constant 64 : i32
    %dma_start3A_25 = tpu.memref_slice %arg5[%dma_start3A_24] : memref<2048xi32, #tpu.memory_space<vmem>> -> memref<16xi32, #tpu.memory_space<vmem>>
    %dma_start3A_26 = arith.constant 0 : i32
    %dma_start3A_27 = arith.constant 0 : i32
    %dma_start3A_28 = tpu.memref_slice %arg2[%dma_start3A_26, %dma_start3A_27] : memref<32768x512xf32, #tpu.memory_space<hbm>> -> memref<32768x512xf32, #tpu.memory_space<hbm>>
    tpu.enqueue_indirect_dma source(%dma_start3A_28 : memref<32768x512xf32, #tpu.memory_space<hbm>>) target(%arg10 : memref<16x512xf32, #tpu.memory_space<vmem>>) offsets(%dma_start3A_25 : memref<16xi32, #tpu.memory_space<vmem>>) semaphore(%arg20 : memref<!tpu.dma_semaphore, #tpu.memory_space<semaphore_mem>>)
    %dma_start3A_29 = arith.constant 80 : i32
    %dma_start3A_30 = tpu.memref_slice %arg5[%dma_start3A_29] : memref<2048xi32, #tpu.memory_space<vmem>> -> memref<16xi32, #tpu.memory_space<vmem>>
    %dma_start3A_31 = arith.constant 0 : i32
    %dma_start3A_32 = arith.constant 0 : i32
    %dma_start3A_33 = tpu.memref_slice %arg2[%dma_start3A_31, %dma_start3A_32] : memref<32768x512xf32, #tpu.memory_space<hbm>> -> memref<32768x512xf32, #tpu.memory_space<hbm>>
    tpu.enqueue_indirect_dma source(%dma_start3A_33 : memref<32768x512xf32, #tpu.memory_space<hbm>>) target(%arg11 : memref<16x512xf32, #tpu.memory_space<vmem>>) offsets(%dma_start3A_30 : memref<16xi32, #tpu.memory_space<vmem>>) semaphore(%arg21 : memref<!tpu.dma_semaphore, #tpu.memory_space<semaphore_mem>>)
    %dma_start3A_34 = arith.constant 96 : i32
    %dma_start3A_35 = tpu.memref_slice %arg5[%dma_start3A_34] : memref<2048xi32, #tpu.memory_space<vmem>> -> memref<16xi32, #tpu.memory_space<vmem>>
    %dma_start3A_36 = arith.constant 0 : i32
    %dma_start3A_37 = arith.constant 0 : i32
    %dma_start3A_38 = tpu.memref_slice %arg2[%dma_start3A_36, %dma_start3A_37] : memref<32768x512xf32, #tpu.memory_space<hbm>> -> memref<32768x512xf32, #tpu.memory_space<hbm>>
    tpu.enqueue_indirect_dma source(%dma_start3A_38 : memref<32768x512xf32, #tpu.memory_space<hbm>>) target(%arg12 : memref<16x512xf32, #tpu.memory_space<vmem>>) offsets(%dma_start3A_35 : memref<16xi32, #tpu.memory_space<vmem>>) semaphore(%arg22 : memref<!tpu.dma_semaphore, #tpu.memory_space<semaphore_mem>>)
    %scan3A = arith.constant 0 : i32
    %scan3A_39 = arith.constant 0 : i32
    %scan3A_40 = arith.constant 16 : i32
    %scan3A_41 = arith.addi %scan3A_39, %scan3A_40 : i32
    %scan3A_42 = arith.constant 1 : i32
    %scan3A_43 = scf.for %scan3A_56 = %scan3A_39 to %scan3A_41 step %scan3A_42 iter_args(%scan3A_57 = %scan3A) -> (i32)  : i32 {
      %mul3A_58 = arith.constant 8 : i32
      %mul3A_59 = arith.muli %mul3A_58, %scan3A_56 : i32
      %add3A_60 = arith.constant 0 : i32
      %add3A_61 = arith.addi %mul3A_59, %add3A_60 : i32
      %dma_wait3A_62 = arith.constant 0 : i32
      %dma_wait3A_63 = arith.constant 0 : i32
      %dma_wait3A_64 = tpu.memref_slice %arg2[%dma_wait3A_62, %dma_wait3A_63] : memref<32768x512xf32, #tpu.memory_space<hbm>> -> memref<16x512xf32, #tpu.memory_space<hbm>>
      %dma_wait3A_65 = arith.constant 0 : i32
      %dma_wait3A_66 = arith.constant 0 : i32
      %dma_wait3A_67 = tpu.memref_slice %arg2[%dma_wait3A_65, %dma_wait3A_66] : memref<32768x512xf32, #tpu.memory_space<hbm>> -> memref<16x512xf32, #tpu.memory_space<hbm>>
      tpu.wait_dma2 semaphore(%arg16 : memref<!tpu.dma_semaphore, #tpu.memory_space<semaphore_mem>>) src(%dma_wait3A_67 : memref<16x512xf32, #tpu.memory_space<hbm>>) dst(%arg6 : memref<16x512xf32, #tpu.memory_space<vmem>>)
      %ge3A = arith.constant 2 : i32
      %ge3A_68 = arith.cmpi sge, %add3A_61, %ge3A : i32
      %convert_element_type3A = arith.extui %ge3A_68 : i1 to i32
      %cond3A = arith.constant 0 : i32
      %cond3A_69 = arith.cmpi ne, %convert_element_type3A, %cond3A : i32
      scf.if %cond3A_69 {
        %dma_wait3A_296 = arith.constant 0 : i32
        %dma_wait3A_297 = arith.constant 0 : i32
        %dma_wait3A_298 = tpu.memref_slice %arg4[%dma_wait3A_296, %dma_wait3A_297] : memref<8192x512xf32, #tpu.memory_space<hbm>> -> memref<2x512xf32, #tpu.memory_space<hbm>>
        %dma_wait3A_299 = arith.constant 0 : i32
        %dma_wait3A_300 = arith.constant 0 : i32
        %dma_wait3A_301 = tpu.memref_slice %arg4[%dma_wait3A_299, %dma_wait3A_300] : memref<8192x512xf32, #tpu.memory_space<hbm>> -> memref<2x512xf32, #tpu.memory_space<hbm>>
        tpu.wait_dma2 semaphore(%arg24 : memref<!tpu.dma_semaphore, #tpu.memory_space<semaphore_mem>>) src(%dma_wait3A_301 : memref<2x512xf32, #tpu.memory_space<hbm>>) dst(%arg14 : memref<2x512xf32, #tpu.memory_space<vmem>>)
      } else {
      }
      %parallel_loop3A = arith.constant 0 : i32
      %parallel_loop3A_70 = arith.constant 64 : i32
      %parallel_loop3A_71 = arith.constant 1 : i32
      scf.for %parallel_loop3A_296 = %parallel_loop3A to %parallel_loop3A_70 step %parallel_loop3A_71  : i32 {
        %parallel_loop3A_297 = arith.constant 32 : i32
        %parallel_loop3A_298 = arith.divsi %parallel_loop3A_296, %parallel_loop3A_297 : i32
        %parallel_loop3A_299 = arith.constant 0 : i32
        %parallel_loop3A_300 = arith.cmpi sgt, %parallel_loop3A_296, %parallel_loop3A_299 : i32
        %parallel_loop3A_301 = arith.extui %parallel_loop3A_300 : i1 to i32
        %parallel_loop3A_302 = arith.constant 0 : i32
        %parallel_loop3A_303 = arith.cmpi slt, %parallel_loop3A_296, %parallel_loop3A_302 : i32
        %parallel_loop3A_304 = arith.extui %parallel_loop3A_303 : i1 to i32
        %parallel_loop3A_305 = arith.subi %parallel_loop3A_301, %parallel_loop3A_304 : i32
        %parallel_loop3A_306 = arith.constant 0 : i32
        %parallel_loop3A_307 = arith.cmpi sgt, %parallel_loop3A_297, %parallel_loop3A_306 : i32
        %parallel_loop3A_308 = arith.extui %parallel_loop3A_307 : i1 to i32
        %parallel_loop3A_309 = arith.constant 0 : i32
        %parallel_loop3A_310 = arith.cmpi slt, %parallel_loop3A_297, %parallel_loop3A_309 : i32
        %parallel_loop3A_311 = arith.extui %parallel_loop3A_310 : i1 to i32
        %parallel_loop3A_312 = arith.subi %parallel_loop3A_308, %parallel_loop3A_311 : i32
        %parallel_loop3A_313 = arith.cmpi ne, %parallel_loop3A_305, %parallel_loop3A_312 : i32
        %parallel_loop3A_314 = arith.remsi %parallel_loop3A_296, %parallel_loop3A_297 : i32
        %parallel_loop3A_315 = arith.constant 0 : i32
        %parallel_loop3A_316 = arith.cmpi ne, %parallel_loop3A_314, %parallel_loop3A_315 : i32
        %parallel_loop3A_317 = arith.andi %parallel_loop3A_313, %parallel_loop3A_316 : i1
        %parallel_loop3A_318 = arith.constant 1 : i32
        %parallel_loop3A_319 = arith.subi %parallel_loop3A_298, %parallel_loop3A_318 : i32
        %parallel_loop3A_320 = arith.select %parallel_loop3A_317, %parallel_loop3A_319, %parallel_loop3A_298 : i32
        %parallel_loop3A_321 = arith.constant 32 : i32
        %parallel_loop3A_322 = arith.constant 0 : i32
        %parallel_loop3A_323 = arith.cmpi eq, %parallel_loop3A_321, %parallel_loop3A_322 : i32
        %parallel_loop3A_324 = arith.constant 1 : i32
        %parallel_loop3A_325 = arith.select %parallel_loop3A_323, %parallel_loop3A_324, %parallel_loop3A_321 : i32
        %parallel_loop3A_326 = arith.remsi %parallel_loop3A_296, %parallel_loop3A_325 : i32
        %parallel_loop3A_327 = arith.constant 0 : i32
        %parallel_loop3A_328 = arith.cmpi ne, %parallel_loop3A_326, %parallel_loop3A_327 : i32
        %parallel_loop3A_329 = arith.constant 0 : i32
        %parallel_loop3A_330 = arith.cmpi slt, %parallel_loop3A_326, %parallel_loop3A_329 : i32
        %parallel_loop3A_331 = arith.constant 0 : i32
        %parallel_loop3A_332 = arith.cmpi slt, %parallel_loop3A_325, %parallel_loop3A_331 : i32
        %parallel_loop3A_333 = arith.xori %parallel_loop3A_330, %parallel_loop3A_332 : i1
        %parallel_loop3A_334 = arith.andi %parallel_loop3A_333, %parallel_loop3A_328 : i1
        %parallel_loop3A_335 = arith.addi %parallel_loop3A_326, %parallel_loop3A_325 : i32
        %parallel_loop3A_336 = arith.select %parallel_loop3A_334, %parallel_loop3A_335, %parallel_loop3A_326 : i32
        %parallel_loop3A_337 = arith.constant 8 : i32
        %parallel_loop3A_338 = arith.muli %parallel_loop3A_320, %parallel_loop3A_337 : i32
        %parallel_loop3A_339 = arith.constant 16 : i32
        %parallel_loop3A_340 = arith.muli %parallel_loop3A_336, %parallel_loop3A_339 : i32
        %parallel_loop3A_341 = arith.index_cast %parallel_loop3A_338 : i32 to index
        %parallel_loop3A_342 = arith.index_cast %parallel_loop3A_340 : i32 to index
        %parallel_loop3A_343 = tpu.vector_load %arg6[%parallel_loop3A_341, %parallel_loop3A_342] {strides = array<i32>} : memref<16x512xf32, #tpu.memory_space<vmem>>, vector<1x16xf32>,
        %parallel_loop3A_344 = vector.shape_cast %parallel_loop3A_343 : vector<1x16xf32> to vector<16xf32>
        %parallel_loop3A_345 = arith.constant 1 : i32
        %parallel_loop3A_346 = arith.addi %parallel_loop3A_338, %parallel_loop3A_345 : i32
        %parallel_loop3A_347 = arith.index_cast %parallel_loop3A_346 : i32 to index
        %parallel_loop3A_348 = arith.index_cast %parallel_loop3A_340 : i32 to index
        %parallel_loop3A_349 = tpu.vector_load %arg6[%parallel_loop3A_347, %parallel_loop3A_348] {strides = array<i32>} : memref<16x512xf32, #tpu.memory_space<vmem>>, vector<1x16xf32>,
        %parallel_loop3A_350 = vector.shape_cast %parallel_loop3A_349 : vector<1x16xf32> to vector<16xf32>
        %parallel_loop3A_351 = arith.addf %parallel_loop3A_344, %parallel_loop3A_350 : vector<16xf32>
        %parallel_loop3A_352 = arith.constant 2 : i32
        %parallel_loop3A_353 = arith.addi %parallel_loop3A_338, %parallel_loop3A_352 : i32
        %parallel_loop3A_354 = arith.index_cast %parallel_loop3A_353 : i32 to index
        %parallel_loop3A_355 = arith.index_cast %parallel_loop3A_340 : i32 to index
        %parallel_loop3A_356 = tpu.vector_load %arg6[%parallel_loop3A_354, %parallel_loop3A_355] {strides = array<i32>} : memref<16x512xf32, #tpu.memory_space<vmem>>, vector<1x16xf32>,
        %parallel_loop3A_357 = vector.shape_cast %parallel_loop3A_356 : vector<1x16xf32> to vector<16xf32>
        %parallel_loop3A_358 = arith.constant 3 : i32
        %parallel_loop3A_359 = arith.addi %parallel_loop3A_338, %parallel_loop3A_358 : i32
        %parallel_loop3A_360 = arith.index_cast %parallel_loop3A_359 : i32 to index
        %parallel_loop3A_361 = arith.index_cast %parallel_loop3A_340 : i32 to index
        %parallel_loop3A_362 = tpu.vector_load %arg6[%parallel_loop3A_360, %parallel_loop3A_361] {strides = array<i32>} : memref<16x512xf32, #tpu.memory_space<vmem>>, vector<1x16xf32>,
        %parallel_loop3A_363 = vector.shape_cast %parallel_loop3A_362 : vector<1x16xf32> to vector<16xf32>
        %parallel_loop3A_364 = arith.addf %parallel_loop3A_357, %parallel_loop3A_363 : vector<16xf32>
        %parallel_loop3A_365 = arith.constant 4 : i32
        %parallel_loop3A_366 = arith.addi %parallel_loop3A_338, %parallel_loop3A_365 : i32
        %parallel_loop3A_367 = arith.index_cast %parallel_loop3A_366 : i32 to index
        %parallel_loop3A_368 = arith.index_cast %parallel_loop3A_340 : i32 to index
        %parallel_loop3A_369 = tpu.vector_load %arg6[%parallel_loop3A_367, %parallel_loop3A_368] {strides = array<i32>} : memref<16x512xf32, #tpu.memory_space<vmem>>, vector<1x16xf32>,
        %parallel_loop3A_370 = vector.shape_cast %parallel_loop3A_369 : vector<1x16xf32> to vector<16xf32>
        %parallel_loop3A_371 = arith.constant 5 : i32
        %parallel_loop3A_372 = arith.addi %parallel_loop3A_338, %parallel_loop3A_371 : i32
        %parallel_loop3A_373 = arith.index_cast %parallel_loop3A_372 : i32 to index
        %parallel_loop3A_374 = arith.index_cast %parallel_loop3A_340 : i32 to index
        %parallel_loop3A_375 = tpu.vector_load %arg6[%parallel_loop3A_373, %parallel_loop3A_374] {strides = array<i32>} : memref<16x512xf32, #tpu.memory_space<vmem>>, vector<1x16xf32>,
        %parallel_loop3A_376 = vector.shape_cast %parallel_loop3A_375 : vector<1x16xf32> to vector<16xf32>
        %parallel_loop3A_377 = arith.addf %parallel_loop3A_370, %parallel_loop3A_376 : vector<16xf32>
        %parallel_loop3A_378 = arith.constant 6 : i32
        %parallel_loop3A_379 = arith.addi %parallel_loop3A_338, %parallel_loop3A_378 : i32
        %parallel_loop3A_380 = arith.index_cast %parallel_loop3A_379 : i32 to index
        %parallel_loop3A_381 = arith.index_cast %parallel_loop3A_340 : i32 to index
        %parallel_loop3A_382 = tpu.vector_load %arg6[%parallel_loop3A_380, %parallel_loop3A_381] {strides = array<i32>} : memref<16x512xf32, #tpu.memory_space<vmem>>, vector<1x16xf32>,
        %parallel_loop3A_383 = vector.shape_cast %parallel_loop3A_382 : vector<1x16xf32> to vector<16xf32>
        %parallel_loop3A_384 = arith.constant 7 : i32
        %parallel_loop3A_385 = arith.addi %parallel_loop3A_338, %parallel_loop3A_384 : i32
        %parallel_loop3A_386 = arith.index_cast %parallel_loop3A_385 : i32 to index
        %parallel_loop3A_387 = arith.index_cast %parallel_loop3A_340 : i32 to index
        %parallel_loop3A_388 = tpu.vector_load %arg6[%parallel_loop3A_386, %parallel_loop3A_387] {strides = array<i32>} : memref<16x512xf32, #tpu.memory_space<vmem>>, vector<1x16xf32>,
        %parallel_loop3A_389 = vector.shape_cast %parallel_loop3A_388 : vector<1x16xf32> to vector<16xf32>
        %parallel_loop3A_390 = arith.addf %parallel_loop3A_383, %parallel_loop3A_389 : vector<16xf32>
        %parallel_loop3A_391 = arith.addf %parallel_loop3A_351, %parallel_loop3A_364 : vector<16xf32>
        %parallel_loop3A_392 = arith.addf %parallel_loop3A_377, %parallel_loop3A_390 : vector<16xf32>
        %parallel_loop3A_393 = arith.addf %parallel_loop3A_391, %parallel_loop3A_392 : vector<16xf32>
        %parallel_loop3A_394 = arith.index_cast %parallel_loop3A_320 : i32 to index
        %parallel_loop3A_395 = arith.index_cast %parallel_loop3A_340 : i32 to index
        %parallel_loop3A_396 = tpu.vector_load %arg14[%parallel_loop3A_394, %parallel_loop3A_395] {strides = array<i32>} : memref<2x512xf32, #tpu.memory_space<vmem>>, vector<1x16xf32>,
        %parallel_loop3A_397 = vector.shape_cast %parallel_loop3A_396 : vector<1x16xf32> to vector<16xf32>
        %parallel_loop3A_398 = vector.shape_cast %parallel_loop3A_393 : vector<16xf32> to vector<1x16xf32>
        tpu.vector_store %arg14[%parallel_loop3A_394, %parallel_loop3A_395], %parallel_loop3A_398 {strides = array<i32>} : memref<2x512xf32, #tpu.memory_space<vmem>>, vector<1x16xf32>,
      } {sc.loop_unroll_factor = 4 : i64, sc.parallel_access}
      %mul3A_72 = arith.constant 2 : i32
      %mul3A_73 = arith.muli %add3A_61, %mul3A_72 : i32
      %add3A_74 = arith.addi %mul3A_4, %mul3A_73 : i32
      %dma_start3A_75 = arith.constant 0 : i32
      %dma_start3A_76 = tpu.memref_slice %arg4[%add3A_74, %dma_start3A_75] : memref<8192x512xf32, #tpu.memory_space<hbm>> -> memref<2x512xf32, #tpu.memory_space<hbm>>
      %dma_start3A_77 = arith.constant 0 : i32
      %dma_start3A_78 = tpu.memref_slice %arg4[%add3A_74, %dma_start3A_77] : memref<8192x512xf32, #tpu.memory_space<hbm>> -> memref<2x512xf32, #tpu.memory_space<hbm>>
      tpu.enqueue_dma source(%arg14 : memref<2x512xf32, #tpu.memory_space<vmem>>) target(%dma_start3A_78 : memref<2x512xf32, #tpu.memory_space<hbm>>) target_semaphore(%arg24 : memref<!tpu.dma_semaphore, #tpu.memory_space<semaphore_mem>>)
      %add3A_79 = arith.constant 7 : i32
      %add3A_80 = arith.addi %add3A_61, %add3A_79 : i32
      %lt3A = arith.constant 128 : i32
      %lt3A_81 = arith.cmpi slt, %add3A_80, %lt3A : i32
      %convert_element_type3A_82 = arith.extui %lt3A_81 : i1 to i32
      %cond3A_83 = arith.constant 0 : i32
      %cond3A_84 = arith.cmpi ne, %convert_element_type3A_82, %cond3A_83 : i32
      scf.if %cond3A_84 {
        %add3A_296 = arith.constant 7 : i32
        %add3A_297 = arith.addi %add3A_61, %add3A_296 : i32
        %mul3A_298 = arith.constant 16 : i32
        %mul3A_299 = arith.muli %add3A_297, %mul3A_298 : i32
        %dma_start3A_300 = tpu.memref_slice %arg5[%mul3A_299] : memref<2048xi32, #tpu.memory_space<vmem>> -> memref<16xi32, #tpu.memory_space<vmem>>
        %dma_start3A_301 = arith.constant 0 : i32
        %dma_start3A_302 = arith.constant 0 : i32
        %dma_start3A_303 = tpu.memref_slice %arg2[%dma_start3A_301, %dma_start3A_302] : memref<32768x512xf32, #tpu.memory_space<hbm>> -> memref<32768x512xf32, #tpu.memory_space<hbm>>
        tpu.enqueue_indirect_dma source(%dma_start3A_303 : memref<32768x512xf32, #tpu.memory_space<hbm>>) target(%arg13 : memref<16x512xf32, #tpu.memory_space<vmem>>) offsets(%dma_start3A_300 : memref<16xi32, #tpu.memory_space<vmem>>) semaphore(%arg23 : memref<!tpu.dma_semaphore, #tpu.memory_space<semaphore_mem>>)
      } else {
      }
      %add3A_85 = arith.constant 1 : i32
      %add3A_86 = arith.addi %mul3A_59, %add3A_85 : i32
      %dma_wait3A_87 = arith.constant 0 : i32
      %dma_wait3A_88 = arith.constant 0 : i32
      %dma_wait3A_89 = tpu.memref_slice %arg2[%dma_wait3A_87, %dma_wait3A_88] : memref<32768x512xf32, #tpu.memory_space<hbm>> -> memref<16x512xf32, #tpu.memory_space<hbm>>
      %dma_wait3A_90 = arith.constant 0 : i32
      %dma_wait3A_91 = arith.constant 0 : i32
      %dma_wait3A_92 = tpu.memref_slice %arg2[%dma_wait3A_90, %dma_wait3A_91] : memref<32768x512xf32, #tpu.memory_space<hbm>> -> memref<16x512xf32, #tpu.memory_space<hbm>>
      tpu.wait_dma2 semaphore(%arg17 : memref<!tpu.dma_semaphore, #tpu.memory_space<semaphore_mem>>) src(%dma_wait3A_92 : memref<16x512xf32, #tpu.memory_space<hbm>>) dst(%arg7 : memref<16x512xf32, #tpu.memory_space<vmem>>)
      %ge3A_93 = arith.constant 2 : i32
      %ge3A_94 = arith.cmpi sge, %add3A_86, %ge3A_93 : i32
      %convert_element_type3A_95 = arith.extui %ge3A_94 : i1 to i32
      %cond3A_96 = arith.constant 0 : i32
      %cond3A_97 = arith.cmpi ne, %convert_element_type3A_95, %cond3A_96 : i32
      scf.if %cond3A_97 {
        %dma_wait3A_296 = arith.constant 0 : i32
        %dma_wait3A_297 = arith.constant 0 : i32
        %dma_wait3A_298 = tpu.memref_slice %arg4[%dma_wait3A_296, %dma_wait3A_297] : memref<8192x512xf32, #tpu.memory_space<hbm>> -> memref<2x512xf32, #tpu.memory_space<hbm>>
        %dma_wait3A_299 = arith.constant 0 : i32
        %dma_wait3A_300 = arith.constant 0 : i32
        %dma_wait3A_301 = tpu.memref_slice %arg4[%dma_wait3A_299, %dma_wait3A_300] : memref<8192x512xf32, #tpu.memory_space<hbm>> -> memref<2x512xf32, #tpu.memory_space<hbm>>
        tpu.wait_dma2 semaphore(%arg25 : memref<!tpu.dma_semaphore, #tpu.memory_space<semaphore_mem>>) src(%dma_wait3A_301 : memref<2x512xf32, #tpu.memory_space<hbm>>) dst(%arg15 : memref<2x512xf32, #tpu.memory_space<vmem>>)
      } else {
      }
      %parallel_loop3A_98 = arith.constant 0 : i32
      %parallel_loop3A_99 = arith.constant 64 : i32
      %parallel_loop3A_100 = arith.constant 1 : i32
      scf.for %parallel_loop3A_296 = %parallel_loop3A_98 to %parallel_loop3A_99 step %parallel_loop3A_100  : i32 {
        %parallel_loop3A_297 = arith.constant 32 : i32
        %parallel_loop3A_298 = arith.divsi %parallel_loop3A_296, %parallel_loop3A_297 : i32
        %parallel_loop3A_299 = arith.constant 0 : i32
        %parallel_loop3A_300 = arith.cmpi sgt, %parallel_loop3A_296, %parallel_loop3A_299 : i32
        %parallel_loop3A_301 = arith.extui %parallel_loop3A_300 : i1 to i32
        %parallel_loop3A_302 = arith.constant 0 : i32
        %parallel_loop3A_303 = arith.cmpi slt, %parallel_loop3A_296, %parallel_loop3A_302 : i32
        %parallel_loop3A_304 = arith.extui %parallel_loop3A_303 : i1 to i32
        %parallel_loop3A_305 = arith.subi %parallel_loop3A_301, %parallel_loop3A_304 : i32
        %parallel_loop3A_306 = arith.constant 0 : i32
        %parallel_loop3A_307 = arith.cmpi sgt, %parallel_loop3A_297, %parallel_loop3A_306 : i32
        %parallel_loop3A_308 = arith.extui %parallel_loop3A_307 : i1 to i32
        %parallel_loop3A_309 = arith.constant 0 : i32
        %parallel_loop3A_310 = arith.cmpi slt, %parallel_loop3A_297, %parallel_loop3A_309 : i32
        %parallel_loop3A_311 = arith.extui %parallel_loop3A_310 : i1 to i32
        %parallel_loop3A_312 = arith.subi %parallel_loop3A_308, %parallel_loop3A_311 : i32
        %parallel_loop3A_313 = arith.cmpi ne, %parallel_loop3A_305, %parallel_loop3A_312 : i32
        %parallel_loop3A_314 = arith.remsi %parallel_loop3A_296, %parallel_loop3A_297 : i32
        %parallel_loop3A_315 = arith.constant 0 : i32
        %parallel_loop3A_316 = arith.cmpi ne, %parallel_loop3A_314, %parallel_loop3A_315 : i32
        %parallel_loop3A_317 = arith.andi %parallel_loop3A_313, %parallel_loop3A_316 : i1
        %parallel_loop3A_318 = arith.constant 1 : i32
        %parallel_loop3A_319 = arith.subi %parallel_loop3A_298, %parallel_loop3A_318 : i32
        %parallel_loop3A_320 = arith.select %parallel_loop3A_317, %parallel_loop3A_319, %parallel_loop3A_298 : i32
        %parallel_loop3A_321 = arith.constant 32 : i32
        %parallel_loop3A_322 = arith.constant 0 : i32
        %parallel_loop3A_323 = arith.cmpi eq, %parallel_loop3A_321, %parallel_loop3A_322 : i32
        %parallel_loop3A_324 = arith.constant 1 : i32
        %parallel_loop3A_325 = arith.select %parallel_loop3A_323, %parallel_loop3A_324, %parallel_loop3A_321 : i32
        %parallel_loop3A_326 = arith.remsi %parallel_loop3A_296, %parallel_loop3A_325 : i32
        %parallel_loop3A_327 = arith.constant 0 : i32
        %parallel_loop3A_328 = arith.cmpi ne, %parallel_loop3A_326, %parallel_loop3A_327 : i32
        %parallel_loop3A_329 = arith.constant 0 : i32
        %parallel_loop3A_330 = arith.cmpi slt, %parallel_loop3A_326, %parallel_loop3A_329 : i32
        %parallel_loop3A_331 = arith.constant 0 : i32
        %parallel_loop3A_332 = arith.cmpi slt, %parallel_loop3A_325, %parallel_loop3A_331 : i32
        %parallel_loop3A_333 = arith.xori %parallel_loop3A_330, %parallel_loop3A_332 : i1
        %parallel_loop3A_334 = arith.andi %parallel_loop3A_333, %parallel_loop3A_328 : i1
        %parallel_loop3A_335 = arith.addi %parallel_loop3A_326, %parallel_loop3A_325 : i32
        %parallel_loop3A_336 = arith.select %parallel_loop3A_334, %parallel_loop3A_335, %parallel_loop3A_326 : i32
        %parallel_loop3A_337 = arith.constant 8 : i32
        %parallel_loop3A_338 = arith.muli %parallel_loop3A_320, %parallel_loop3A_337 : i32
        %parallel_loop3A_339 = arith.constant 16 : i32
        %parallel_loop3A_340 = arith.muli %parallel_loop3A_336, %parallel_loop3A_339 : i32
        %parallel_loop3A_341 = arith.index_cast %parallel_loop3A_338 : i32 to index
        %parallel_loop3A_342 = arith.index_cast %parallel_loop3A_340 : i32 to index
        %parallel_loop3A_343 = tpu.vector_load %arg7[%parallel_loop3A_341, %parallel_loop3A_342] {strides = array<i32>} : memref<16x512xf32, #tpu.memory_space<vmem>>, vector<1x16xf32>,
        %parallel_loop3A_344 = vector.shape_cast %parallel_loop3A_343 : vector<1x16xf32> to vector<16xf32>
        %parallel_loop3A_345 = arith.constant 1 : i32
        %parallel_loop3A_346 = arith.addi %parallel_loop3A_338, %parallel_loop3A_345 : i32
        %parallel_loop3A_347 = arith.index_cast %parallel_loop3A_346 : i32 to index
        %parallel_loop3A_348 = arith.index_cast %parallel_loop3A_340 : i32 to index
        %parallel_loop3A_349 = tpu.vector_load %arg7[%parallel_loop3A_347, %parallel_loop3A_348] {strides = array<i32>} : memref<16x512xf32, #tpu.memory_space<vmem>>, vector<1x16xf32>,
        %parallel_loop3A_350 = vector.shape_cast %parallel_loop3A_349 : vector<1x16xf32> to vector<16xf32>
        %parallel_loop3A_351 = arith.addf %parallel_loop3A_344, %parallel_loop3A_350 : vector<16xf32>
        %parallel_loop3A_352 = arith.constant 2 : i32
        %parallel_loop3A_353 = arith.addi %parallel_loop3A_338, %parallel_loop3A_352 : i32
        %parallel_loop3A_354 = arith.index_cast %parallel_loop3A_353 : i32 to index
        %parallel_loop3A_355 = arith.index_cast %parallel_loop3A_340 : i32 to index
        %parallel_loop3A_356 = tpu.vector_load %arg7[%parallel_loop3A_354, %parallel_loop3A_355] {strides = array<i32>} : memref<16x512xf32, #tpu.memory_space<vmem>>, vector<1x16xf32>,
        %parallel_loop3A_357 = vector.shape_cast %parallel_loop3A_356 : vector<1x16xf32> to vector<16xf32>
        %parallel_loop3A_358 = arith.constant 3 : i32
        %parallel_loop3A_359 = arith.addi %parallel_loop3A_338, %parallel_loop3A_358 : i32
        %parallel_loop3A_360 = arith.index_cast %parallel_loop3A_359 : i32 to index
        %parallel_loop3A_361 = arith.index_cast %parallel_loop3A_340 : i32 to index
        %parallel_loop3A_362 = tpu.vector_load %arg7[%parallel_loop3A_360, %parallel_loop3A_361] {strides = array<i32>} : memref<16x512xf32, #tpu.memory_space<vmem>>, vector<1x16xf32>,
        %parallel_loop3A_363 = vector.shape_cast %parallel_loop3A_362 : vector<1x16xf32> to vector<16xf32>
        %parallel_loop3A_364 = arith.addf %parallel_loop3A_357, %parallel_loop3A_363 : vector<16xf32>
        %parallel_loop3A_365 = arith.constant 4 : i32
        %parallel_loop3A_366 = arith.addi %parallel_loop3A_338, %parallel_loop3A_365 : i32
        %parallel_loop3A_367 = arith.index_cast %parallel_loop3A_366 : i32 to index
        %parallel_loop3A_368 = arith.index_cast %parallel_loop3A_340 : i32 to index
        %parallel_loop3A_369 = tpu.vector_load %arg7[%parallel_loop3A_367, %parallel_loop3A_368] {strides = array<i32>} : memref<16x512xf32, #tpu.memory_space<vmem>>, vector<1x16xf32>,
        %parallel_loop3A_370 = vector.shape_cast %parallel_loop3A_369 : vector<1x16xf32> to vector<16xf32>
        %parallel_loop3A_371 = arith.constant 5 : i32
        %parallel_loop3A_372 = arith.addi %parallel_loop3A_338, %parallel_loop3A_371 : i32
        %parallel_loop3A_373 = arith.index_cast %parallel_loop3A_372 : i32 to index
        %parallel_loop3A_374 = arith.index_cast %parallel_loop3A_340 : i32 to index
        %parallel_loop3A_375 = tpu.vector_load %arg7[%parallel_loop3A_373, %parallel_loop3A_374] {strides = array<i32>} : memref<16x512xf32, #tpu.memory_space<vmem>>, vector<1x16xf32>,
        %parallel_loop3A_376 = vector.shape_cast %parallel_loop3A_375 : vector<1x16xf32> to vector<16xf32>
        %parallel_loop3A_377 = arith.addf %parallel_loop3A_370, %parallel_loop3A_376 : vector<16xf32>
        %parallel_loop3A_378 = arith.constant 6 : i32
        %parallel_loop3A_379 = arith.addi %parallel_loop3A_338, %parallel_loop3A_378 : i32
        %parallel_loop3A_380 = arith.index_cast %parallel_loop3A_379 : i32 to index
        %parallel_loop3A_381 = arith.index_cast %parallel_loop3A_340 : i32 to index
        %parallel_loop3A_382 = tpu.vector_load %arg7[%parallel_loop3A_380, %parallel_loop3A_381] {strides = array<i32>} : memref<16x512xf32, #tpu.memory_space<vmem>>, vector<1x16xf32>,
        %parallel_loop3A_383 = vector.shape_cast %parallel_loop3A_382 : vector<1x16xf32> to vector<16xf32>
        %parallel_loop3A_384 = arith.constant 7 : i32
        %parallel_loop3A_385 = arith.addi %parallel_loop3A_338, %parallel_loop3A_384 : i32
        %parallel_loop3A_386 = arith.index_cast %parallel_loop3A_385 : i32 to index
        %parallel_loop3A_387 = arith.index_cast %parallel_loop3A_340 : i32 to index
        %parallel_loop3A_388 = tpu.vector_load %arg7[%parallel_loop3A_386, %parallel_loop3A_387] {strides = array<i32>} : memref<16x512xf32, #tpu.memory_space<vmem>>, vector<1x16xf32>,
        %parallel_loop3A_389 = vector.shape_cast %parallel_loop3A_388 : vector<1x16xf32> to vector<16xf32>
        %parallel_loop3A_390 = arith.addf %parallel_loop3A_383, %parallel_loop3A_389 : vector<16xf32>
        %parallel_loop3A_391 = arith.addf %parallel_loop3A_351, %parallel_loop3A_364 : vector<16xf32>
        %parallel_loop3A_392 = arith.addf %parallel_loop3A_377, %parallel_loop3A_390 : vector<16xf32>
        %parallel_loop3A_393 = arith.addf %parallel_loop3A_391, %parallel_loop3A_392 : vector<16xf32>
        %parallel_loop3A_394 = arith.index_cast %parallel_loop3A_320 : i32 to index
        %parallel_loop3A_395 = arith.index_cast %parallel_loop3A_340 : i32 to index
        %parallel_loop3A_396 = tpu.vector_load %arg15[%parallel_loop3A_394, %parallel_loop3A_395] {strides = array<i32>} : memref<2x512xf32, #tpu.memory_space<vmem>>, vector<1x16xf32>,
        %parallel_loop3A_397 = vector.shape_cast %parallel_loop3A_396 : vector<1x16xf32> to vector<16xf32>
        %parallel_loop3A_398 = vector.shape_cast %parallel_loop3A_393 : vector<16xf32> to vector<1x16xf32>
        tpu.vector_store %arg15[%parallel_loop3A_394, %parallel_loop3A_395], %parallel_loop3A_398 {strides = array<i32>} : memref<2x512xf32, #tpu.memory_space<vmem>>, vector<1x16xf32>,
      } {sc.loop_unroll_factor = 4 : i64, sc.parallel_access}
      %mul3A_101 = arith.constant 2 : i32
      %mul3A_102 = arith.muli %add3A_86, %mul3A_101 : i32
      %add3A_103 = arith.addi %mul3A_4, %mul3A_102 : i32
      %dma_start3A_104 = arith.constant 0 : i32
      %dma_start3A_105 = tpu.memref_slice %arg4[%add3A_103, %dma_start3A_104] : memref<8192x512xf32, #tpu.memory_space<hbm>> -> memref<2x512xf32, #tpu.memory_space<hbm>>
      %dma_start3A_106 = arith.constant 0 : i32
      %dma_start3A_107 = tpu.memref_slice %arg4[%add3A_103, %dma_start3A_106] : memref<8192x512xf32, #tpu.memory_space<hbm>> -> memref<2x512xf32, #tpu.memory_space<hbm>>
      tpu.enqueue_dma source(%arg15 : memref<2x512xf32, #tpu.memory_space<vmem>>) target(%dma_start3A_107 : memref<2x512xf32, #tpu.memory_space<hbm>>) target_semaphore(%arg25 : memref<!tpu.dma_semaphore, #tpu.memory_space<semaphore_mem>>)
      %add3A_108 = arith.constant 7 : i32
      %add3A_109 = arith.addi %add3A_86, %add3A_108 : i32
      %lt3A_110 = arith.constant 128 : i32
      %lt3A_111 = arith.cmpi slt, %add3A_109, %lt3A_110 : i32
      %convert_element_type3A_112 = arith.extui %lt3A_111 : i1 to i32
      %cond3A_113 = arith.constant 0 : i32
      %cond3A_114 = arith.cmpi ne, %convert_element_type3A_112, %cond3A_113 : i32
      scf.if %cond3A_114 {
        %add3A_296 = arith.constant 7 : i32
        %add3A_297 = arith.addi %add3A_86, %add3A_296 : i32
        %mul3A_298 = arith.constant 16 : i32
        %mul3A_299 = arith.muli %add3A_297, %mul3A_298 : i32
        %dma_start3A_300 = tpu.memref_slice %arg5[%mul3A_299] : memref<2048xi32, #tpu.memory_space<vmem>> -> memref<16xi32, #tpu.memory_space<vmem>>
        %dma_start3A_301 = arith.constant 0 : i32
        %dma_start3A_302 = arith.constant 0 : i32
        %dma_start3A_303 = tpu.memref_slice %arg2[%dma_start3A_301, %dma_start3A_302] : memref<32768x512xf32, #tpu.memory_space<hbm>> -> memref<32768x512xf32, #tpu.memory_space<hbm>>
        tpu.enqueue_indirect_dma source(%dma_start3A_303 : memref<32768x512xf32, #tpu.memory_space<hbm>>) target(%arg6 : memref<16x512xf32, #tpu.memory_space<vmem>>) offsets(%dma_start3A_300 : memref<16xi32, #tpu.memory_space<vmem>>) semaphore(%arg16 : memref<!tpu.dma_semaphore, #tpu.memory_space<semaphore_mem>>)
      } else {
      }
      %add3A_115 = arith.constant 2 : i32
      %add3A_116 = arith.addi %mul3A_59, %add3A_115 : i32
      %dma_wait3A_117 = arith.constant 0 : i32
      %dma_wait3A_118 = arith.constant 0 : i32
      %dma_wait3A_119 = tpu.memref_slice %arg2[%dma_wait3A_117, %dma_wait3A_118] : memref<32768x512xf32, #tpu.memory_space<hbm>> -> memref<16x512xf32, #tpu.memory_space<hbm>>
      %dma_wait3A_120 = arith.constant 0 : i32
      %dma_wait3A_121 = arith.constant 0 : i32
      %dma_wait3A_122 = tpu.memref_slice %arg2[%dma_wait3A_120, %dma_wait3A_121] : memref<32768x512xf32, #tpu.memory_space<hbm>> -> memref<16x512xf32, #tpu.memory_space<hbm>>
      tpu.wait_dma2 semaphore(%arg18 : memref<!tpu.dma_semaphore, #tpu.memory_space<semaphore_mem>>) src(%dma_wait3A_122 : memref<16x512xf32, #tpu.memory_space<hbm>>) dst(%arg8 : memref<16x512xf32, #tpu.memory_space<vmem>>)
      %ge3A_123 = arith.constant 2 : i32
      %ge3A_124 = arith.cmpi sge, %add3A_116, %ge3A_123 : i32
      %convert_element_type3A_125 = arith.extui %ge3A_124 : i1 to i32
      %cond3A_126 = arith.constant 0 : i32
      %cond3A_127 = arith.cmpi ne, %convert_element_type3A_125, %cond3A_126 : i32
      scf.if %cond3A_127 {
        %dma_wait3A_296 = arith.constant 0 : i32
        %dma_wait3A_297 = arith.constant 0 : i32
        %dma_wait3A_298 = tpu.memref_slice %arg4[%dma_wait3A_296, %dma_wait3A_297] : memref<8192x512xf32, #tpu.memory_space<hbm>> -> memref<2x512xf32, #tpu.memory_space<hbm>>
        %dma_wait3A_299 = arith.constant 0 : i32
        %dma_wait3A_300 = arith.constant 0 : i32
        %dma_wait3A_301 = tpu.memref_slice %arg4[%dma_wait3A_299, %dma_wait3A_300] : memref<8192x512xf32, #tpu.memory_space<hbm>> -> memref<2x512xf32, #tpu.memory_space<hbm>>
        tpu.wait_dma2 semaphore(%arg24 : memref<!tpu.dma_semaphore, #tpu.memory_space<semaphore_mem>>) src(%dma_wait3A_301 : memref<2x512xf32, #tpu.memory_space<hbm>>) dst(%arg14 : memref<2x512xf32, #tpu.memory_space<vmem>>)
      } else {
      }
      %parallel_loop3A_128 = arith.constant 0 : i32
      %parallel_loop3A_129 = arith.constant 64 : i32
      %parallel_loop3A_130 = arith.constant 1 : i32
      scf.for %parallel_loop3A_296 = %parallel_loop3A_128 to %parallel_loop3A_129 step %parallel_loop3A_130  : i32 {
        %parallel_loop3A_297 = arith.constant 32 : i32
        %parallel_loop3A_298 = arith.divsi %parallel_loop3A_296, %parallel_loop3A_297 : i32
        %parallel_loop3A_299 = arith.constant 0 : i32
        %parallel_loop3A_300 = arith.cmpi sgt, %parallel_loop3A_296, %parallel_loop3A_299 : i32
        %parallel_loop3A_301 = arith.extui %parallel_loop3A_300 : i1 to i32
        %parallel_loop3A_302 = arith.constant 0 : i32
        %parallel_loop3A_303 = arith.cmpi slt, %parallel_loop3A_296, %parallel_loop3A_302 : i32
        %parallel_loop3A_304 = arith.extui %parallel_loop3A_303 : i1 to i32
        %parallel_loop3A_305 = arith.subi %parallel_loop3A_301, %parallel_loop3A_304 : i32
        %parallel_loop3A_306 = arith.constant 0 : i32
        %parallel_loop3A_307 = arith.cmpi sgt, %parallel_loop3A_297, %parallel_loop3A_306 : i32
        %parallel_loop3A_308 = arith.extui %parallel_loop3A_307 : i1 to i32
        %parallel_loop3A_309 = arith.constant 0 : i32
        %parallel_loop3A_310 = arith.cmpi slt, %parallel_loop3A_297, %parallel_loop3A_309 : i32
        %parallel_loop3A_311 = arith.extui %parallel_loop3A_310 : i1 to i32
        %parallel_loop3A_312 = arith.subi %parallel_loop3A_308, %parallel_loop3A_311 : i32
        %parallel_loop3A_313 = arith.cmpi ne, %parallel_loop3A_305, %parallel_loop3A_312 : i32
        %parallel_loop3A_314 = arith.remsi %parallel_loop3A_296, %parallel_loop3A_297 : i32
        %parallel_loop3A_315 = arith.constant 0 : i32
        %parallel_loop3A_316 = arith.cmpi ne, %parallel_loop3A_314, %parallel_loop3A_315 : i32
        %parallel_loop3A_317 = arith.andi %parallel_loop3A_313, %parallel_loop3A_316 : i1
        %parallel_loop3A_318 = arith.constant 1 : i32
        %parallel_loop3A_319 = arith.subi %parallel_loop3A_298, %parallel_loop3A_318 : i32
        %parallel_loop3A_320 = arith.select %parallel_loop3A_317, %parallel_loop3A_319, %parallel_loop3A_298 : i32
        %parallel_loop3A_321 = arith.constant 32 : i32
        %parallel_loop3A_322 = arith.constant 0 : i32
        %parallel_loop3A_323 = arith.cmpi eq, %parallel_loop3A_321, %parallel_loop3A_322 : i32
        %parallel_loop3A_324 = arith.constant 1 : i32
        %parallel_loop3A_325 = arith.select %parallel_loop3A_323, %parallel_loop3A_324, %parallel_loop3A_321 : i32
        %parallel_loop3A_326 = arith.remsi %parallel_loop3A_296, %parallel_loop3A_325 : i32
        %parallel_loop3A_327 = arith.constant 0 : i32
        %parallel_loop3A_328 = arith.cmpi ne, %parallel_loop3A_326, %parallel_loop3A_327 : i32
        %parallel_loop3A_329 = arith.constant 0 : i32
        %parallel_loop3A_330 = arith.cmpi slt, %parallel_loop3A_326, %parallel_loop3A_329 : i32
        %parallel_loop3A_331 = arith.constant 0 : i32
        %parallel_loop3A_332 = arith.cmpi slt, %parallel_loop3A_325, %parallel_loop3A_331 : i32
        %parallel_loop3A_333 = arith.xori %parallel_loop3A_330, %parallel_loop3A_332 : i1
        %parallel_loop3A_334 = arith.andi %parallel_loop3A_333, %parallel_loop3A_328 : i1
        %parallel_loop3A_335 = arith.addi %parallel_loop3A_326, %parallel_loop3A_325 : i32
        %parallel_loop3A_336 = arith.select %parallel_loop3A_334, %parallel_loop3A_335, %parallel_loop3A_326 : i32
        %parallel_loop3A_337 = arith.constant 8 : i32
        %parallel_loop3A_338 = arith.muli %parallel_loop3A_320, %parallel_loop3A_337 : i32
        %parallel_loop3A_339 = arith.constant 16 : i32
        %parallel_loop3A_340 = arith.muli %parallel_loop3A_336, %parallel_loop3A_339 : i32
        %parallel_loop3A_341 = arith.index_cast %parallel_loop3A_338 : i32 to index
        %parallel_loop3A_342 = arith.index_cast %parallel_loop3A_340 : i32 to index
        %parallel_loop3A_343 = tpu.vector_load %arg8[%parallel_loop3A_341, %parallel_loop3A_342] {strides = array<i32>} : memref<16x512xf32, #tpu.memory_space<vmem>>, vector<1x16xf32>,
        %parallel_loop3A_344 = vector.shape_cast %parallel_loop3A_343 : vector<1x16xf32> to vector<16xf32>
        %parallel_loop3A_345 = arith.constant 1 : i32
        %parallel_loop3A_346 = arith.addi %parallel_loop3A_338, %parallel_loop3A_345 : i32
        %parallel_loop3A_347 = arith.index_cast %parallel_loop3A_346 : i32 to index
        %parallel_loop3A_348 = arith.index_cast %parallel_loop3A_340 : i32 to index
        %parallel_loop3A_349 = tpu.vector_load %arg8[%parallel_loop3A_347, %parallel_loop3A_348] {strides = array<i32>} : memref<16x512xf32, #tpu.memory_space<vmem>>, vector<1x16xf32>,
        %parallel_loop3A_350 = vector.shape_cast %parallel_loop3A_349 : vector<1x16xf32> to vector<16xf32>
        %parallel_loop3A_351 = arith.addf %parallel_loop3A_344, %parallel_loop3A_350 : vector<16xf32>
        %parallel_loop3A_352 = arith.constant 2 : i32
        %parallel_loop3A_353 = arith.addi %parallel_loop3A_338, %parallel_loop3A_352 : i32
        %parallel_loop3A_354 = arith.index_cast %parallel_loop3A_353 : i32 to index
        %parallel_loop3A_355 = arith.index_cast %parallel_loop3A_340 : i32 to index
        %parallel_loop3A_356 = tpu.vector_load %arg8[%parallel_loop3A_354, %parallel_loop3A_355] {strides = array<i32>} : memref<16x512xf32, #tpu.memory_space<vmem>>, vector<1x16xf32>,
        %parallel_loop3A_357 = vector.shape_cast %parallel_loop3A_356 : vector<1x16xf32> to vector<16xf32>
        %parallel_loop3A_358 = arith.constant 3 : i32
        %parallel_loop3A_359 = arith.addi %parallel_loop3A_338, %parallel_loop3A_358 : i32
        %parallel_loop3A_360 = arith.index_cast %parallel_loop3A_359 : i32 to index
        %parallel_loop3A_361 = arith.index_cast %parallel_loop3A_340 : i32 to index
        %parallel_loop3A_362 = tpu.vector_load %arg8[%parallel_loop3A_360, %parallel_loop3A_361] {strides = array<i32>} : memref<16x512xf32, #tpu.memory_space<vmem>>, vector<1x16xf32>,
        %parallel_loop3A_363 = vector.shape_cast %parallel_loop3A_362 : vector<1x16xf32> to vector<16xf32>
        %parallel_loop3A_364 = arith.addf %parallel_loop3A_357, %parallel_loop3A_363 : vector<16xf32>
        %parallel_loop3A_365 = arith.constant 4 : i32
        %parallel_loop3A_366 = arith.addi %parallel_loop3A_338, %parallel_loop3A_365 : i32
        %parallel_loop3A_367 = arith.index_cast %parallel_loop3A_366 : i32 to index
        %parallel_loop3A_368 = arith.index_cast %parallel_loop3A_340 : i32 to index
        %parallel_loop3A_369 = tpu.vector_load %arg8[%parallel_loop3A_367, %parallel_loop3A_368] {strides = array<i32>} : memref<16x512xf32, #tpu.memory_space<vmem>>, vector<1x16xf32>,
        %parallel_loop3A_370 = vector.shape_cast %parallel_loop3A_369 : vector<1x16xf32> to vector<16xf32>
        %parallel_loop3A_371 = arith.constant 5 : i32
        %parallel_loop3A_372 = arith.addi %parallel_loop3A_338, %parallel_loop3A_371 : i32
        %parallel_loop3A_373 = arith.index_cast %parallel_loop3A_372 : i32 to index
        %parallel_loop3A_374 = arith.index_cast %parallel_loop3A_340 : i32 to index
        %parallel_loop3A_375 = tpu.vector_load %arg8[%parallel_loop3A_373, %parallel_loop3A_374] {strides = array<i32>} : memref<16x512xf32, #tpu.memory_space<vmem>>, vector<1x16xf32>,
        %parallel_loop3A_376 = vector.shape_cast %parallel_loop3A_375 : vector<1x16xf32> to vector<16xf32>
        %parallel_loop3A_377 = arith.addf %parallel_loop3A_370, %parallel_loop3A_376 : vector<16xf32>
        %parallel_loop3A_378 = arith.constant 6 : i32
        %parallel_loop3A_379 = arith.addi %parallel_loop3A_338, %parallel_loop3A_378 : i32
        %parallel_loop3A_380 = arith.index_cast %parallel_loop3A_379 : i32 to index
        %parallel_loop3A_381 = arith.index_cast %parallel_loop3A_340 : i32 to index
        %parallel_loop3A_382 = tpu.vector_load %arg8[%parallel_loop3A_380, %parallel_loop3A_381] {strides = array<i32>} : memref<16x512xf32, #tpu.memory_space<vmem>>, vector<1x16xf32>,
        %parallel_loop3A_383 = vector.shape_cast %parallel_loop3A_382 : vector<1x16xf32> to vector<16xf32>
        %parallel_loop3A_384 = arith.constant 7 : i32
        %parallel_loop3A_385 = arith.addi %parallel_loop3A_338, %parallel_loop3A_384 : i32
        %parallel_loop3A_386 = arith.index_cast %parallel_loop3A_385 : i32 to index
        %parallel_loop3A_387 = arith.index_cast %parallel_loop3A_340 : i32 to index
        %parallel_loop3A_388 = tpu.vector_load %arg8[%parallel_loop3A_386, %parallel_loop3A_387] {strides = array<i32>} : memref<16x512xf32, #tpu.memory_space<vmem>>, vector<1x16xf32>,
        %parallel_loop3A_389 = vector.shape_cast %parallel_loop3A_388 : vector<1x16xf32> to vector<16xf32>
        %parallel_loop3A_390 = arith.addf %parallel_loop3A_383, %parallel_loop3A_389 : vector<16xf32>
        %parallel_loop3A_391 = arith.addf %parallel_loop3A_351, %parallel_loop3A_364 : vector<16xf32>
        %parallel_loop3A_392 = arith.addf %parallel_loop3A_377, %parallel_loop3A_390 : vector<16xf32>
        %parallel_loop3A_393 = arith.addf %parallel_loop3A_391, %parallel_loop3A_392 : vector<16xf32>
        %parallel_loop3A_394 = arith.index_cast %parallel_loop3A_320 : i32 to index
        %parallel_loop3A_395 = arith.index_cast %parallel_loop3A_340 : i32 to index
        %parallel_loop3A_396 = tpu.vector_load %arg14[%parallel_loop3A_394, %parallel_loop3A_395] {strides = array<i32>} : memref<2x512xf32, #tpu.memory_space<vmem>>, vector<1x16xf32>,
        %parallel_loop3A_397 = vector.shape_cast %parallel_loop3A_396 : vector<1x16xf32> to vector<16xf32>
        %parallel_loop3A_398 = vector.shape_cast %parallel_loop3A_393 : vector<16xf32> to vector<1x16xf32>
        tpu.vector_store %arg14[%parallel_loop3A_394, %parallel_loop3A_395], %parallel_loop3A_398 {strides = array<i32>} : memref<2x512xf32, #tpu.memory_space<vmem>>, vector<1x16xf32>,
      } {sc.loop_unroll_factor = 4 : i64, sc.parallel_access}
      %mul3A_131 = arith.constant 2 : i32
      %mul3A_132 = arith.muli %add3A_116, %mul3A_131 : i32
      %add3A_133 = arith.addi %mul3A_4, %mul3A_132 : i32
      %dma_start3A_134 = arith.constant 0 : i32
      %dma_start3A_135 = tpu.memref_slice %arg4[%add3A_133, %dma_start3A_134] : memref<8192x512xf32, #tpu.memory_space<hbm>> -> memref<2x512xf32, #tpu.memory_space<hbm>>
      %dma_start3A_136 = arith.constant 0 : i32
      %dma_start3A_137 = tpu.memref_slice %arg4[%add3A_133, %dma_start3A_136] : memref<8192x512xf32, #tpu.memory_space<hbm>> -> memref<2x512xf32, #tpu.memory_space<hbm>>
      tpu.enqueue_dma source(%arg14 : memref<2x512xf32, #tpu.memory_space<vmem>>) target(%dma_start3A_137 : memref<2x512xf32, #tpu.memory_space<hbm>>) target_semaphore(%arg24 : memref<!tpu.dma_semaphore, #tpu.memory_space<semaphore_mem>>)
      %add3A_138 = arith.constant 7 : i32
      %add3A_139 = arith.addi %add3A_116, %add3A_138 : i32
      %lt3A_140 = arith.constant 128 : i32
      %lt3A_141 = arith.cmpi slt, %add3A_139, %lt3A_140 : i32
      %convert_element_type3A_142 = arith.extui %lt3A_141 : i1 to i32
      %cond3A_143 = arith.constant 0 : i32
      %cond3A_144 = arith.cmpi ne, %convert_element_type3A_142, %cond3A_143 : i32
      scf.if %cond3A_144 {
        %add3A_296 = arith.constant 7 : i32
        %add3A_297 = arith.addi %add3A_116, %add3A_296 : i32
        %mul3A_298 = arith.constant 16 : i32
        %mul3A_299 = arith.muli %add3A_297, %mul3A_298 : i32
        %dma_start3A_300 = tpu.memref_slice %arg5[%mul3A_299] : memref<2048xi32, #tpu.memory_space<vmem>> -> memref<16xi32, #tpu.memory_space<vmem>>
        %dma_start3A_301 = arith.constant 0 : i32
        %dma_start3A_302 = arith.constant 0 : i32
        %dma_start3A_303 = tpu.memref_slice %arg2[%dma_start3A_301, %dma_start3A_302] : memref<32768x512xf32, #tpu.memory_space<hbm>> -> memref<32768x512xf32, #tpu.memory_space<hbm>>
        tpu.enqueue_indirect_dma source(%dma_start3A_303 : memref<32768x512xf32, #tpu.memory_space<hbm>>) target(%arg7 : memref<16x512xf32, #tpu.memory_space<vmem>>) offsets(%dma_start3A_300 : memref<16xi32, #tpu.memory_space<vmem>>) semaphore(%arg17 : memref<!tpu.dma_semaphore, #tpu.memory_space<semaphore_mem>>)
      } else {
      }
      %add3A_145 = arith.constant 3 : i32
      %add3A_146 = arith.addi %mul3A_59, %add3A_145 : i32
      %dma_wait3A_147 = arith.constant 0 : i32
      %dma_wait3A_148 = arith.constant 0 : i32
      %dma_wait3A_149 = tpu.memref_slice %arg2[%dma_wait3A_147, %dma_wait3A_148] : memref<32768x512xf32, #tpu.memory_space<hbm>> -> memref<16x512xf32, #tpu.memory_space<hbm>>
      %dma_wait3A_150 = arith.constant 0 : i32
      %dma_wait3A_151 = arith.constant 0 : i32
      %dma_wait3A_152 = tpu.memref_slice %arg2[%dma_wait3A_150, %dma_wait3A_151] : memref<32768x512xf32, #tpu.memory_space<hbm>> -> memref<16x512xf32, #tpu.memory_space<hbm>>
      tpu.wait_dma2 semaphore(%arg19 : memref<!tpu.dma_semaphore, #tpu.memory_space<semaphore_mem>>) src(%dma_wait3A_152 : memref<16x512xf32, #tpu.memory_space<hbm>>) dst(%arg9 : memref<16x512xf32, #tpu.memory_space<vmem>>)
      %ge3A_153 = arith.constant 2 : i32
      %ge3A_154 = arith.cmpi sge, %add3A_146, %ge3A_153 : i32
      %convert_element_type3A_155 = arith.extui %ge3A_154 : i1 to i32
      %cond3A_156 = arith.constant 0 : i32
      %cond3A_157 = arith.cmpi ne, %convert_element_type3A_155, %cond3A_156 : i32
      scf.if %cond3A_157 {
        %dma_wait3A_296 = arith.constant 0 : i32
        %dma_wait3A_297 = arith.constant 0 : i32
        %dma_wait3A_298 = tpu.memref_slice %arg4[%dma_wait3A_296, %dma_wait3A_297] : memref<8192x512xf32, #tpu.memory_space<hbm>> -> memref<2x512xf32, #tpu.memory_space<hbm>>
        %dma_wait3A_299 = arith.constant 0 : i32
        %dma_wait3A_300 = arith.constant 0 : i32
        %dma_wait3A_301 = tpu.memref_slice %arg4[%dma_wait3A_299, %dma_wait3A_300] : memref<8192x512xf32, #tpu.memory_space<hbm>> -> memref<2x512xf32, #tpu.memory_space<hbm>>
        tpu.wait_dma2 semaphore(%arg25 : memref<!tpu.dma_semaphore, #tpu.memory_space<semaphore_mem>>) src(%dma_wait3A_301 : memref<2x512xf32, #tpu.memory_space<hbm>>) dst(%arg15 : memref<2x512xf32, #tpu.memory_space<vmem>>)
      } else {
      }
      %parallel_loop3A_158 = arith.constant 0 : i32
      %parallel_loop3A_159 = arith.constant 64 : i32
      %parallel_loop3A_160 = arith.constant 1 : i32
      scf.for %parallel_loop3A_296 = %parallel_loop3A_158 to %parallel_loop3A_159 step %parallel_loop3A_160  : i32 {
        %parallel_loop3A_297 = arith.constant 32 : i32
        %parallel_loop3A_298 = arith.divsi %parallel_loop3A_296, %parallel_loop3A_297 : i32
        %parallel_loop3A_299 = arith.constant 0 : i32
        %parallel_loop3A_300 = arith.cmpi sgt, %parallel_loop3A_296, %parallel_loop3A_299 : i32
        %parallel_loop3A_301 = arith.extui %parallel_loop3A_300 : i1 to i32
        %parallel_loop3A_302 = arith.constant 0 : i32
        %parallel_loop3A_303 = arith.cmpi slt, %parallel_loop3A_296, %parallel_loop3A_302 : i32
        %parallel_loop3A_304 = arith.extui %parallel_loop3A_303 : i1 to i32
        %parallel_loop3A_305 = arith.subi %parallel_loop3A_301, %parallel_loop3A_304 : i32
        %parallel_loop3A_306 = arith.constant 0 : i32
        %parallel_loop3A_307 = arith.cmpi sgt, %parallel_loop3A_297, %parallel_loop3A_306 : i32
        %parallel_loop3A_308 = arith.extui %parallel_loop3A_307 : i1 to i32
        %parallel_loop3A_309 = arith.constant 0 : i32
        %parallel_loop3A_310 = arith.cmpi slt, %parallel_loop3A_297, %parallel_loop3A_309 : i32
        %parallel_loop3A_311 = arith.extui %parallel_loop3A_310 : i1 to i32
        %parallel_loop3A_312 = arith.subi %parallel_loop3A_308, %parallel_loop3A_311 : i32
        %parallel_loop3A_313 = arith.cmpi ne, %parallel_loop3A_305, %parallel_loop3A_312 : i32
        %parallel_loop3A_314 = arith.remsi %parallel_loop3A_296, %parallel_loop3A_297 : i32
        %parallel_loop3A_315 = arith.constant 0 : i32
        %parallel_loop3A_316 = arith.cmpi ne, %parallel_loop3A_314, %parallel_loop3A_315 : i32
        %parallel_loop3A_317 = arith.andi %parallel_loop3A_313, %parallel_loop3A_316 : i1
        %parallel_loop3A_318 = arith.constant 1 : i32
        %parallel_loop3A_319 = arith.subi %parallel_loop3A_298, %parallel_loop3A_318 : i32
        %parallel_loop3A_320 = arith.select %parallel_loop3A_317, %parallel_loop3A_319, %parallel_loop3A_298 : i32
        %parallel_loop3A_321 = arith.constant 32 : i32
        %parallel_loop3A_322 = arith.constant 0 : i32
        %parallel_loop3A_323 = arith.cmpi eq, %parallel_loop3A_321, %parallel_loop3A_322 : i32
        %parallel_loop3A_324 = arith.constant 1 : i32
        %parallel_loop3A_325 = arith.select %parallel_loop3A_323, %parallel_loop3A_324, %parallel_loop3A_321 : i32
        %parallel_loop3A_326 = arith.remsi %parallel_loop3A_296, %parallel_loop3A_325 : i32
        %parallel_loop3A_327 = arith.constant 0 : i32
        %parallel_loop3A_328 = arith.cmpi ne, %parallel_loop3A_326, %parallel_loop3A_327 : i32
        %parallel_loop3A_329 = arith.constant 0 : i32
        %parallel_loop3A_330 = arith.cmpi slt, %parallel_loop3A_326, %parallel_loop3A_329 : i32
        %parallel_loop3A_331 = arith.constant 0 : i32
        %parallel_loop3A_332 = arith.cmpi slt, %parallel_loop3A_325, %parallel_loop3A_331 : i32
        %parallel_loop3A_333 = arith.xori %parallel_loop3A_330, %parallel_loop3A_332 : i1
        %parallel_loop3A_334 = arith.andi %parallel_loop3A_333, %parallel_loop3A_328 : i1
        %parallel_loop3A_335 = arith.addi %parallel_loop3A_326, %parallel_loop3A_325 : i32
        %parallel_loop3A_336 = arith.select %parallel_loop3A_334, %parallel_loop3A_335, %parallel_loop3A_326 : i32
        %parallel_loop3A_337 = arith.constant 8 : i32
        %parallel_loop3A_338 = arith.muli %parallel_loop3A_320, %parallel_loop3A_337 : i32
        %parallel_loop3A_339 = arith.constant 16 : i32
        %parallel_loop3A_340 = arith.muli %parallel_loop3A_336, %parallel_loop3A_339 : i32
        %parallel_loop3A_341 = arith.index_cast %parallel_loop3A_338 : i32 to index
        %parallel_loop3A_342 = arith.index_cast %parallel_loop3A_340 : i32 to index
        %parallel_loop3A_343 = tpu.vector_load %arg9[%parallel_loop3A_341, %parallel_loop3A_342] {strides = array<i32>} : memref<16x512xf32, #tpu.memory_space<vmem>>, vector<1x16xf32>,
        %parallel_loop3A_344 = vector.shape_cast %parallel_loop3A_343 : vector<1x16xf32> to vector<16xf32>
        %parallel_loop3A_345 = arith.constant 1 : i32
        %parallel_loop3A_346 = arith.addi %parallel_loop3A_338, %parallel_loop3A_345 : i32
        %parallel_loop3A_347 = arith.index_cast %parallel_loop3A_346 : i32 to index
        %parallel_loop3A_348 = arith.index_cast %parallel_loop3A_340 : i32 to index
        %parallel_loop3A_349 = tpu.vector_load %arg9[%parallel_loop3A_347, %parallel_loop3A_348] {strides = array<i32>} : memref<16x512xf32, #tpu.memory_space<vmem>>, vector<1x16xf32>,
        %parallel_loop3A_350 = vector.shape_cast %parallel_loop3A_349 : vector<1x16xf32> to vector<16xf32>
        %parallel_loop3A_351 = arith.addf %parallel_loop3A_344, %parallel_loop3A_350 : vector<16xf32>
        %parallel_loop3A_352 = arith.constant 2 : i32
        %parallel_loop3A_353 = arith.addi %parallel_loop3A_338, %parallel_loop3A_352 : i32
        %parallel_loop3A_354 = arith.index_cast %parallel_loop3A_353 : i32 to index
        %parallel_loop3A_355 = arith.index_cast %parallel_loop3A_340 : i32 to index
        %parallel_loop3A_356 = tpu.vector_load %arg9[%parallel_loop3A_354, %parallel_loop3A_355] {strides = array<i32>} : memref<16x512xf32, #tpu.memory_space<vmem>>, vector<1x16xf32>,
        %parallel_loop3A_357 = vector.shape_cast %parallel_loop3A_356 : vector<1x16xf32> to vector<16xf32>
        %parallel_loop3A_358 = arith.constant 3 : i32
        %parallel_loop3A_359 = arith.addi %parallel_loop3A_338, %parallel_loop3A_358 : i32
        %parallel_loop3A_360 = arith.index_cast %parallel_loop3A_359 : i32 to index
        %parallel_loop3A_361 = arith.index_cast %parallel_loop3A_340 : i32 to index
        %parallel_loop3A_362 = tpu.vector_load %arg9[%parallel_loop3A_360, %parallel_loop3A_361] {strides = array<i32>} : memref<16x512xf32, #tpu.memory_space<vmem>>, vector<1x16xf32>,
        %parallel_loop3A_363 = vector.shape_cast %parallel_loop3A_362 : vector<1x16xf32> to vector<16xf32>
        %parallel_loop3A_364 = arith.addf %parallel_loop3A_357, %parallel_loop3A_363 : vector<16xf32>
        %parallel_loop3A_365 = arith.constant 4 : i32
        %parallel_loop3A_366 = arith.addi %parallel_loop3A_338, %parallel_loop3A_365 : i32
        %parallel_loop3A_367 = arith.index_cast %parallel_loop3A_366 : i32 to index
        %parallel_loop3A_368 = arith.index_cast %parallel_loop3A_340 : i32 to index
        %parallel_loop3A_369 = tpu.vector_load %arg9[%parallel_loop3A_367, %parallel_loop3A_368] {strides = array<i32>} : memref<16x512xf32, #tpu.memory_space<vmem>>, vector<1x16xf32>,
        %parallel_loop3A_370 = vector.shape_cast %parallel_loop3A_369 : vector<1x16xf32> to vector<16xf32>
        %parallel_loop3A_371 = arith.constant 5 : i32
        %parallel_loop3A_372 = arith.addi %parallel_loop3A_338, %parallel_loop3A_371 : i32
        %parallel_loop3A_373 = arith.index_cast %parallel_loop3A_372 : i32 to index
        %parallel_loop3A_374 = arith.index_cast %parallel_loop3A_340 : i32 to index
        %parallel_loop3A_375 = tpu.vector_load %arg9[%parallel_loop3A_373, %parallel_loop3A_374] {strides = array<i32>} : memref<16x512xf32, #tpu.memory_space<vmem>>, vector<1x16xf32>,
        %parallel_loop3A_376 = vector.shape_cast %parallel_loop3A_375 : vector<1x16xf32> to vector<16xf32>
        %parallel_loop3A_377 = arith.addf %parallel_loop3A_370, %parallel_loop3A_376 : vector<16xf32>
        %parallel_loop3A_378 = arith.constant 6 : i32
        %parallel_loop3A_379 = arith.addi %parallel_loop3A_338, %parallel_loop3A_378 : i32
        %parallel_loop3A_380 = arith.index_cast %parallel_loop3A_379 : i32 to index
        %parallel_loop3A_381 = arith.index_cast %parallel_loop3A_340 : i32 to index
        %parallel_loop3A_382 = tpu.vector_load %arg9[%parallel_loop3A_380, %parallel_loop3A_381] {strides = array<i32>} : memref<16x512xf32, #tpu.memory_space<vmem>>, vector<1x16xf32>,
        %parallel_loop3A_383 = vector.shape_cast %parallel_loop3A_382 : vector<1x16xf32> to vector<16xf32>
        %parallel_loop3A_384 = arith.constant 7 : i32
        %parallel_loop3A_385 = arith.addi %parallel_loop3A_338, %parallel_loop3A_384 : i32
        %parallel_loop3A_386 = arith.index_cast %parallel_loop3A_385 : i32 to index
        %parallel_loop3A_387 = arith.index_cast %parallel_loop3A_340 : i32 to index
        %parallel_loop3A_388 = tpu.vector_load %arg9[%parallel_loop3A_386, %parallel_loop3A_387] {strides = array<i32>} : memref<16x512xf32, #tpu.memory_space<vmem>>, vector<1x16xf32>,
        %parallel_loop3A_389 = vector.shape_cast %parallel_loop3A_388 : vector<1x16xf32> to vector<16xf32>
        %parallel_loop3A_390 = arith.addf %parallel_loop3A_383, %parallel_loop3A_389 : vector<16xf32>
        %parallel_loop3A_391 = arith.addf %parallel_loop3A_351, %parallel_loop3A_364 : vector<16xf32>
        %parallel_loop3A_392 = arith.addf %parallel_loop3A_377, %parallel_loop3A_390 : vector<16xf32>
        %parallel_loop3A_393 = arith.addf %parallel_loop3A_391, %parallel_loop3A_392 : vector<16xf32>
        %parallel_loop3A_394 = arith.index_cast %parallel_loop3A_320 : i32 to index
        %parallel_loop3A_395 = arith.index_cast %parallel_loop3A_340 : i32 to index
        %parallel_loop3A_396 = tpu.vector_load %arg15[%parallel_loop3A_394, %parallel_loop3A_395] {strides = array<i32>} : memref<2x512xf32, #tpu.memory_space<vmem>>, vector<1x16xf32>,
        %parallel_loop3A_397 = vector.shape_cast %parallel_loop3A_396 : vector<1x16xf32> to vector<16xf32>
        %parallel_loop3A_398 = vector.shape_cast %parallel_loop3A_393 : vector<16xf32> to vector<1x16xf32>
        tpu.vector_store %arg15[%parallel_loop3A_394, %parallel_loop3A_395], %parallel_loop3A_398 {strides = array<i32>} : memref<2x512xf32, #tpu.memory_space<vmem>>, vector<1x16xf32>,
      } {sc.loop_unroll_factor = 4 : i64, sc.parallel_access}
      %mul3A_161 = arith.constant 2 : i32
      %mul3A_162 = arith.muli %add3A_146, %mul3A_161 : i32
      %add3A_163 = arith.addi %mul3A_4, %mul3A_162 : i32
      %dma_start3A_164 = arith.constant 0 : i32
      %dma_start3A_165 = tpu.memref_slice %arg4[%add3A_163, %dma_start3A_164] : memref<8192x512xf32, #tpu.memory_space<hbm>> -> memref<2x512xf32, #tpu.memory_space<hbm>>
      %dma_start3A_166 = arith.constant 0 : i32
      %dma_start3A_167 = tpu.memref_slice %arg4[%add3A_163, %dma_start3A_166] : memref<8192x512xf32, #tpu.memory_space<hbm>> -> memref<2x512xf32, #tpu.memory_space<hbm>>
      tpu.enqueue_dma source(%arg15 : memref<2x512xf32, #tpu.memory_space<vmem>>) target(%dma_start3A_167 : memref<2x512xf32, #tpu.memory_space<hbm>>) target_semaphore(%arg25 : memref<!tpu.dma_semaphore, #tpu.memory_space<semaphore_mem>>)
      %add3A_168 = arith.constant 7 : i32
      %add3A_169 = arith.addi %add3A_146, %add3A_168 : i32
      %lt3A_170 = arith.constant 128 : i32
      %lt3A_171 = arith.cmpi slt, %add3A_169, %lt3A_170 : i32
      %convert_element_type3A_172 = arith.extui %lt3A_171 : i1 to i32
      %cond3A_173 = arith.constant 0 : i32
      %cond3A_174 = arith.cmpi ne, %convert_element_type3A_172, %cond3A_173 : i32
      scf.if %cond3A_174 {
        %add3A_296 = arith.constant 7 : i32
        %add3A_297 = arith.addi %add3A_146, %add3A_296 : i32
        %mul3A_298 = arith.constant 16 : i32
        %mul3A_299 = arith.muli %add3A_297, %mul3A_298 : i32
        %dma_start3A_300 = tpu.memref_slice %arg5[%mul3A_299] : memref<2048xi32, #tpu.memory_space<vmem>> -> memref<16xi32, #tpu.memory_space<vmem>>
        %dma_start3A_301 = arith.constant 0 : i32
        %dma_start3A_302 = arith.constant 0 : i32
        %dma_start3A_303 = tpu.memref_slice %arg2[%dma_start3A_301, %dma_start3A_302] : memref<32768x512xf32, #tpu.memory_space<hbm>> -> memref<32768x512xf32, #tpu.memory_space<hbm>>
        tpu.enqueue_indirect_dma source(%dma_start3A_303 : memref<32768x512xf32, #tpu.memory_space<hbm>>) target(%arg8 : memref<16x512xf32, #tpu.memory_space<vmem>>) offsets(%dma_start3A_300 : memref<16xi32, #tpu.memory_space<vmem>>) semaphore(%arg18 : memref<!tpu.dma_semaphore, #tpu.memory_space<semaphore_mem>>)
      } else {
      }
      %add3A_175 = arith.constant 4 : i32
      %add3A_176 = arith.addi %mul3A_59, %add3A_175 : i32
      %dma_wait3A_177 = arith.constant 0 : i32
      %dma_wait3A_178 = arith.constant 0 : i32
      %dma_wait3A_179 = tpu.memref_slice %arg2[%dma_wait3A_177, %dma_wait3A_178] : memref<32768x512xf32, #tpu.memory_space<hbm>> -> memref<16x512xf32, #tpu.memory_space<hbm>>
      %dma_wait3A_180 = arith.constant 0 : i32
      %dma_wait3A_181 = arith.constant 0 : i32
      %dma_wait3A_182 = tpu.memref_slice %arg2[%dma_wait3A_180, %dma_wait3A_181] : memref<32768x512xf32, #tpu.memory_space<hbm>> -> memref<16x512xf32, #tpu.memory_space<hbm>>
      tpu.wait_dma2 semaphore(%arg20 : memref<!tpu.dma_semaphore, #tpu.memory_space<semaphore_mem>>) src(%dma_wait3A_182 : memref<16x512xf32, #tpu.memory_space<hbm>>) dst(%arg10 : memref<16x512xf32, #tpu.memory_space<vmem>>)
      %ge3A_183 = arith.constant 2 : i32
      %ge3A_184 = arith.cmpi sge, %add3A_176, %ge3A_183 : i32
      %convert_element_type3A_185 = arith.extui %ge3A_184 : i1 to i32
      %cond3A_186 = arith.constant 0 : i32
      %cond3A_187 = arith.cmpi ne, %convert_element_type3A_185, %cond3A_186 : i32
      scf.if %cond3A_187 {
        %dma_wait3A_296 = arith.constant 0 : i32
        %dma_wait3A_297 = arith.constant 0 : i32
        %dma_wait3A_298 = tpu.memref_slice %arg4[%dma_wait3A_296, %dma_wait3A_297] : memref<8192x512xf32, #tpu.memory_space<hbm>> -> memref<2x512xf32, #tpu.memory_space<hbm>>
        %dma_wait3A_299 = arith.constant 0 : i32
        %dma_wait3A_300 = arith.constant 0 : i32
        %dma_wait3A_301 = tpu.memref_slice %arg4[%dma_wait3A_299, %dma_wait3A_300] : memref<8192x512xf32, #tpu.memory_space<hbm>> -> memref<2x512xf32, #tpu.memory_space<hbm>>
        tpu.wait_dma2 semaphore(%arg24 : memref<!tpu.dma_semaphore, #tpu.memory_space<semaphore_mem>>) src(%dma_wait3A_301 : memref<2x512xf32, #tpu.memory_space<hbm>>) dst(%arg14 : memref<2x512xf32, #tpu.memory_space<vmem>>)
      } else {
      }
      %parallel_loop3A_188 = arith.constant 0 : i32
      %parallel_loop3A_189 = arith.constant 64 : i32
      %parallel_loop3A_190 = arith.constant 1 : i32
      scf.for %parallel_loop3A_296 = %parallel_loop3A_188 to %parallel_loop3A_189 step %parallel_loop3A_190  : i32 {
        %parallel_loop3A_297 = arith.constant 32 : i32
        %parallel_loop3A_298 = arith.divsi %parallel_loop3A_296, %parallel_loop3A_297 : i32
        %parallel_loop3A_299 = arith.constant 0 : i32
        %parallel_loop3A_300 = arith.cmpi sgt, %parallel_loop3A_296, %parallel_loop3A_299 : i32
        %parallel_loop3A_301 = arith.extui %parallel_loop3A_300 : i1 to i32
        %parallel_loop3A_302 = arith.constant 0 : i32
        %parallel_loop3A_303 = arith.cmpi slt, %parallel_loop3A_296, %parallel_loop3A_302 : i32
        %parallel_loop3A_304 = arith.extui %parallel_loop3A_303 : i1 to i32
        %parallel_loop3A_305 = arith.subi %parallel_loop3A_301, %parallel_loop3A_304 : i32
        %parallel_loop3A_306 = arith.constant 0 : i32
        %parallel_loop3A_307 = arith.cmpi sgt, %parallel_loop3A_297, %parallel_loop3A_306 : i32
        %parallel_loop3A_308 = arith.extui %parallel_loop3A_307 : i1 to i32
        %parallel_loop3A_309 = arith.constant 0 : i32
        %parallel_loop3A_310 = arith.cmpi slt, %parallel_loop3A_297, %parallel_loop3A_309 : i32
        %parallel_loop3A_311 = arith.extui %parallel_loop3A_310 : i1 to i32
        %parallel_loop3A_312 = arith.subi %parallel_loop3A_308, %parallel_loop3A_311 : i32
        %parallel_loop3A_313 = arith.cmpi ne, %parallel_loop3A_305, %parallel_loop3A_312 : i32
        %parallel_loop3A_314 = arith.remsi %parallel_loop3A_296, %parallel_loop3A_297 : i32
        %parallel_loop3A_315 = arith.constant 0 : i32
        %parallel_loop3A_316 = arith.cmpi ne, %parallel_loop3A_314, %parallel_loop3A_315 : i32
        %parallel_loop3A_317 = arith.andi %parallel_loop3A_313, %parallel_loop3A_316 : i1
        %parallel_loop3A_318 = arith.constant 1 : i32
        %parallel_loop3A_319 = arith.subi %parallel_loop3A_298, %parallel_loop3A_318 : i32
        %parallel_loop3A_320 = arith.select %parallel_loop3A_317, %parallel_loop3A_319, %parallel_loop3A_298 : i32
        %parallel_loop3A_321 = arith.constant 32 : i32
        %parallel_loop3A_322 = arith.constant 0 : i32
        %parallel_loop3A_323 = arith.cmpi eq, %parallel_loop3A_321, %parallel_loop3A_322 : i32
        %parallel_loop3A_324 = arith.constant 1 : i32
        %parallel_loop3A_325 = arith.select %parallel_loop3A_323, %parallel_loop3A_324, %parallel_loop3A_321 : i32
        %parallel_loop3A_326 = arith.remsi %parallel_loop3A_296, %parallel_loop3A_325 : i32
        %parallel_loop3A_327 = arith.constant 0 : i32
        %parallel_loop3A_328 = arith.cmpi ne, %parallel_loop3A_326, %parallel_loop3A_327 : i32
        %parallel_loop3A_329 = arith.constant 0 : i32
        %parallel_loop3A_330 = arith.cmpi slt, %parallel_loop3A_326, %parallel_loop3A_329 : i32
        %parallel_loop3A_331 = arith.constant 0 : i32
        %parallel_loop3A_332 = arith.cmpi slt, %parallel_loop3A_325, %parallel_loop3A_331 : i32
        %parallel_loop3A_333 = arith.xori %parallel_loop3A_330, %parallel_loop3A_332 : i1
        %parallel_loop3A_334 = arith.andi %parallel_loop3A_333, %parallel_loop3A_328 : i1
        %parallel_loop3A_335 = arith.addi %parallel_loop3A_326, %parallel_loop3A_325 : i32
        %parallel_loop3A_336 = arith.select %parallel_loop3A_334, %parallel_loop3A_335, %parallel_loop3A_326 : i32
        %parallel_loop3A_337 = arith.constant 8 : i32
        %parallel_loop3A_338 = arith.muli %parallel_loop3A_320, %parallel_loop3A_337 : i32
        %parallel_loop3A_339 = arith.constant 16 : i32
        %parallel_loop3A_340 = arith.muli %parallel_loop3A_336, %parallel_loop3A_339 : i32
        %parallel_loop3A_341 = arith.index_cast %parallel_loop3A_338 : i32 to index
        %parallel_loop3A_342 = arith.index_cast %parallel_loop3A_340 : i32 to index
        %parallel_loop3A_343 = tpu.vector_load %arg10[%parallel_loop3A_341, %parallel_loop3A_342] {strides = array<i32>} : memref<16x512xf32, #tpu.memory_space<vmem>>, vector<1x16xf32>,
        %parallel_loop3A_344 = vector.shape_cast %parallel_loop3A_343 : vector<1x16xf32> to vector<16xf32>
        %parallel_loop3A_345 = arith.constant 1 : i32
        %parallel_loop3A_346 = arith.addi %parallel_loop3A_338, %parallel_loop3A_345 : i32
        %parallel_loop3A_347 = arith.index_cast %parallel_loop3A_346 : i32 to index
        %parallel_loop3A_348 = arith.index_cast %parallel_loop3A_340 : i32 to index
        %parallel_loop3A_349 = tpu.vector_load %arg10[%parallel_loop3A_347, %parallel_loop3A_348] {strides = array<i32>} : memref<16x512xf32, #tpu.memory_space<vmem>>, vector<1x16xf32>,
        %parallel_loop3A_350 = vector.shape_cast %parallel_loop3A_349 : vector<1x16xf32> to vector<16xf32>
        %parallel_loop3A_351 = arith.addf %parallel_loop3A_344, %parallel_loop3A_350 : vector<16xf32>
        %parallel_loop3A_352 = arith.constant 2 : i32
        %parallel_loop3A_353 = arith.addi %parallel_loop3A_338, %parallel_loop3A_352 : i32
        %parallel_loop3A_354 = arith.index_cast %parallel_loop3A_353 : i32 to index
        %parallel_loop3A_355 = arith.index_cast %parallel_loop3A_340 : i32 to index
        %parallel_loop3A_356 = tpu.vector_load %arg10[%parallel_loop3A_354, %parallel_loop3A_355] {strides = array<i32>} : memref<16x512xf32, #tpu.memory_space<vmem>>, vector<1x16xf32>,
        %parallel_loop3A_357 = vector.shape_cast %parallel_loop3A_356 : vector<1x16xf32> to vector<16xf32>
        %parallel_loop3A_358 = arith.constant 3 : i32
        %parallel_loop3A_359 = arith.addi %parallel_loop3A_338, %parallel_loop3A_358 : i32
        %parallel_loop3A_360 = arith.index_cast %parallel_loop3A_359 : i32 to index
        %parallel_loop3A_361 = arith.index_cast %parallel_loop3A_340 : i32 to index
        %parallel_loop3A_362 = tpu.vector_load %arg10[%parallel_loop3A_360, %parallel_loop3A_361] {strides = array<i32>} : memref<16x512xf32, #tpu.memory_space<vmem>>, vector<1x16xf32>,
        %parallel_loop3A_363 = vector.shape_cast %parallel_loop3A_362 : vector<1x16xf32> to vector<16xf32>
        %parallel_loop3A_364 = arith.addf %parallel_loop3A_357, %parallel_loop3A_363 : vector<16xf32>
        %parallel_loop3A_365 = arith.constant 4 : i32
        %parallel_loop3A_366 = arith.addi %parallel_loop3A_338, %parallel_loop3A_365 : i32
        %parallel_loop3A_367 = arith.index_cast %parallel_loop3A_366 : i32 to index
        %parallel_loop3A_368 = arith.index_cast %parallel_loop3A_340 : i32 to index
        %parallel_loop3A_369 = tpu.vector_load %arg10[%parallel_loop3A_367, %parallel_loop3A_368] {strides = array<i32>} : memref<16x512xf32, #tpu.memory_space<vmem>>, vector<1x16xf32>,
        %parallel_loop3A_370 = vector.shape_cast %parallel_loop3A_369 : vector<1x16xf32> to vector<16xf32>
        %parallel_loop3A_371 = arith.constant 5 : i32
        %parallel_loop3A_372 = arith.addi %parallel_loop3A_338, %parallel_loop3A_371 : i32
        %parallel_loop3A_373 = arith.index_cast %parallel_loop3A_372 : i32 to index
        %parallel_loop3A_374 = arith.index_cast %parallel_loop3A_340 : i32 to index
        %parallel_loop3A_375 = tpu.vector_load %arg10[%parallel_loop3A_373, %parallel_loop3A_374] {strides = array<i32>} : memref<16x512xf32, #tpu.memory_space<vmem>>, vector<1x16xf32>,
        %parallel_loop3A_376 = vector.shape_cast %parallel_loop3A_375 : vector<1x16xf32> to vector<16xf32>
        %parallel_loop3A_377 = arith.addf %parallel_loop3A_370, %parallel_loop3A_376 : vector<16xf32>
        %parallel_loop3A_378 = arith.constant 6 : i32
        %parallel_loop3A_379 = arith.addi %parallel_loop3A_338, %parallel_loop3A_378 : i32
        %parallel_loop3A_380 = arith.index_cast %parallel_loop3A_379 : i32 to index
        %parallel_loop3A_381 = arith.index_cast %parallel_loop3A_340 : i32 to index
        %parallel_loop3A_382 = tpu.vector_load %arg10[%parallel_loop3A_380, %parallel_loop3A_381] {strides = array<i32>} : memref<16x512xf32, #tpu.memory_space<vmem>>, vector<1x16xf32>,
        %parallel_loop3A_383 = vector.shape_cast %parallel_loop3A_382 : vector<1x16xf32> to vector<16xf32>
        %parallel_loop3A_384 = arith.constant 7 : i32
        %parallel_loop3A_385 = arith.addi %parallel_loop3A_338, %parallel_loop3A_384 : i32
        %parallel_loop3A_386 = arith.index_cast %parallel_loop3A_385 : i32 to index
        %parallel_loop3A_387 = arith.index_cast %parallel_loop3A_340 : i32 to index
        %parallel_loop3A_388 = tpu.vector_load %arg10[%parallel_loop3A_386, %parallel_loop3A_387] {strides = array<i32>} : memref<16x512xf32, #tpu.memory_space<vmem>>, vector<1x16xf32>,
        %parallel_loop3A_389 = vector.shape_cast %parallel_loop3A_388 : vector<1x16xf32> to vector<16xf32>
        %parallel_loop3A_390 = arith.addf %parallel_loop3A_383, %parallel_loop3A_389 : vector<16xf32>
        %parallel_loop3A_391 = arith.addf %parallel_loop3A_351, %parallel_loop3A_364 : vector<16xf32>
        %parallel_loop3A_392 = arith.addf %parallel_loop3A_377, %parallel_loop3A_390 : vector<16xf32>
        %parallel_loop3A_393 = arith.addf %parallel_loop3A_391, %parallel_loop3A_392 : vector<16xf32>
        %parallel_loop3A_394 = arith.index_cast %parallel_loop3A_320 : i32 to index
        %parallel_loop3A_395 = arith.index_cast %parallel_loop3A_340 : i32 to index
        %parallel_loop3A_396 = tpu.vector_load %arg14[%parallel_loop3A_394, %parallel_loop3A_395] {strides = array<i32>} : memref<2x512xf32, #tpu.memory_space<vmem>>, vector<1x16xf32>,
        %parallel_loop3A_397 = vector.shape_cast %parallel_loop3A_396 : vector<1x16xf32> to vector<16xf32>
        %parallel_loop3A_398 = vector.shape_cast %parallel_loop3A_393 : vector<16xf32> to vector<1x16xf32>
        tpu.vector_store %arg14[%parallel_loop3A_394, %parallel_loop3A_395], %parallel_loop3A_398 {strides = array<i32>} : memref<2x512xf32, #tpu.memory_space<vmem>>, vector<1x16xf32>,
      } {sc.loop_unroll_factor = 4 : i64, sc.parallel_access}
      %mul3A_191 = arith.constant 2 : i32
      %mul3A_192 = arith.muli %add3A_176, %mul3A_191 : i32
      %add3A_193 = arith.addi %mul3A_4, %mul3A_192 : i32
      %dma_start3A_194 = arith.constant 0 : i32
      %dma_start3A_195 = tpu.memref_slice %arg4[%add3A_193, %dma_start3A_194] : memref<8192x512xf32, #tpu.memory_space<hbm>> -> memref<2x512xf32, #tpu.memory_space<hbm>>
      %dma_start3A_196 = arith.constant 0 : i32
      %dma_start3A_197 = tpu.memref_slice %arg4[%add3A_193, %dma_start3A_196] : memref<8192x512xf32, #tpu.memory_space<hbm>> -> memref<2x512xf32, #tpu.memory_space<hbm>>
      tpu.enqueue_dma source(%arg14 : memref<2x512xf32, #tpu.memory_space<vmem>>) target(%dma_start3A_197 : memref<2x512xf32, #tpu.memory_space<hbm>>) target_semaphore(%arg24 : memref<!tpu.dma_semaphore, #tpu.memory_space<semaphore_mem>>)
      %add3A_198 = arith.constant 7 : i32
      %add3A_199 = arith.addi %add3A_176, %add3A_198 : i32
      %lt3A_200 = arith.constant 128 : i32
      %lt3A_201 = arith.cmpi slt, %add3A_199, %lt3A_200 : i32
      %convert_element_type3A_202 = arith.extui %lt3A_201 : i1 to i32
      %cond3A_203 = arith.constant 0 : i32
      %cond3A_204 = arith.cmpi ne, %convert_element_type3A_202, %cond3A_203 : i32
      scf.if %cond3A_204 {
        %add3A_296 = arith.constant 7 : i32
        %add3A_297 = arith.addi %add3A_176, %add3A_296 : i32
        %mul3A_298 = arith.constant 16 : i32
        %mul3A_299 = arith.muli %add3A_297, %mul3A_298 : i32
        %dma_start3A_300 = tpu.memref_slice %arg5[%mul3A_299] : memref<2048xi32, #tpu.memory_space<vmem>> -> memref<16xi32, #tpu.memory_space<vmem>>
        %dma_start3A_301 = arith.constant 0 : i32
        %dma_start3A_302 = arith.constant 0 : i32
        %dma_start3A_303 = tpu.memref_slice %arg2[%dma_start3A_301, %dma_start3A_302] : memref<32768x512xf32, #tpu.memory_space<hbm>> -> memref<32768x512xf32, #tpu.memory_space<hbm>>
        tpu.enqueue_indirect_dma source(%dma_start3A_303 : memref<32768x512xf32, #tpu.memory_space<hbm>>) target(%arg9 : memref<16x512xf32, #tpu.memory_space<vmem>>) offsets(%dma_start3A_300 : memref<16xi32, #tpu.memory_space<vmem>>) semaphore(%arg19 : memref<!tpu.dma_semaphore, #tpu.memory_space<semaphore_mem>>)
      } else {
      }
      %add3A_205 = arith.constant 5 : i32
      %add3A_206 = arith.addi %mul3A_59, %add3A_205 : i32
      %dma_wait3A_207 = arith.constant 0 : i32
      %dma_wait3A_208 = arith.constant 0 : i32
      %dma_wait3A_209 = tpu.memref_slice %arg2[%dma_wait3A_207, %dma_wait3A_208] : memref<32768x512xf32, #tpu.memory_space<hbm>> -> memref<16x512xf32, #tpu.memory_space<hbm>>
      %dma_wait3A_210 = arith.constant 0 : i32
      %dma_wait3A_211 = arith.constant 0 : i32
      %dma_wait3A_212 = tpu.memref_slice %arg2[%dma_wait3A_210, %dma_wait3A_211] : memref<32768x512xf32, #tpu.memory_space<hbm>> -> memref<16x512xf32, #tpu.memory_space<hbm>>
      tpu.wait_dma2 semaphore(%arg21 : memref<!tpu.dma_semaphore, #tpu.memory_space<semaphore_mem>>) src(%dma_wait3A_212 : memref<16x512xf32, #tpu.memory_space<hbm>>) dst(%arg11 : memref<16x512xf32, #tpu.memory_space<vmem>>)
      %ge3A_213 = arith.constant 2 : i32
      %ge3A_214 = arith.cmpi sge, %add3A_206, %ge3A_213 : i32
      %convert_element_type3A_215 = arith.extui %ge3A_214 : i1 to i32
      %cond3A_216 = arith.constant 0 : i32
      %cond3A_217 = arith.cmpi ne, %convert_element_type3A_215, %cond3A_216 : i32
      scf.if %cond3A_217 {
        %dma_wait3A_296 = arith.constant 0 : i32
        %dma_wait3A_297 = arith.constant 0 : i32
        %dma_wait3A_298 = tpu.memref_slice %arg4[%dma_wait3A_296, %dma_wait3A_297] : memref<8192x512xf32, #tpu.memory_space<hbm>> -> memref<2x512xf32, #tpu.memory_space<hbm>>
        %dma_wait3A_299 = arith.constant 0 : i32
        %dma_wait3A_300 = arith.constant 0 : i32
        %dma_wait3A_301 = tpu.memref_slice %arg4[%dma_wait3A_299, %dma_wait3A_300] : memref<8192x512xf32, #tpu.memory_space<hbm>> -> memref<2x512xf32, #tpu.memory_space<hbm>>
        tpu.wait_dma2 semaphore(%arg25 : memref<!tpu.dma_semaphore, #tpu.memory_space<semaphore_mem>>) src(%dma_wait3A_301 : memref<2x512xf32, #tpu.memory_space<hbm>>) dst(%arg15 : memref<2x512xf32, #tpu.memory_space<vmem>>)
      } else {
      }
      %parallel_loop3A_218 = arith.constant 0 : i32
      %parallel_loop3A_219 = arith.constant 64 : i32
      %parallel_loop3A_220 = arith.constant 1 : i32
      scf.for %parallel_loop3A_296 = %parallel_loop3A_218 to %parallel_loop3A_219 step %parallel_loop3A_220  : i32 {
        %parallel_loop3A_297 = arith.constant 32 : i32
        %parallel_loop3A_298 = arith.divsi %parallel_loop3A_296, %parallel_loop3A_297 : i32
        %parallel_loop3A_299 = arith.constant 0 : i32
        %parallel_loop3A_300 = arith.cmpi sgt, %parallel_loop3A_296, %parallel_loop3A_299 : i32
        %parallel_loop3A_301 = arith.extui %parallel_loop3A_300 : i1 to i32
        %parallel_loop3A_302 = arith.constant 0 : i32
        %parallel_loop3A_303 = arith.cmpi slt, %parallel_loop3A_296, %parallel_loop3A_302 : i32
        %parallel_loop3A_304 = arith.extui %parallel_loop3A_303 : i1 to i32
        %parallel_loop3A_305 = arith.subi %parallel_loop3A_301, %parallel_loop3A_304 : i32
        %parallel_loop3A_306 = arith.constant 0 : i32
        %parallel_loop3A_307 = arith.cmpi sgt, %parallel_loop3A_297, %parallel_loop3A_306 : i32
        %parallel_loop3A_308 = arith.extui %parallel_loop3A_307 : i1 to i32
        %parallel_loop3A_309 = arith.constant 0 : i32
        %parallel_loop3A_310 = arith.cmpi slt, %parallel_loop3A_297, %parallel_loop3A_309 : i32
        %parallel_loop3A_311 = arith.extui %parallel_loop3A_310 : i1 to i32
        %parallel_loop3A_312 = arith.subi %parallel_loop3A_308, %parallel_loop3A_311 : i32
        %parallel_loop3A_313 = arith.cmpi ne, %parallel_loop3A_305, %parallel_loop3A_312 : i32
        %parallel_loop3A_314 = arith.remsi %parallel_loop3A_296, %parallel_loop3A_297 : i32
        %parallel_loop3A_315 = arith.constant 0 : i32
        %parallel_loop3A_316 = arith.cmpi ne, %parallel_loop3A_314, %parallel_loop3A_315 : i32
        %parallel_loop3A_317 = arith.andi %parallel_loop3A_313, %parallel_loop3A_316 : i1
        %parallel_loop3A_318 = arith.constant 1 : i32
        %parallel_loop3A_319 = arith.subi %parallel_loop3A_298, %parallel_loop3A_318 : i32
        %parallel_loop3A_320 = arith.select %parallel_loop3A_317, %parallel_loop3A_319, %parallel_loop3A_298 : i32
        %parallel_loop3A_321 = arith.constant 32 : i32
        %parallel_loop3A_322 = arith.constant 0 : i32
        %parallel_loop3A_323 = arith.cmpi eq, %parallel_loop3A_321, %parallel_loop3A_322 : i32
        %parallel_loop3A_324 = arith.constant 1 : i32
        %parallel_loop3A_325 = arith.select %parallel_loop3A_323, %parallel_loop3A_324, %parallel_loop3A_321 : i32
        %parallel_loop3A_326 = arith.remsi %parallel_loop3A_296, %parallel_loop3A_325 : i32
        %parallel_loop3A_327 = arith.constant 0 : i32
        %parallel_loop3A_328 = arith.cmpi ne, %parallel_loop3A_326, %parallel_loop3A_327 : i32
        %parallel_loop3A_329 = arith.constant 0 : i32
        %parallel_loop3A_330 = arith.cmpi slt, %parallel_loop3A_326, %parallel_loop3A_329 : i32
        %parallel_loop3A_331 = arith.constant 0 : i32
        %parallel_loop3A_332 = arith.cmpi slt, %parallel_loop3A_325, %parallel_loop3A_331 : i32
        %parallel_loop3A_333 = arith.xori %parallel_loop3A_330, %parallel_loop3A_332 : i1
        %parallel_loop3A_334 = arith.andi %parallel_loop3A_333, %parallel_loop3A_328 : i1
        %parallel_loop3A_335 = arith.addi %parallel_loop3A_326, %parallel_loop3A_325 : i32
        %parallel_loop3A_336 = arith.select %parallel_loop3A_334, %parallel_loop3A_335, %parallel_loop3A_326 : i32
        %parallel_loop3A_337 = arith.constant 8 : i32
        %parallel_loop3A_338 = arith.muli %parallel_loop3A_320, %parallel_loop3A_337 : i32
        %parallel_loop3A_339 = arith.constant 16 : i32
        %parallel_loop3A_340 = arith.muli %parallel_loop3A_336, %parallel_loop3A_339 : i32
        %parallel_loop3A_341 = arith.index_cast %parallel_loop3A_338 : i32 to index
        %parallel_loop3A_342 = arith.index_cast %parallel_loop3A_340 : i32 to index
        %parallel_loop3A_343 = tpu.vector_load %arg11[%parallel_loop3A_341, %parallel_loop3A_342] {strides = array<i32>} : memref<16x512xf32, #tpu.memory_space<vmem>>, vector<1x16xf32>,
        %parallel_loop3A_344 = vector.shape_cast %parallel_loop3A_343 : vector<1x16xf32> to vector<16xf32>
        %parallel_loop3A_345 = arith.constant 1 : i32
        %parallel_loop3A_346 = arith.addi %parallel_loop3A_338, %parallel_loop3A_345 : i32
        %parallel_loop3A_347 = arith.index_cast %parallel_loop3A_346 : i32 to index
        %parallel_loop3A_348 = arith.index_cast %parallel_loop3A_340 : i32 to index
        %parallel_loop3A_349 = tpu.vector_load %arg11[%parallel_loop3A_347, %parallel_loop3A_348] {strides = array<i32>} : memref<16x512xf32, #tpu.memory_space<vmem>>, vector<1x16xf32>,
        %parallel_loop3A_350 = vector.shape_cast %parallel_loop3A_349 : vector<1x16xf32> to vector<16xf32>
        %parallel_loop3A_351 = arith.addf %parallel_loop3A_344, %parallel_loop3A_350 : vector<16xf32>
        %parallel_loop3A_352 = arith.constant 2 : i32
        %parallel_loop3A_353 = arith.addi %parallel_loop3A_338, %parallel_loop3A_352 : i32
        %parallel_loop3A_354 = arith.index_cast %parallel_loop3A_353 : i32 to index
        %parallel_loop3A_355 = arith.index_cast %parallel_loop3A_340 : i32 to index
        %parallel_loop3A_356 = tpu.vector_load %arg11[%parallel_loop3A_354, %parallel_loop3A_355] {strides = array<i32>} : memref<16x512xf32, #tpu.memory_space<vmem>>, vector<1x16xf32>,
        %parallel_loop3A_357 = vector.shape_cast %parallel_loop3A_356 : vector<1x16xf32> to vector<16xf32>
        %parallel_loop3A_358 = arith.constant 3 : i32
        %parallel_loop3A_359 = arith.addi %parallel_loop3A_338, %parallel_loop3A_358 : i32
        %parallel_loop3A_360 = arith.index_cast %parallel_loop3A_359 : i32 to index
        %parallel_loop3A_361 = arith.index_cast %parallel_loop3A_340 : i32 to index
        %parallel_loop3A_362 = tpu.vector_load %arg11[%parallel_loop3A_360, %parallel_loop3A_361] {strides = array<i32>} : memref<16x512xf32, #tpu.memory_space<vmem>>, vector<1x16xf32>,
        %parallel_loop3A_363 = vector.shape_cast %parallel_loop3A_362 : vector<1x16xf32> to vector<16xf32>
        %parallel_loop3A_364 = arith.addf %parallel_loop3A_357, %parallel_loop3A_363 : vector<16xf32>
        %parallel_loop3A_365 = arith.constant 4 : i32
        %parallel_loop3A_366 = arith.addi %parallel_loop3A_338, %parallel_loop3A_365 : i32
        %parallel_loop3A_367 = arith.index_cast %parallel_loop3A_366 : i32 to index
        %parallel_loop3A_368 = arith.index_cast %parallel_loop3A_340 : i32 to index
        %parallel_loop3A_369 = tpu.vector_load %arg11[%parallel_loop3A_367, %parallel_loop3A_368] {strides = array<i32>} : memref<16x512xf32, #tpu.memory_space<vmem>>, vector<1x16xf32>,
        %parallel_loop3A_370 = vector.shape_cast %parallel_loop3A_369 : vector<1x16xf32> to vector<16xf32>
        %parallel_loop3A_371 = arith.constant 5 : i32
        %parallel_loop3A_372 = arith.addi %parallel_loop3A_338, %parallel_loop3A_371 : i32
        %parallel_loop3A_373 = arith.index_cast %parallel_loop3A_372 : i32 to index
        %parallel_loop3A_374 = arith.index_cast %parallel_loop3A_340 : i32 to index
        %parallel_loop3A_375 = tpu.vector_load %arg11[%parallel_loop3A_373, %parallel_loop3A_374] {strides = array<i32>} : memref<16x512xf32, #tpu.memory_space<vmem>>, vector<1x16xf32>,
        %parallel_loop3A_376 = vector.shape_cast %parallel_loop3A_375 : vector<1x16xf32> to vector<16xf32>
        %parallel_loop3A_377 = arith.addf %parallel_loop3A_370, %parallel_loop3A_376 : vector<16xf32>
        %parallel_loop3A_378 = arith.constant 6 : i32
        %parallel_loop3A_379 = arith.addi %parallel_loop3A_338, %parallel_loop3A_378 : i32
        %parallel_loop3A_380 = arith.index_cast %parallel_loop3A_379 : i32 to index
        %parallel_loop3A_381 = arith.index_cast %parallel_loop3A_340 : i32 to index
        %parallel_loop3A_382 = tpu.vector_load %arg11[%parallel_loop3A_380, %parallel_loop3A_381] {strides = array<i32>} : memref<16x512xf32, #tpu.memory_space<vmem>>, vector<1x16xf32>,
        %parallel_loop3A_383 = vector.shape_cast %parallel_loop3A_382 : vector<1x16xf32> to vector<16xf32>
        %parallel_loop3A_384 = arith.constant 7 : i32
        %parallel_loop3A_385 = arith.addi %parallel_loop3A_338, %parallel_loop3A_384 : i32
        %parallel_loop3A_386 = arith.index_cast %parallel_loop3A_385 : i32 to index
        %parallel_loop3A_387 = arith.index_cast %parallel_loop3A_340 : i32 to index
        %parallel_loop3A_388 = tpu.vector_load %arg11[%parallel_loop3A_386, %parallel_loop3A_387] {strides = array<i32>} : memref<16x512xf32, #tpu.memory_space<vmem>>, vector<1x16xf32>,
        %parallel_loop3A_389 = vector.shape_cast %parallel_loop3A_388 : vector<1x16xf32> to vector<16xf32>
        %parallel_loop3A_390 = arith.addf %parallel_loop3A_383, %parallel_loop3A_389 : vector<16xf32>
        %parallel_loop3A_391 = arith.addf %parallel_loop3A_351, %parallel_loop3A_364 : vector<16xf32>
        %parallel_loop3A_392 = arith.addf %parallel_loop3A_377, %parallel_loop3A_390 : vector<16xf32>
        %parallel_loop3A_393 = arith.addf %parallel_loop3A_391, %parallel_loop3A_392 : vector<16xf32>
        %parallel_loop3A_394 = arith.index_cast %parallel_loop3A_320 : i32 to index
        %parallel_loop3A_395 = arith.index_cast %parallel_loop3A_340 : i32 to index
        %parallel_loop3A_396 = tpu.vector_load %arg15[%parallel_loop3A_394, %parallel_loop3A_395] {strides = array<i32>} : memref<2x512xf32, #tpu.memory_space<vmem>>, vector<1x16xf32>,
        %parallel_loop3A_397 = vector.shape_cast %parallel_loop3A_396 : vector<1x16xf32> to vector<16xf32>
        %parallel_loop3A_398 = vector.shape_cast %parallel_loop3A_393 : vector<16xf32> to vector<1x16xf32>
        tpu.vector_store %arg15[%parallel_loop3A_394, %parallel_loop3A_395], %parallel_loop3A_398 {strides = array<i32>} : memref<2x512xf32, #tpu.memory_space<vmem>>, vector<1x16xf32>,
      } {sc.loop_unroll_factor = 4 : i64, sc.parallel_access}
      %mul3A_221 = arith.constant 2 : i32
      %mul3A_222 = arith.muli %add3A_206, %mul3A_221 : i32
      %add3A_223 = arith.addi %mul3A_4, %mul3A_222 : i32
      %dma_start3A_224 = arith.constant 0 : i32
      %dma_start3A_225 = tpu.memref_slice %arg4[%add3A_223, %dma_start3A_224] : memref<8192x512xf32, #tpu.memory_space<hbm>> -> memref<2x512xf32, #tpu.memory_space<hbm>>
      %dma_start3A_226 = arith.constant 0 : i32
      %dma_start3A_227 = tpu.memref_slice %arg4[%add3A_223, %dma_start3A_226] : memref<8192x512xf32, #tpu.memory_space<hbm>> -> memref<2x512xf32, #tpu.memory_space<hbm>>
      tpu.enqueue_dma source(%arg15 : memref<2x512xf32, #tpu.memory_space<vmem>>) target(%dma_start3A_227 : memref<2x512xf32, #tpu.memory_space<hbm>>) target_semaphore(%arg25 : memref<!tpu.dma_semaphore, #tpu.memory_space<semaphore_mem>>)
      %add3A_228 = arith.constant 7 : i32
      %add3A_229 = arith.addi %add3A_206, %add3A_228 : i32
      %lt3A_230 = arith.constant 128 : i32
      %lt3A_231 = arith.cmpi slt, %add3A_229, %lt3A_230 : i32
      %convert_element_type3A_232 = arith.extui %lt3A_231 : i1 to i32
      %cond3A_233 = arith.constant 0 : i32
      %cond3A_234 = arith.cmpi ne, %convert_element_type3A_232, %cond3A_233 : i32
      scf.if %cond3A_234 {
        %add3A_296 = arith.constant 7 : i32
        %add3A_297 = arith.addi %add3A_206, %add3A_296 : i32
        %mul3A_298 = arith.constant 16 : i32
        %mul3A_299 = arith.muli %add3A_297, %mul3A_298 : i32
        %dma_start3A_300 = tpu.memref_slice %arg5[%mul3A_299] : memref<2048xi32, #tpu.memory_space<vmem>> -> memref<16xi32, #tpu.memory_space<vmem>>
        %dma_start3A_301 = arith.constant 0 : i32
        %dma_start3A_302 = arith.constant 0 : i32
        %dma_start3A_303 = tpu.memref_slice %arg2[%dma_start3A_301, %dma_start3A_302] : memref<32768x512xf32, #tpu.memory_space<hbm>> -> memref<32768x512xf32, #tpu.memory_space<hbm>>
        tpu.enqueue_indirect_dma source(%dma_start3A_303 : memref<32768x512xf32, #tpu.memory_space<hbm>>) target(%arg10 : memref<16x512xf32, #tpu.memory_space<vmem>>) offsets(%dma_start3A_300 : memref<16xi32, #tpu.memory_space<vmem>>) semaphore(%arg20 : memref<!tpu.dma_semaphore, #tpu.memory_space<semaphore_mem>>)
      } else {
      }
      %add3A_235 = arith.constant 6 : i32
      %add3A_236 = arith.addi %mul3A_59, %add3A_235 : i32
      %dma_wait3A_237 = arith.constant 0 : i32
      %dma_wait3A_238 = arith.constant 0 : i32
      %dma_wait3A_239 = tpu.memref_slice %arg2[%dma_wait3A_237, %dma_wait3A_238] : memref<32768x512xf32, #tpu.memory_space<hbm>> -> memref<16x512xf32, #tpu.memory_space<hbm>>
      %dma_wait3A_240 = arith.constant 0 : i32
      %dma_wait3A_241 = arith.constant 0 : i32
      %dma_wait3A_242 = tpu.memref_slice %arg2[%dma_wait3A_240, %dma_wait3A_241] : memref<32768x512xf32, #tpu.memory_space<hbm>> -> memref<16x512xf32, #tpu.memory_space<hbm>>
      tpu.wait_dma2 semaphore(%arg22 : memref<!tpu.dma_semaphore, #tpu.memory_space<semaphore_mem>>) src(%dma_wait3A_242 : memref<16x512xf32, #tpu.memory_space<hbm>>) dst(%arg12 : memref<16x512xf32, #tpu.memory_space<vmem>>)
      %ge3A_243 = arith.constant 2 : i32
      %ge3A_244 = arith.cmpi sge, %add3A_236, %ge3A_243 : i32
      %convert_element_type3A_245 = arith.extui %ge3A_244 : i1 to i32
      %cond3A_246 = arith.constant 0 : i32
      %cond3A_247 = arith.cmpi ne, %convert_element_type3A_245, %cond3A_246 : i32
      scf.if %cond3A_247 {
        %dma_wait3A_296 = arith.constant 0 : i32
        %dma_wait3A_297 = arith.constant 0 : i32
        %dma_wait3A_298 = tpu.memref_slice %arg4[%dma_wait3A_296, %dma_wait3A_297] : memref<8192x512xf32, #tpu.memory_space<hbm>> -> memref<2x512xf32, #tpu.memory_space<hbm>>
        %dma_wait3A_299 = arith.constant 0 : i32
        %dma_wait3A_300 = arith.constant 0 : i32
        %dma_wait3A_301 = tpu.memref_slice %arg4[%dma_wait3A_299, %dma_wait3A_300] : memref<8192x512xf32, #tpu.memory_space<hbm>> -> memref<2x512xf32, #tpu.memory_space<hbm>>
        tpu.wait_dma2 semaphore(%arg24 : memref<!tpu.dma_semaphore, #tpu.memory_space<semaphore_mem>>) src(%dma_wait3A_301 : memref<2x512xf32, #tpu.memory_space<hbm>>) dst(%arg14 : memref<2x512xf32, #tpu.memory_space<vmem>>)
      } else {
      }
      %parallel_loop3A_248 = arith.constant 0 : i32
      %parallel_loop3A_249 = arith.constant 64 : i32
      %parallel_loop3A_250 = arith.constant 1 : i32
      scf.for %parallel_loop3A_296 = %parallel_loop3A_248 to %parallel_loop3A_249 step %parallel_loop3A_250  : i32 {
        %parallel_loop3A_297 = arith.constant 32 : i32
        %parallel_loop3A_298 = arith.divsi %parallel_loop3A_296, %parallel_loop3A_297 : i32
        %parallel_loop3A_299 = arith.constant 0 : i32
        %parallel_loop3A_300 = arith.cmpi sgt, %parallel_loop3A_296, %parallel_loop3A_299 : i32
        %parallel_loop3A_301 = arith.extui %parallel_loop3A_300 : i1 to i32
        %parallel_loop3A_302 = arith.constant 0 : i32
        %parallel_loop3A_303 = arith.cmpi slt, %parallel_loop3A_296, %parallel_loop3A_302 : i32
        %parallel_loop3A_304 = arith.extui %parallel_loop3A_303 : i1 to i32
        %parallel_loop3A_305 = arith.subi %parallel_loop3A_301, %parallel_loop3A_304 : i32
        %parallel_loop3A_306 = arith.constant 0 : i32
        %parallel_loop3A_307 = arith.cmpi sgt, %parallel_loop3A_297, %parallel_loop3A_306 : i32
        %parallel_loop3A_308 = arith.extui %parallel_loop3A_307 : i1 to i32
        %parallel_loop3A_309 = arith.constant 0 : i32
        %parallel_loop3A_310 = arith.cmpi slt, %parallel_loop3A_297, %parallel_loop3A_309 : i32
        %parallel_loop3A_311 = arith.extui %parallel_loop3A_310 : i1 to i32
        %parallel_loop3A_312 = arith.subi %parallel_loop3A_308, %parallel_loop3A_311 : i32
        %parallel_loop3A_313 = arith.cmpi ne, %parallel_loop3A_305, %parallel_loop3A_312 : i32
        %parallel_loop3A_314 = arith.remsi %parallel_loop3A_296, %parallel_loop3A_297 : i32
        %parallel_loop3A_315 = arith.constant 0 : i32
        %parallel_loop3A_316 = arith.cmpi ne, %parallel_loop3A_314, %parallel_loop3A_315 : i32
        %parallel_loop3A_317 = arith.andi %parallel_loop3A_313, %parallel_loop3A_316 : i1
        %parallel_loop3A_318 = arith.constant 1 : i32
        %parallel_loop3A_319 = arith.subi %parallel_loop3A_298, %parallel_loop3A_318 : i32
        %parallel_loop3A_320 = arith.select %parallel_loop3A_317, %parallel_loop3A_319, %parallel_loop3A_298 : i32
        %parallel_loop3A_321 = arith.constant 32 : i32
        %parallel_loop3A_322 = arith.constant 0 : i32
        %parallel_loop3A_323 = arith.cmpi eq, %parallel_loop3A_321, %parallel_loop3A_322 : i32
        %parallel_loop3A_324 = arith.constant 1 : i32
        %parallel_loop3A_325 = arith.select %parallel_loop3A_323, %parallel_loop3A_324, %parallel_loop3A_321 : i32
        %parallel_loop3A_326 = arith.remsi %parallel_loop3A_296, %parallel_loop3A_325 : i32
        %parallel_loop3A_327 = arith.constant 0 : i32
        %parallel_loop3A_328 = arith.cmpi ne, %parallel_loop3A_326, %parallel_loop3A_327 : i32
        %parallel_loop3A_329 = arith.constant 0 : i32
        %parallel_loop3A_330 = arith.cmpi slt, %parallel_loop3A_326, %parallel_loop3A_329 : i32
        %parallel_loop3A_331 = arith.constant 0 : i32
        %parallel_loop3A_332 = arith.cmpi slt, %parallel_loop3A_325, %parallel_loop3A_331 : i32
        %parallel_loop3A_333 = arith.xori %parallel_loop3A_330, %parallel_loop3A_332 : i1
        %parallel_loop3A_334 = arith.andi %parallel_loop3A_333, %parallel_loop3A_328 : i1
        %parallel_loop3A_335 = arith.addi %parallel_loop3A_326, %parallel_loop3A_325 : i32
        %parallel_loop3A_336 = arith.select %parallel_loop3A_334, %parallel_loop3A_335, %parallel_loop3A_326 : i32
        %parallel_loop3A_337 = arith.constant 8 : i32
        %parallel_loop3A_338 = arith.muli %parallel_loop3A_320, %parallel_loop3A_337 : i32
        %parallel_loop3A_339 = arith.constant 16 : i32
        %parallel_loop3A_340 = arith.muli %parallel_loop3A_336, %parallel_loop3A_339 : i32
        %parallel_loop3A_341 = arith.index_cast %parallel_loop3A_338 : i32 to index
        %parallel_loop3A_342 = arith.index_cast %parallel_loop3A_340 : i32 to index
        %parallel_loop3A_343 = tpu.vector_load %arg12[%parallel_loop3A_341, %parallel_loop3A_342] {strides = array<i32>} : memref<16x512xf32, #tpu.memory_space<vmem>>, vector<1x16xf32>,
        %parallel_loop3A_344 = vector.shape_cast %parallel_loop3A_343 : vector<1x16xf32> to vector<16xf32>
        %parallel_loop3A_345 = arith.constant 1 : i32
        %parallel_loop3A_346 = arith.addi %parallel_loop3A_338, %parallel_loop3A_345 : i32
        %parallel_loop3A_347 = arith.index_cast %parallel_loop3A_346 : i32 to index
        %parallel_loop3A_348 = arith.index_cast %parallel_loop3A_340 : i32 to index
        %parallel_loop3A_349 = tpu.vector_load %arg12[%parallel_loop3A_347, %parallel_loop3A_348] {strides = array<i32>} : memref<16x512xf32, #tpu.memory_space<vmem>>, vector<1x16xf32>,
        %parallel_loop3A_350 = vector.shape_cast %parallel_loop3A_349 : vector<1x16xf32> to vector<16xf32>
        %parallel_loop3A_351 = arith.addf %parallel_loop3A_344, %parallel_loop3A_350 : vector<16xf32>
        %parallel_loop3A_352 = arith.constant 2 : i32
        %parallel_loop3A_353 = arith.addi %parallel_loop3A_338, %parallel_loop3A_352 : i32
        %parallel_loop3A_354 = arith.index_cast %parallel_loop3A_353 : i32 to index
        %parallel_loop3A_355 = arith.index_cast %parallel_loop3A_340 : i32 to index
        %parallel_loop3A_356 = tpu.vector_load %arg12[%parallel_loop3A_354, %parallel_loop3A_355] {strides = array<i32>} : memref<16x512xf32, #tpu.memory_space<vmem>>, vector<1x16xf32>,
        %parallel_loop3A_357 = vector.shape_cast %parallel_loop3A_356 : vector<1x16xf32> to vector<16xf32>
        %parallel_loop3A_358 = arith.constant 3 : i32
        %parallel_loop3A_359 = arith.addi %parallel_loop3A_338, %parallel_loop3A_358 : i32
        %parallel_loop3A_360 = arith.index_cast %parallel_loop3A_359 : i32 to index
        %parallel_loop3A_361 = arith.index_cast %parallel_loop3A_340 : i32 to index
        %parallel_loop3A_362 = tpu.vector_load %arg12[%parallel_loop3A_360, %parallel_loop3A_361] {strides = array<i32>} : memref<16x512xf32, #tpu.memory_space<vmem>>, vector<1x16xf32>,
        %parallel_loop3A_363 = vector.shape_cast %parallel_loop3A_362 : vector<1x16xf32> to vector<16xf32>
        %parallel_loop3A_364 = arith.addf %parallel_loop3A_357, %parallel_loop3A_363 : vector<16xf32>
        %parallel_loop3A_365 = arith.constant 4 : i32
        %parallel_loop3A_366 = arith.addi %parallel_loop3A_338, %parallel_loop3A_365 : i32
        %parallel_loop3A_367 = arith.index_cast %parallel_loop3A_366 : i32 to index
        %parallel_loop3A_368 = arith.index_cast %parallel_loop3A_340 : i32 to index
        %parallel_loop3A_369 = tpu.vector_load %arg12[%parallel_loop3A_367, %parallel_loop3A_368] {strides = array<i32>} : memref<16x512xf32, #tpu.memory_space<vmem>>, vector<1x16xf32>,
        %parallel_loop3A_370 = vector.shape_cast %parallel_loop3A_369 : vector<1x16xf32> to vector<16xf32>
        %parallel_loop3A_371 = arith.constant 5 : i32
        %parallel_loop3A_372 = arith.addi %parallel_loop3A_338, %parallel_loop3A_371 : i32
        %parallel_loop3A_373 = arith.index_cast %parallel_loop3A_372 : i32 to index
        %parallel_loop3A_374 = arith.index_cast %parallel_loop3A_340 : i32 to index
        %parallel_loop3A_375 = tpu.vector_load %arg12[%parallel_loop3A_373, %parallel_loop3A_374] {strides = array<i32>} : memref<16x512xf32, #tpu.memory_space<vmem>>, vector<1x16xf32>,
        %parallel_loop3A_376 = vector.shape_cast %parallel_loop3A_375 : vector<1x16xf32> to vector<16xf32>
        %parallel_loop3A_377 = arith.addf %parallel_loop3A_370, %parallel_loop3A_376 : vector<16xf32>
        %parallel_loop3A_378 = arith.constant 6 : i32
        %parallel_loop3A_379 = arith.addi %parallel_loop3A_338, %parallel_loop3A_378 : i32
        %parallel_loop3A_380 = arith.index_cast %parallel_loop3A_379 : i32 to index
        %parallel_loop3A_381 = arith.index_cast %parallel_loop3A_340 : i32 to index
        %parallel_loop3A_382 = tpu.vector_load %arg12[%parallel_loop3A_380, %parallel_loop3A_381] {strides = array<i32>} : memref<16x512xf32, #tpu.memory_space<vmem>>, vector<1x16xf32>,
        %parallel_loop3A_383 = vector.shape_cast %parallel_loop3A_382 : vector<1x16xf32> to vector<16xf32>
        %parallel_loop3A_384 = arith.constant 7 : i32
        %parallel_loop3A_385 = arith.addi %parallel_loop3A_338, %parallel_loop3A_384 : i32
        %parallel_loop3A_386 = arith.index_cast %parallel_loop3A_385 : i32 to index
        %parallel_loop3A_387 = arith.index_cast %parallel_loop3A_340 : i32 to index
        %parallel_loop3A_388 = tpu.vector_load %arg12[%parallel_loop3A_386, %parallel_loop3A_387] {strides = array<i32>} : memref<16x512xf32, #tpu.memory_space<vmem>>, vector<1x16xf32>,
        %parallel_loop3A_389 = vector.shape_cast %parallel_loop3A_388 : vector<1x16xf32> to vector<16xf32>
        %parallel_loop3A_390 = arith.addf %parallel_loop3A_383, %parallel_loop3A_389 : vector<16xf32>
        %parallel_loop3A_391 = arith.addf %parallel_loop3A_351, %parallel_loop3A_364 : vector<16xf32>
        %parallel_loop3A_392 = arith.addf %parallel_loop3A_377, %parallel_loop3A_390 : vector<16xf32>
        %parallel_loop3A_393 = arith.addf %parallel_loop3A_391, %parallel_loop3A_392 : vector<16xf32>
        %parallel_loop3A_394 = arith.index_cast %parallel_loop3A_320 : i32 to index
        %parallel_loop3A_395 = arith.index_cast %parallel_loop3A_340 : i32 to index
        %parallel_loop3A_396 = tpu.vector_load %arg14[%parallel_loop3A_394, %parallel_loop3A_395] {strides = array<i32>} : memref<2x512xf32, #tpu.memory_space<vmem>>, vector<1x16xf32>,
        %parallel_loop3A_397 = vector.shape_cast %parallel_loop3A_396 : vector<1x16xf32> to vector<16xf32>
        %parallel_loop3A_398 = vector.shape_cast %parallel_loop3A_393 : vector<16xf32> to vector<1x16xf32>
        tpu.vector_store %arg14[%parallel_loop3A_394, %parallel_loop3A_395], %parallel_loop3A_398 {strides = array<i32>} : memref<2x512xf32, #tpu.memory_space<vmem>>, vector<1x16xf32>,
      } {sc.loop_unroll_factor = 4 : i64, sc.parallel_access}
      %mul3A_251 = arith.constant 2 : i32
      %mul3A_252 = arith.muli %add3A_236, %mul3A_251 : i32
      %add3A_253 = arith.addi %mul3A_4, %mul3A_252 : i32
      %dma_start3A_254 = arith.constant 0 : i32
      %dma_start3A_255 = tpu.memref_slice %arg4[%add3A_253, %dma_start3A_254] : memref<8192x512xf32, #tpu.memory_space<hbm>> -> memref<2x512xf32, #tpu.memory_space<hbm>>
      %dma_start3A_256 = arith.constant 0 : i32
      %dma_start3A_257 = tpu.memref_slice %arg4[%add3A_253, %dma_start3A_256] : memref<8192x512xf32, #tpu.memory_space<hbm>> -> memref<2x512xf32, #tpu.memory_space<hbm>>
      tpu.enqueue_dma source(%arg14 : memref<2x512xf32, #tpu.memory_space<vmem>>) target(%dma_start3A_257 : memref<2x512xf32, #tpu.memory_space<hbm>>) target_semaphore(%arg24 : memref<!tpu.dma_semaphore, #tpu.memory_space<semaphore_mem>>)
      %add3A_258 = arith.constant 7 : i32
      %add3A_259 = arith.addi %add3A_236, %add3A_258 : i32
      %lt3A_260 = arith.constant 128 : i32
      %lt3A_261 = arith.cmpi slt, %add3A_259, %lt3A_260 : i32
      %convert_element_type3A_262 = arith.extui %lt3A_261 : i1 to i32
      %cond3A_263 = arith.constant 0 : i32
      %cond3A_264 = arith.cmpi ne, %convert_element_type3A_262, %cond3A_263 : i32
      scf.if %cond3A_264 {
        %add3A_296 = arith.constant 7 : i32
        %add3A_297 = arith.addi %add3A_236, %add3A_296 : i32
        %mul3A_298 = arith.constant 16 : i32
        %mul3A_299 = arith.muli %add3A_297, %mul3A_298 : i32
        %dma_start3A_300 = tpu.memref_slice %arg5[%mul3A_299] : memref<2048xi32, #tpu.memory_space<vmem>> -> memref<16xi32, #tpu.memory_space<vmem>>
        %dma_start3A_301 = arith.constant 0 : i32
        %dma_start3A_302 = arith.constant 0 : i32
        %dma_start3A_303 = tpu.memref_slice %arg2[%dma_start3A_301, %dma_start3A_302] : memref<32768x512xf32, #tpu.memory_space<hbm>> -> memref<32768x512xf32, #tpu.memory_space<hbm>>
        tpu.enqueue_indirect_dma source(%dma_start3A_303 : memref<32768x512xf32, #tpu.memory_space<hbm>>) target(%arg11 : memref<16x512xf32, #tpu.memory_space<vmem>>) offsets(%dma_start3A_300 : memref<16xi32, #tpu.memory_space<vmem>>) semaphore(%arg21 : memref<!tpu.dma_semaphore, #tpu.memory_space<semaphore_mem>>)
      } else {
      }
      %add3A_265 = arith.constant 7 : i32
      %add3A_266 = arith.addi %mul3A_59, %add3A_265 : i32
      %dma_wait3A_267 = arith.constant 0 : i32
      %dma_wait3A_268 = arith.constant 0 : i32
      %dma_wait3A_269 = tpu.memref_slice %arg2[%dma_wait3A_267, %dma_wait3A_268] : memref<32768x512xf32, #tpu.memory_space<hbm>> -> memref<16x512xf32, #tpu.memory_space<hbm>>
      %dma_wait3A_270 = arith.constant 0 : i32
      %dma_wait3A_271 = arith.constant 0 : i32
      %dma_wait3A_272 = tpu.memref_slice %arg2[%dma_wait3A_270, %dma_wait3A_271] : memref<32768x512xf32, #tpu.memory_space<hbm>> -> memref<16x512xf32, #tpu.memory_space<hbm>>
      tpu.wait_dma2 semaphore(%arg23 : memref<!tpu.dma_semaphore, #tpu.memory_space<semaphore_mem>>) src(%dma_wait3A_272 : memref<16x512xf32, #tpu.memory_space<hbm>>) dst(%arg13 : memref<16x512xf32, #tpu.memory_space<vmem>>)
      %ge3A_273 = arith.constant 2 : i32
      %ge3A_274 = arith.cmpi sge, %add3A_266, %ge3A_273 : i32
      %convert_element_type3A_275 = arith.extui %ge3A_274 : i1 to i32
      %cond3A_276 = arith.constant 0 : i32
      %cond3A_277 = arith.cmpi ne, %convert_element_type3A_275, %cond3A_276 : i32
      scf.if %cond3A_277 {
        %dma_wait3A_296 = arith.constant 0 : i32
        %dma_wait3A_297 = arith.constant 0 : i32
        %dma_wait3A_298 = tpu.memref_slice %arg4[%dma_wait3A_296, %dma_wait3A_297] : memref<8192x512xf32, #tpu.memory_space<hbm>> -> memref<2x512xf32, #tpu.memory_space<hbm>>
        %dma_wait3A_299 = arith.constant 0 : i32
        %dma_wait3A_300 = arith.constant 0 : i32
        %dma_wait3A_301 = tpu.memref_slice %arg4[%dma_wait3A_299, %dma_wait3A_300] : memref<8192x512xf32, #tpu.memory_space<hbm>> -> memref<2x512xf32, #tpu.memory_space<hbm>>
        tpu.wait_dma2 semaphore(%arg25 : memref<!tpu.dma_semaphore, #tpu.memory_space<semaphore_mem>>) src(%dma_wait3A_301 : memref<2x512xf32, #tpu.memory_space<hbm>>) dst(%arg15 : memref<2x512xf32, #tpu.memory_space<vmem>>)
      } else {
      }
      %parallel_loop3A_278 = arith.constant 0 : i32
      %parallel_loop3A_279 = arith.constant 64 : i32
      %parallel_loop3A_280 = arith.constant 1 : i32
      scf.for %parallel_loop3A_296 = %parallel_loop3A_278 to %parallel_loop3A_279 step %parallel_loop3A_280  : i32 {
        %parallel_loop3A_297 = arith.constant 32 : i32
        %parallel_loop3A_298 = arith.divsi %parallel_loop3A_296, %parallel_loop3A_297 : i32
        %parallel_loop3A_299 = arith.constant 0 : i32
        %parallel_loop3A_300 = arith.cmpi sgt, %parallel_loop3A_296, %parallel_loop3A_299 : i32
        %parallel_loop3A_301 = arith.extui %parallel_loop3A_300 : i1 to i32
        %parallel_loop3A_302 = arith.constant 0 : i32
        %parallel_loop3A_303 = arith.cmpi slt, %parallel_loop3A_296, %parallel_loop3A_302 : i32
        %parallel_loop3A_304 = arith.extui %parallel_loop3A_303 : i1 to i32
        %parallel_loop3A_305 = arith.subi %parallel_loop3A_301, %parallel_loop3A_304 : i32
        %parallel_loop3A_306 = arith.constant 0 : i32
        %parallel_loop3A_307 = arith.cmpi sgt, %parallel_loop3A_297, %parallel_loop3A_306 : i32
        %parallel_loop3A_308 = arith.extui %parallel_loop3A_307 : i1 to i32
        %parallel_loop3A_309 = arith.constant 0 : i32
        %parallel_loop3A_310 = arith.cmpi slt, %parallel_loop3A_297, %parallel_loop3A_309 : i32
        %parallel_loop3A_311 = arith.extui %parallel_loop3A_310 : i1 to i32
        %parallel_loop3A_312 = arith.subi %parallel_loop3A_308, %parallel_loop3A_311 : i32
        %parallel_loop3A_313 = arith.cmpi ne, %parallel_loop3A_305, %parallel_loop3A_312 : i32
        %parallel_loop3A_314 = arith.remsi %parallel_loop3A_296, %parallel_loop3A_297 : i32
        %parallel_loop3A_315 = arith.constant 0 : i32
        %parallel_loop3A_316 = arith.cmpi ne, %parallel_loop3A_314, %parallel_loop3A_315 : i32
        %parallel_loop3A_317 = arith.andi %parallel_loop3A_313, %parallel_loop3A_316 : i1
        %parallel_loop3A_318 = arith.constant 1 : i32
        %parallel_loop3A_319 = arith.subi %parallel_loop3A_298, %parallel_loop3A_318 : i32
        %parallel_loop3A_320 = arith.select %parallel_loop3A_317, %parallel_loop3A_319, %parallel_loop3A_298 : i32
        %parallel_loop3A_321 = arith.constant 32 : i32
        %parallel_loop3A_322 = arith.constant 0 : i32
        %parallel_loop3A_323 = arith.cmpi eq, %parallel_loop3A_321, %parallel_loop3A_322 : i32
        %parallel_loop3A_324 = arith.constant 1 : i32
        %parallel_loop3A_325 = arith.select %parallel_loop3A_323, %parallel_loop3A_324, %parallel_loop3A_321 : i32
        %parallel_loop3A_326 = arith.remsi %parallel_loop3A_296, %parallel_loop3A_325 : i32
        %parallel_loop3A_327 = arith.constant 0 : i32
        %parallel_loop3A_328 = arith.cmpi ne, %parallel_loop3A_326, %parallel_loop3A_327 : i32
        %parallel_loop3A_329 = arith.constant 0 : i32
        %parallel_loop3A_330 = arith.cmpi slt, %parallel_loop3A_326, %parallel_loop3A_329 : i32
        %parallel_loop3A_331 = arith.constant 0 : i32
        %parallel_loop3A_332 = arith.cmpi slt, %parallel_loop3A_325, %parallel_loop3A_331 : i32
        %parallel_loop3A_333 = arith.xori %parallel_loop3A_330, %parallel_loop3A_332 : i1
        %parallel_loop3A_334 = arith.andi %parallel_loop3A_333, %parallel_loop3A_328 : i1
        %parallel_loop3A_335 = arith.addi %parallel_loop3A_326, %parallel_loop3A_325 : i32
        %parallel_loop3A_336 = arith.select %parallel_loop3A_334, %parallel_loop3A_335, %parallel_loop3A_326 : i32
        %parallel_loop3A_337 = arith.constant 8 : i32
        %parallel_loop3A_338 = arith.muli %parallel_loop3A_320, %parallel_loop3A_337 : i32
        %parallel_loop3A_339 = arith.constant 16 : i32
        %parallel_loop3A_340 = arith.muli %parallel_loop3A_336, %parallel_loop3A_339 : i32
        %parallel_loop3A_341 = arith.index_cast %parallel_loop3A_338 : i32 to index
        %parallel_loop3A_342 = arith.index_cast %parallel_loop3A_340 : i32 to index
        %parallel_loop3A_343 = tpu.vector_load %arg13[%parallel_loop3A_341, %parallel_loop3A_342] {strides = array<i32>} : memref<16x512xf32, #tpu.memory_space<vmem>>, vector<1x16xf32>,
        %parallel_loop3A_344 = vector.shape_cast %parallel_loop3A_343 : vector<1x16xf32> to vector<16xf32>
        %parallel_loop3A_345 = arith.constant 1 : i32
        %parallel_loop3A_346 = arith.addi %parallel_loop3A_338, %parallel_loop3A_345 : i32
        %parallel_loop3A_347 = arith.index_cast %parallel_loop3A_346 : i32 to index
        %parallel_loop3A_348 = arith.index_cast %parallel_loop3A_340 : i32 to index
        %parallel_loop3A_349 = tpu.vector_load %arg13[%parallel_loop3A_347, %parallel_loop3A_348] {strides = array<i32>} : memref<16x512xf32, #tpu.memory_space<vmem>>, vector<1x16xf32>,
        %parallel_loop3A_350 = vector.shape_cast %parallel_loop3A_349 : vector<1x16xf32> to vector<16xf32>
        %parallel_loop3A_351 = arith.addf %parallel_loop3A_344, %parallel_loop3A_350 : vector<16xf32>
        %parallel_loop3A_352 = arith.constant 2 : i32
        %parallel_loop3A_353 = arith.addi %parallel_loop3A_338, %parallel_loop3A_352 : i32
        %parallel_loop3A_354 = arith.index_cast %parallel_loop3A_353 : i32 to index
        %parallel_loop3A_355 = arith.index_cast %parallel_loop3A_340 : i32 to index
        %parallel_loop3A_356 = tpu.vector_load %arg13[%parallel_loop3A_354, %parallel_loop3A_355] {strides = array<i32>} : memref<16x512xf32, #tpu.memory_space<vmem>>, vector<1x16xf32>,
        %parallel_loop3A_357 = vector.shape_cast %parallel_loop3A_356 : vector<1x16xf32> to vector<16xf32>
        %parallel_loop3A_358 = arith.constant 3 : i32
        %parallel_loop3A_359 = arith.addi %parallel_loop3A_338, %parallel_loop3A_358 : i32
        %parallel_loop3A_360 = arith.index_cast %parallel_loop3A_359 : i32 to index
        %parallel_loop3A_361 = arith.index_cast %parallel_loop3A_340 : i32 to index
        %parallel_loop3A_362 = tpu.vector_load %arg13[%parallel_loop3A_360, %parallel_loop3A_361] {strides = array<i32>} : memref<16x512xf32, #tpu.memory_space<vmem>>, vector<1x16xf32>,
        %parallel_loop3A_363 = vector.shape_cast %parallel_loop3A_362 : vector<1x16xf32> to vector<16xf32>
        %parallel_loop3A_364 = arith.addf %parallel_loop3A_357, %parallel_loop3A_363 : vector<16xf32>
        %parallel_loop3A_365 = arith.constant 4 : i32
        %parallel_loop3A_366 = arith.addi %parallel_loop3A_338, %parallel_loop3A_365 : i32
        %parallel_loop3A_367 = arith.index_cast %parallel_loop3A_366 : i32 to index
        %parallel_loop3A_368 = arith.index_cast %parallel_loop3A_340 : i32 to index
        %parallel_loop3A_369 = tpu.vector_load %arg13[%parallel_loop3A_367, %parallel_loop3A_368] {strides = array<i32>} : memref<16x512xf32, #tpu.memory_space<vmem>>, vector<1x16xf32>,
        %parallel_loop3A_370 = vector.shape_cast %parallel_loop3A_369 : vector<1x16xf32> to vector<16xf32>
        %parallel_loop3A_371 = arith.constant 5 : i32
        %parallel_loop3A_372 = arith.addi %parallel_loop3A_338, %parallel_loop3A_371 : i32
        %parallel_loop3A_373 = arith.index_cast %parallel_loop3A_372 : i32 to index
        %parallel_loop3A_374 = arith.index_cast %parallel_loop3A_340 : i32 to index
        %parallel_loop3A_375 = tpu.vector_load %arg13[%parallel_loop3A_373, %parallel_loop3A_374] {strides = array<i32>} : memref<16x512xf32, #tpu.memory_space<vmem>>, vector<1x16xf32>,
        %parallel_loop3A_376 = vector.shape_cast %parallel_loop3A_375 : vector<1x16xf32> to vector<16xf32>
        %parallel_loop3A_377 = arith.addf %parallel_loop3A_370, %parallel_loop3A_376 : vector<16xf32>
        %parallel_loop3A_378 = arith.constant 6 : i32
        %parallel_loop3A_379 = arith.addi %parallel_loop3A_338, %parallel_loop3A_378 : i32
        %parallel_loop3A_380 = arith.index_cast %parallel_loop3A_379 : i32 to index
        %parallel_loop3A_381 = arith.index_cast %parallel_loop3A_340 : i32 to index
        %parallel_loop3A_382 = tpu.vector_load %arg13[%parallel_loop3A_380, %parallel_loop3A_381] {strides = array<i32>} : memref<16x512xf32, #tpu.memory_space<vmem>>, vector<1x16xf32>,
        %parallel_loop3A_383 = vector.shape_cast %parallel_loop3A_382 : vector<1x16xf32> to vector<16xf32>
        %parallel_loop3A_384 = arith.constant 7 : i32
        %parallel_loop3A_385 = arith.addi %parallel_loop3A_338, %parallel_loop3A_384 : i32
        %parallel_loop3A_386 = arith.index_cast %parallel_loop3A_385 : i32 to index
        %parallel_loop3A_387 = arith.index_cast %parallel_loop3A_340 : i32 to index
        %parallel_loop3A_388 = tpu.vector_load %arg13[%parallel_loop3A_386, %parallel_loop3A_387] {strides = array<i32>} : memref<16x512xf32, #tpu.memory_space<vmem>>, vector<1x16xf32>,
        %parallel_loop3A_389 = vector.shape_cast %parallel_loop3A_388 : vector<1x16xf32> to vector<16xf32>
        %parallel_loop3A_390 = arith.addf %parallel_loop3A_383, %parallel_loop3A_389 : vector<16xf32>
        %parallel_loop3A_391 = arith.addf %parallel_loop3A_351, %parallel_loop3A_364 : vector<16xf32>
        %parallel_loop3A_392 = arith.addf %parallel_loop3A_377, %parallel_loop3A_390 : vector<16xf32>
        %parallel_loop3A_393 = arith.addf %parallel_loop3A_391, %parallel_loop3A_392 : vector<16xf32>
        %parallel_loop3A_394 = arith.index_cast %parallel_loop3A_320 : i32 to index
        %parallel_loop3A_395 = arith.index_cast %parallel_loop3A_340 : i32 to index
        %parallel_loop3A_396 = tpu.vector_load %arg15[%parallel_loop3A_394, %parallel_loop3A_395] {strides = array<i32>} : memref<2x512xf32, #tpu.memory_space<vmem>>, vector<1x16xf32>,
        %parallel_loop3A_397 = vector.shape_cast %parallel_loop3A_396 : vector<1x16xf32> to vector<16xf32>
        %parallel_loop3A_398 = vector.shape_cast %parallel_loop3A_393 : vector<16xf32> to vector<1x16xf32>
        tpu.vector_store %arg15[%parallel_loop3A_394, %parallel_loop3A_395], %parallel_loop3A_398 {strides = array<i32>} : memref<2x512xf32, #tpu.memory_space<vmem>>, vector<1x16xf32>,
      } {sc.loop_unroll_factor = 4 : i64, sc.parallel_access}
      %mul3A_281 = arith.constant 2 : i32
      %mul3A_282 = arith.muli %add3A_266, %mul3A_281 : i32
      %add3A_283 = arith.addi %mul3A_4, %mul3A_282 : i32
      %dma_start3A_284 = arith.constant 0 : i32
      %dma_start3A_285 = tpu.memref_slice %arg4[%add3A_283, %dma_start3A_284] : memref<8192x512xf32, #tpu.memory_space<hbm>> -> memref<2x512xf32, #tpu.memory_space<hbm>>
      %dma_start3A_286 = arith.constant 0 : i32
      %dma_start3A_287 = tpu.memref_slice %arg4[%add3A_283, %dma_start3A_286] : memref<8192x512xf32, #tpu.memory_space<hbm>> -> memref<2x512xf32, #tpu.memory_space<hbm>>
      tpu.enqueue_dma source(%arg15 : memref<2x512xf32, #tpu.memory_space<vmem>>) target(%dma_start3A_287 : memref<2x512xf32, #tpu.memory_space<hbm>>) target_semaphore(%arg25 : memref<!tpu.dma_semaphore, #tpu.memory_space<semaphore_mem>>)
      %add3A_288 = arith.constant 7 : i32
      %add3A_289 = arith.addi %add3A_266, %add3A_288 : i32
      %lt3A_290 = arith.constant 128 : i32
      %lt3A_291 = arith.cmpi slt, %add3A_289, %lt3A_290 : i32
      %convert_element_type3A_292 = arith.extui %lt3A_291 : i1 to i32
      %cond3A_293 = arith.constant 0 : i32
      %cond3A_294 = arith.cmpi ne, %convert_element_type3A_292, %cond3A_293 : i32
      scf.if %cond3A_294 {
        %add3A_296 = arith.constant 7 : i32
        %add3A_297 = arith.addi %add3A_266, %add3A_296 : i32
        %mul3A_298 = arith.constant 16 : i32
        %mul3A_299 = arith.muli %add3A_297, %mul3A_298 : i32
        %dma_start3A_300 = tpu.memref_slice %arg5[%mul3A_299] : memref<2048xi32, #tpu.memory_space<vmem>> -> memref<16xi32, #tpu.memory_space<vmem>>
        %dma_start3A_301 = arith.constant 0 : i32
        %dma_start3A_302 = arith.constant 0 : i32
        %dma_start3A_303 = tpu.memref_slice %arg2[%dma_start3A_301, %dma_start3A_302] : memref<32768x512xf32, #tpu.memory_space<hbm>> -> memref<32768x512xf32, #tpu.memory_space<hbm>>
        tpu.enqueue_indirect_dma source(%dma_start3A_303 : memref<32768x512xf32, #tpu.memory_space<hbm>>) target(%arg12 : memref<16x512xf32, #tpu.memory_space<vmem>>) offsets(%dma_start3A_300 : memref<16xi32, #tpu.memory_space<vmem>>) semaphore(%arg22 : memref<!tpu.dma_semaphore, #tpu.memory_space<semaphore_mem>>)
      } else {
      }
      %scan3A_295 = arith.constant 0 : i32
      scf.yield %scan3A_295 : i32
    }
    %scan3A_44 = arith.constant 16 : i32
    %dma_wait3A = arith.constant 0 : i32
    %dma_wait3A_45 = arith.constant 0 : i32
    %dma_wait3A_46 = tpu.memref_slice %arg4[%dma_wait3A, %dma_wait3A_45] : memref<8192x512xf32, #tpu.memory_space<hbm>> -> memref<2x512xf32, #tpu.memory_space<hbm>>
    %dma_wait3A_47 = arith.constant 0 : i32
    %dma_wait3A_48 = arith.constant 0 : i32
    %dma_wait3A_49 = tpu.memref_slice %arg4[%dma_wait3A_47, %dma_wait3A_48] : memref<8192x512xf32, #tpu.memory_space<hbm>> -> memref<2x512xf32, #tpu.memory_space<hbm>>
    tpu.wait_dma2 semaphore(%arg24 : memref<!tpu.dma_semaphore, #tpu.memory_space<semaphore_mem>>) src(%dma_wait3A_49 : memref<2x512xf32, #tpu.memory_space<hbm>>) dst(%arg14 : memref<2x512xf32, #tpu.memory_space<vmem>>)
    %dma_wait3A_50 = arith.constant 0 : i32
    %dma_wait3A_51 = arith.constant 0 : i32
    %dma_wait3A_52 = tpu.memref_slice %arg4[%dma_wait3A_50, %dma_wait3A_51] : memref<8192x512xf32, #tpu.memory_space<hbm>> -> memref<2x512xf32, #tpu.memory_space<hbm>>
    %dma_wait3A_53 = arith.constant 0 : i32
    %dma_wait3A_54 = arith.constant 0 : i32
    %dma_wait3A_55 = tpu.memref_slice %arg4[%dma_wait3A_53, %dma_wait3A_54] : memref<8192x512xf32, #tpu.memory_space<hbm>> -> memref<2x512xf32, #tpu.memory_space<hbm>>
    tpu.wait_dma2 semaphore(%arg25 : memref<!tpu.dma_semaphore, #tpu.memory_space<semaphore_mem>>) src(%dma_wait3A_55 : memref<2x512xf32, #tpu.memory_space<hbm>>) dst(%arg15 : memref<2x512xf32, #tpu.memory_space<vmem>>)
    return
  }
}

module attributes {stable_mosaic.version = 14 : i64} {
  func.func @_tc_bilinear(%arg0: i32, %arg1: memref<1024x512xf32, #tpu.memory_space<vmem>>, %arg2: memref<512x512xbf16, #tpu.memory_space<vmem>>, %arg3: memref<1024x512xf32, #tpu.memory_space<vmem>>, %arg4: memref<8x128x128xf32, #tpu.memory_space<vmem>>) attributes {dimension_semantics = [#tpu.dimension_semantics<arbitrary>], iteration_bounds = array<i64: 4>, scalar_prefetch = 0 : i64, scratch_operands = 0 : i64, tpu.core_type = #tpu.core_type<tc>, window_params = [{transform_indices = @transform_0, window_bounds = array<i64: 1024, 512>}, {pipeline_mode = #tpu.pipeline_mode<synchronous>, transform_indices = @transform_1, window_bounds = array<i64: 512, 512>}, {transform_indices = @transform_2, window_bounds = array<i64: 1024, 512>}, {transform_indices = @transform_3, window_bounds = array<i64: 8, 128, 128>}]} {
    %get3A = arith.constant 0 : index
    %get3A_0 = arith.constant 0 : index
    %get3A_1 = vector.load %arg1[%get3A, %get3A_0] : memref<1024x512xf32, #tpu.memory_space<vmem>>, vector<1024x512xf32>
    %convert_element_type3A = arith.truncf %get3A_1 : vector<1024x512xf32> to vector<1024x512xbf16>
    %get3A_2 = arith.constant 0 : index
    %get3A_3 = arith.constant 0 : index
    %get3A_4 = vector.load %arg2[%get3A_2, %get3A_3] : memref<512x512xbf16, #tpu.memory_space<vmem>>, vector<512x512xbf16>
    %dot_general3A = arith.constant dense<0.000000e+00> : vector<1024x512xf32>
    %dot_general3A_5 = tpu.matmul %convert_element_type3A, %get3A_4, %dot_general3A {dimension_numbers = #tpu.dot_dimension_numbers<[1], [0], [0], [1], [0, 0, 1, 1], [], []>, transpose_lhs_hint = false} : vector<1024x512xbf16>, vector<512x512xbf16>, vector<1024x512xf32> -> vector<1024x512xf32>
    %convert_element_type3A_6 = arith.truncf %dot_general3A_5 : vector<1024x512xf32> to vector<1024x512xbf16>
    %get3A_7 = arith.constant 0 : index
    %get3A_8 = arith.constant 0 : index
    %get3A_9 = vector.load %arg3[%get3A_7, %get3A_8] : memref<1024x512xf32, #tpu.memory_space<vmem>>, vector<128x512xf32>
    %convert_element_type3A_10 = arith.truncf %get3A_9 : vector<128x512xf32> to vector<128x512xbf16>
    %slice3A = vector.extract_strided_slice %convert_element_type3A_6 {offsets = [0, 0], sizes = [128, 512], strides = [1, 1]} : vector<1024x512xbf16> to vector<128x512xbf16>
    %transpose3A = tpu.transpose %convert_element_type3A_10, [1, 0] : vector<128x512xbf16> -> vector<512x128xbf16>
    %dot_general3A_11 = arith.constant dense<0.000000e+00> : vector<128x128xf32>
    %dot_general3A_12 = tpu.matmul %slice3A, %transpose3A, %dot_general3A_11 {dimension_numbers = #tpu.dot_dimension_numbers<[1], [0], [0], [1], [0, 0, 1, 1], [], []>, transpose_lhs_hint = false} : vector<128x512xbf16>, vector<512x128xbf16>, vector<128x128xf32> -> vector<128x128xf32>
    %mul3A = arith.constant 0.0441941731 : f32
    %mul3A_13 = vector.broadcast %mul3A : f32 to vector<128x128xf32>
    %mul3A_14 = arith.mulf %dot_general3A_12, %mul3A_13 : vector<128x128xf32>
    %swap3A = arith.constant 0 : index
    %swap3A_15 = arith.constant 0 : index
    %swap3A_16 = arith.constant 0 : index
    %swap3A_17 = vector.load %arg4[%swap3A, %swap3A_15, %swap3A_16] : memref<8x128x128xf32, #tpu.memory_space<vmem>>, vector<1x128x128xf32>
    %swap3A_18 = vector.shape_cast %swap3A_17 : vector<1x128x128xf32> to vector<128x128xf32>
    %swap3A_19 = vector.shape_cast %mul3A_14 : vector<128x128xf32> to vector<1x128x128xf32>
    tpu.vector_store %arg4[%swap3A, %swap3A_15, %swap3A_16], %swap3A_19 {strides = array<i32>} : memref<8x128x128xf32, #tpu.memory_space<vmem>>, vector<1x128x128xf32>,
    %get3A_20 = arith.constant 128 : index
    %get3A_21 = arith.constant 0 : index
    %get3A_22 = vector.load %arg3[%get3A_20, %get3A_21] : memref<1024x512xf32, #tpu.memory_space<vmem>>, vector<128x512xf32>
    %convert_element_type3A_23 = arith.truncf %get3A_22 : vector<128x512xf32> to vector<128x512xbf16>
    %slice3A_24 = vector.extract_strided_slice %convert_element_type3A_6 {offsets = [128, 0], sizes = [128, 512], strides = [1, 1]} : vector<1024x512xbf16> to vector<128x512xbf16>
    %transpose3A_25 = tpu.transpose %convert_element_type3A_23, [1, 0] : vector<128x512xbf16> -> vector<512x128xbf16>
    %dot_general3A_26 = arith.constant dense<0.000000e+00> : vector<128x128xf32>
    %dot_general3A_27 = tpu.matmul %slice3A_24, %transpose3A_25, %dot_general3A_26 {dimension_numbers = #tpu.dot_dimension_numbers<[1], [0], [0], [1], [0, 0, 1, 1], [], []>, transpose_lhs_hint = false} : vector<128x512xbf16>, vector<512x128xbf16>, vector<128x128xf32> -> vector<128x128xf32>
    %mul3A_28 = arith.constant 0.0441941731 : f32
    %mul3A_29 = vector.broadcast %mul3A_28 : f32 to vector<128x128xf32>
    %mul3A_30 = arith.mulf %dot_general3A_27, %mul3A_29 : vector<128x128xf32>
    %swap3A_31 = arith.constant 1 : index
    %swap3A_32 = arith.constant 0 : index
    %swap3A_33 = arith.constant 0 : index
    %swap3A_34 = vector.load %arg4[%swap3A_31, %swap3A_32, %swap3A_33] : memref<8x128x128xf32, #tpu.memory_space<vmem>>, vector<1x128x128xf32>
    %swap3A_35 = vector.shape_cast %swap3A_34 : vector<1x128x128xf32> to vector<128x128xf32>
    %swap3A_36 = vector.shape_cast %mul3A_30 : vector<128x128xf32> to vector<1x128x128xf32>
    tpu.vector_store %arg4[%swap3A_31, %swap3A_32, %swap3A_33], %swap3A_36 {strides = array<i32>} : memref<8x128x128xf32, #tpu.memory_space<vmem>>, vector<1x128x128xf32>,
    %get3A_37 = arith.constant 256 : index
    %get3A_38 = arith.constant 0 : index
    %get3A_39 = vector.load %arg3[%get3A_37, %get3A_38] : memref<1024x512xf32, #tpu.memory_space<vmem>>, vector<128x512xf32>
    %convert_element_type3A_40 = arith.truncf %get3A_39 : vector<128x512xf32> to vector<128x512xbf16>
    %slice3A_41 = vector.extract_strided_slice %convert_element_type3A_6 {offsets = [256, 0], sizes = [128, 512], strides = [1, 1]} : vector<1024x512xbf16> to vector<128x512xbf16>
    %transpose3A_42 = tpu.transpose %convert_element_type3A_40, [1, 0] : vector<128x512xbf16> -> vector<512x128xbf16>
    %dot_general3A_43 = arith.constant dense<0.000000e+00> : vector<128x128xf32>
    %dot_general3A_44 = tpu.matmul %slice3A_41, %transpose3A_42, %dot_general3A_43 {dimension_numbers = #tpu.dot_dimension_numbers<[1], [0], [0], [1], [0, 0, 1, 1], [], []>, transpose_lhs_hint = false} : vector<128x512xbf16>, vector<512x128xbf16>, vector<128x128xf32> -> vector<128x128xf32>
    %mul3A_45 = arith.constant 0.0441941731 : f32
    %mul3A_46 = vector.broadcast %mul3A_45 : f32 to vector<128x128xf32>
    %mul3A_47 = arith.mulf %dot_general3A_44, %mul3A_46 : vector<128x128xf32>
    %swap3A_48 = arith.constant 2 : index
    %swap3A_49 = arith.constant 0 : index
    %swap3A_50 = arith.constant 0 : index
    %swap3A_51 = vector.load %arg4[%swap3A_48, %swap3A_49, %swap3A_50] : memref<8x128x128xf32, #tpu.memory_space<vmem>>, vector<1x128x128xf32>
    %swap3A_52 = vector.shape_cast %swap3A_51 : vector<1x128x128xf32> to vector<128x128xf32>
    %swap3A_53 = vector.shape_cast %mul3A_47 : vector<128x128xf32> to vector<1x128x128xf32>
    tpu.vector_store %arg4[%swap3A_48, %swap3A_49, %swap3A_50], %swap3A_53 {strides = array<i32>} : memref<8x128x128xf32, #tpu.memory_space<vmem>>, vector<1x128x128xf32>,
    %get3A_54 = arith.constant 384 : index
    %get3A_55 = arith.constant 0 : index
    %get3A_56 = vector.load %arg3[%get3A_54, %get3A_55] : memref<1024x512xf32, #tpu.memory_space<vmem>>, vector<128x512xf32>
    %convert_element_type3A_57 = arith.truncf %get3A_56 : vector<128x512xf32> to vector<128x512xbf16>
    %slice3A_58 = vector.extract_strided_slice %convert_element_type3A_6 {offsets = [384, 0], sizes = [128, 512], strides = [1, 1]} : vector<1024x512xbf16> to vector<128x512xbf16>
    %transpose3A_59 = tpu.transpose %convert_element_type3A_57, [1, 0] : vector<128x512xbf16> -> vector<512x128xbf16>
    %dot_general3A_60 = arith.constant dense<0.000000e+00> : vector<128x128xf32>
    %dot_general3A_61 = tpu.matmul %slice3A_58, %transpose3A_59, %dot_general3A_60 {dimension_numbers = #tpu.dot_dimension_numbers<[1], [0], [0], [1], [0, 0, 1, 1], [], []>, transpose_lhs_hint = false} : vector<128x512xbf16>, vector<512x128xbf16>, vector<128x128xf32> -> vector<128x128xf32>
    %mul3A_62 = arith.constant 0.0441941731 : f32
    %mul3A_63 = vector.broadcast %mul3A_62 : f32 to vector<128x128xf32>
    %mul3A_64 = arith.mulf %dot_general3A_61, %mul3A_63 : vector<128x128xf32>
    %swap3A_65 = arith.constant 3 : index
    %swap3A_66 = arith.constant 0 : index
    %swap3A_67 = arith.constant 0 : index
    %swap3A_68 = vector.load %arg4[%swap3A_65, %swap3A_66, %swap3A_67] : memref<8x128x128xf32, #tpu.memory_space<vmem>>, vector<1x128x128xf32>
    %swap3A_69 = vector.shape_cast %swap3A_68 : vector<1x128x128xf32> to vector<128x128xf32>
    %swap3A_70 = vector.shape_cast %mul3A_64 : vector<128x128xf32> to vector<1x128x128xf32>
    tpu.vector_store %arg4[%swap3A_65, %swap3A_66, %swap3A_67], %swap3A_70 {strides = array<i32>} : memref<8x128x128xf32, #tpu.memory_space<vmem>>, vector<1x128x128xf32>,
    %get3A_71 = arith.constant 512 : index
    %get3A_72 = arith.constant 0 : index
    %get3A_73 = vector.load %arg3[%get3A_71, %get3A_72] : memref<1024x512xf32, #tpu.memory_space<vmem>>, vector<128x512xf32>
    %convert_element_type3A_74 = arith.truncf %get3A_73 : vector<128x512xf32> to vector<128x512xbf16>
    %slice3A_75 = vector.extract_strided_slice %convert_element_type3A_6 {offsets = [512, 0], sizes = [128, 512], strides = [1, 1]} : vector<1024x512xbf16> to vector<128x512xbf16>
    %transpose3A_76 = tpu.transpose %convert_element_type3A_74, [1, 0] : vector<128x512xbf16> -> vector<512x128xbf16>
    %dot_general3A_77 = arith.constant dense<0.000000e+00> : vector<128x128xf32>
    %dot_general3A_78 = tpu.matmul %slice3A_75, %transpose3A_76, %dot_general3A_77 {dimension_numbers = #tpu.dot_dimension_numbers<[1], [0], [0], [1], [0, 0, 1, 1], [], []>, transpose_lhs_hint = false} : vector<128x512xbf16>, vector<512x128xbf16>, vector<128x128xf32> -> vector<128x128xf32>
    %mul3A_79 = arith.constant 0.0441941731 : f32
    %mul3A_80 = vector.broadcast %mul3A_79 : f32 to vector<128x128xf32>
    %mul3A_81 = arith.mulf %dot_general3A_78, %mul3A_80 : vector<128x128xf32>
    %swap3A_82 = arith.constant 4 : index
    %swap3A_83 = arith.constant 0 : index
    %swap3A_84 = arith.constant 0 : index
    %swap3A_85 = vector.load %arg4[%swap3A_82, %swap3A_83, %swap3A_84] : memref<8x128x128xf32, #tpu.memory_space<vmem>>, vector<1x128x128xf32>
    %swap3A_86 = vector.shape_cast %swap3A_85 : vector<1x128x128xf32> to vector<128x128xf32>
    %swap3A_87 = vector.shape_cast %mul3A_81 : vector<128x128xf32> to vector<1x128x128xf32>
    tpu.vector_store %arg4[%swap3A_82, %swap3A_83, %swap3A_84], %swap3A_87 {strides = array<i32>} : memref<8x128x128xf32, #tpu.memory_space<vmem>>, vector<1x128x128xf32>,
    %get3A_88 = arith.constant 640 : index
    %get3A_89 = arith.constant 0 : index
    %get3A_90 = vector.load %arg3[%get3A_88, %get3A_89] : memref<1024x512xf32, #tpu.memory_space<vmem>>, vector<128x512xf32>
    %convert_element_type3A_91 = arith.truncf %get3A_90 : vector<128x512xf32> to vector<128x512xbf16>
    %slice3A_92 = vector.extract_strided_slice %convert_element_type3A_6 {offsets = [640, 0], sizes = [128, 512], strides = [1, 1]} : vector<1024x512xbf16> to vector<128x512xbf16>
    %transpose3A_93 = tpu.transpose %convert_element_type3A_91, [1, 0] : vector<128x512xbf16> -> vector<512x128xbf16>
    %dot_general3A_94 = arith.constant dense<0.000000e+00> : vector<128x128xf32>
    %dot_general3A_95 = tpu.matmul %slice3A_92, %transpose3A_93, %dot_general3A_94 {dimension_numbers = #tpu.dot_dimension_numbers<[1], [0], [0], [1], [0, 0, 1, 1], [], []>, transpose_lhs_hint = false} : vector<128x512xbf16>, vector<512x128xbf16>, vector<128x128xf32> -> vector<128x128xf32>
    %mul3A_96 = arith.constant 0.0441941731 : f32
    %mul3A_97 = vector.broadcast %mul3A_96 : f32 to vector<128x128xf32>
    %mul3A_98 = arith.mulf %dot_general3A_95, %mul3A_97 : vector<128x128xf32>
    %swap3A_99 = arith.constant 5 : index
    %swap3A_100 = arith.constant 0 : index
    %swap3A_101 = arith.constant 0 : index
    %swap3A_102 = vector.load %arg4[%swap3A_99, %swap3A_100, %swap3A_101] : memref<8x128x128xf32, #tpu.memory_space<vmem>>, vector<1x128x128xf32>
    %swap3A_103 = vector.shape_cast %swap3A_102 : vector<1x128x128xf32> to vector<128x128xf32>
    %swap3A_104 = vector.shape_cast %mul3A_98 : vector<128x128xf32> to vector<1x128x128xf32>
    tpu.vector_store %arg4[%swap3A_99, %swap3A_100, %swap3A_101], %swap3A_104 {strides = array<i32>} : memref<8x128x128xf32, #tpu.memory_space<vmem>>, vector<1x128x128xf32>,
    %get3A_105 = arith.constant 768 : index
    %get3A_106 = arith.constant 0 : index
    %get3A_107 = vector.load %arg3[%get3A_105, %get3A_106] : memref<1024x512xf32, #tpu.memory_space<vmem>>, vector<128x512xf32>
    %convert_element_type3A_108 = arith.truncf %get3A_107 : vector<128x512xf32> to vector<128x512xbf16>
    %slice3A_109 = vector.extract_strided_slice %convert_element_type3A_6 {offsets = [768, 0], sizes = [128, 512], strides = [1, 1]} : vector<1024x512xbf16> to vector<128x512xbf16>
    %transpose3A_110 = tpu.transpose %convert_element_type3A_108, [1, 0] : vector<128x512xbf16> -> vector<512x128xbf16>
    %dot_general3A_111 = arith.constant dense<0.000000e+00> : vector<128x128xf32>
    %dot_general3A_112 = tpu.matmul %slice3A_109, %transpose3A_110, %dot_general3A_111 {dimension_numbers = #tpu.dot_dimension_numbers<[1], [0], [0], [1], [0, 0, 1, 1], [], []>, transpose_lhs_hint = false} : vector<128x512xbf16>, vector<512x128xbf16>, vector<128x128xf32> -> vector<128x128xf32>
    %mul3A_113 = arith.constant 0.0441941731 : f32
    %mul3A_114 = vector.broadcast %mul3A_113 : f32 to vector<128x128xf32>
    %mul3A_115 = arith.mulf %dot_general3A_112, %mul3A_114 : vector<128x128xf32>
    %swap3A_116 = arith.constant 6 : index
    %swap3A_117 = arith.constant 0 : index
    %swap3A_118 = arith.constant 0 : index
    %swap3A_119 = vector.load %arg4[%swap3A_116, %swap3A_117, %swap3A_118] : memref<8x128x128xf32, #tpu.memory_space<vmem>>, vector<1x128x128xf32>
    %swap3A_120 = vector.shape_cast %swap3A_119 : vector<1x128x128xf32> to vector<128x128xf32>
    %swap3A_121 = vector.shape_cast %mul3A_115 : vector<128x128xf32> to vector<1x128x128xf32>
    tpu.vector_store %arg4[%swap3A_116, %swap3A_117, %swap3A_118], %swap3A_121 {strides = array<i32>} : memref<8x128x128xf32, #tpu.memory_space<vmem>>, vector<1x128x128xf32>,
    %get3A_122 = arith.constant 896 : index
    %get3A_123 = arith.constant 0 : index
    %get3A_124 = vector.load %arg3[%get3A_122, %get3A_123] : memref<1024x512xf32, #tpu.memory_space<vmem>>, vector<128x512xf32>
    %convert_element_type3A_125 = arith.truncf %get3A_124 : vector<128x512xf32> to vector<128x512xbf16>
    %slice3A_126 = vector.extract_strided_slice %convert_element_type3A_6 {offsets = [896, 0], sizes = [128, 512], strides = [1, 1]} : vector<1024x512xbf16> to vector<128x512xbf16>
    %transpose3A_127 = tpu.transpose %convert_element_type3A_125, [1, 0] : vector<128x512xbf16> -> vector<512x128xbf16>
    %dot_general3A_128 = arith.constant dense<0.000000e+00> : vector<128x128xf32>
    %dot_general3A_129 = tpu.matmul %slice3A_126, %transpose3A_127, %dot_general3A_128 {dimension_numbers = #tpu.dot_dimension_numbers<[1], [0], [0], [1], [0, 0, 1, 1], [], []>, transpose_lhs_hint = false} : vector<128x512xbf16>, vector<512x128xbf16>, vector<128x128xf32> -> vector<128x128xf32>
    %mul3A_130 = arith.constant 0.0441941731 : f32
    %mul3A_131 = vector.broadcast %mul3A_130 : f32 to vector<128x128xf32>
    %mul3A_132 = arith.mulf %dot_general3A_129, %mul3A_131 : vector<128x128xf32>
    %swap3A_133 = arith.constant 7 : index
    %swap3A_134 = arith.constant 0 : index
    %swap3A_135 = arith.constant 0 : index
    %swap3A_136 = vector.load %arg4[%swap3A_133, %swap3A_134, %swap3A_135] : memref<8x128x128xf32, #tpu.memory_space<vmem>>, vector<1x128x128xf32>
    %swap3A_137 = vector.shape_cast %swap3A_136 : vector<1x128x128xf32> to vector<128x128xf32>
    %swap3A_138 = vector.shape_cast %mul3A_132 : vector<128x128xf32> to vector<1x128x128xf32>
    tpu.vector_store %arg4[%swap3A_133, %swap3A_134, %swap3A_135], %swap3A_138 {strides = array<i32>} : memref<8x128x128xf32, #tpu.memory_space<vmem>>, vector<1x128x128xf32>,
    return
  }
  func.func @transform_0(%arg0: i32) -> (i32, i32) {
    %c0_i32 = arith.constant 0 : i32
    %c0_i32_0 = arith.constant 0 : i32
    return %arg0, %c0_i32 : i32, i32
  }
  func.func @transform_1(%arg0: i32) -> (i32, i32) {
    %c0_i32 = arith.constant 0 : i32
    %c0_i32_0 = arith.constant 0 : i32
    %c0_i32_1 = arith.constant 0 : i32
    return %c0_i32, %c0_i32_0 : i32, i32
  }
  func.func @transform_2(%arg0: i32) -> (i32, i32) {
    %add3A = arith.constant 4 : i32
    %add3A_0 = arith.addi %add3A, %arg0 : i32
    %c0_i32 = arith.constant 0 : i32
    %c0_i32_1 = arith.constant 0 : i32
    return %add3A_0, %c0_i32 : i32, i32
  }
  func.func @transform_3(%arg0: i32) -> (i32, i32, i32) {
    %c0_i32 = arith.constant 0 : i32
    %c0_i32_0 = arith.constant 0 : i32
    %c0_i32_1 = arith.constant 0 : i32
    return %arg0, %c0_i32, %c0_i32_0 : i32, i32, i32
  }
}

</mosaic_0001>

<sc_bundles>
// kernel: kernel.4.cloned.1.call-start
scs
__scs_entry_jumppad:
0x0: {  	(pc) =	sbr.rel $0x88, $3  }
0x1: {  	(tag) =	ssettag $0x0;
	lr =	simm.s32 $0x1  }
0x2: {  	[smem:$0x3F9D] =	sst lr;
	_ =	strace $0xD0000000  }
0x3: {  	_ = 	snop  }
0x4: {  	_ = 	snop  }
0x5: {  	_ = 	snop  }
0x6: {  	_ = 	snop  }
0x7: {  	_ = 	snop  }
__scs_overlays_trampoline_lowered:
0x8: {  	[smem:$0x3FAC] =	sst s0  }
0x9: {  	[smem:$0x3FAD] =	sst s1  }
0xa: {  	[smem:$0x3FAE] =	sst s2  }
0xb: {  	[smem:$0x3FAF] =	sst s3  }
0xc: {  	[smem:$0x3FB0] =	sst s4  }
0xd: {  	[smem:$0x3FB1] =	sst s5  }
0xe: {  	[smem:$0x3FB2] =	sst s6  }
0xf: {  	[smem:$0x3FB3] =	sst s7  }
0x10: {  	[smem:$0x3FB4] =	sst s8  }
0x11: {  	[smem:$0x3FB5] =	sst s9;
	s0 =	simm.s32 @!p0 $0x0  }
0x12: {  	s1 =	sld [smem:$0x3F9B];
	s0 =	simm.s32 @p0 $0x1  }
0x13: {  	[smem:$0x3FB6] =	sst s0;
	s0 =	simm.s32 @!p1 $0x0  }
0x14: {  	s2 =	sld [smem:$0x3F9A];
	s0 =	simm.s32 @p1 $0x1  }
0x15: {  	[smem:$0x3FB7] =	sst s0;
	s0 =	simm.s32 @!p2 $0x0  }
0x16: {  	s3 =	sld [smem:$0x3FDB];
	s0 =	simm.s32 @p2 $0x1  }
0x17: {  	s4 =	simm.s32 $0x1BF5;
	[smem:$0x3FB9] =	sst s0  }
0x18: {  	s0 =	sld [smem:$0x3F9C];
	_ =	swait.ge [sflag:s4], $0x0  }
0x19: {  	s7 =	sld [smem:$0x3F9D]  }
0x1a: {  	s8 =	sadd.s32 $0xFFFFE003, lr  }
0x1b: {  	s9 =	sadd.s32 $0xFFFFFEF7, lr;
	s5 =	simm.s32 $0xFFFFFFFF;
	p2 =	slt.u32 s8, $0xFFFFF086  }
0x1c: {  	p1 =	slt.u32 s9, $0xF7A;
	s5 =	simm.s32 @!p2 $0x0  }
0x1d: {  	s5 =	simm.s32 @p1 $0x1;
	p0 =	seq.s32 s7, s2  }
0x1e: {  	s7 =	smul.u32 @!p0 $0xF7A, s2;
	p2 =	seq.s32 @!p0 s5, $0x0  }
0x1f: {  	s9 =	smul.u32 $0xF7A, s1;
	s8 =	simm.s32 @!p0 $0x1BF5;
	p2 =	por !p2, p0  }
0x20: {  	[sflag:s8] =	ssyncset.s32 @!p0 $0xFFFFF086;
	s6 =	sadd.s32 @!p0 s3, s7;
	s7 =	simm.s32 @!p0 $0x108  }
0x21: {  	s3 =	sadd.s32 s3, s9;
	s6 =	sadd.s32 @!p0 $0x88, s6;
	s7 =	simm.s32 @p2 $0x1082  }
0x22: {  	[simem:s7], [sflag:s8] =	dma.local @!p0 [hbm:s6], $0xF7A  }
0x23: {  	s9 =	sor.u32 $0xD0000000, s2;
	s6 =	simm.s32 $0x108;
	_ =	swait.ge @!p0 [sflag:s8], $0x0  }
0x24: {  	s3 =	sadd.s32 $0x88, s3;
	s6 =	simm.s32 @!p1 $0x1082;
	[sflag:s4] =	ssyncset.s32 $0xFFFFF086  }
0x25: {  	[simem:s6], [sflag:s4] =	dma.local [hbm:s3], $0xF7A  }
0x26: {  	[smem:$0x3F9D] =	sst s1;
	(tag) =	ssettag s2;
	_ =	strace s9  }
0x27: {  	s1 =	sld [smem:$0x3FAD]  }
0x28: {  	s2 =	sld [smem:$0x3FAE]  }
0x29: {  	s4 =	sld [smem:$0x3FB0]  }
0x2a: {  	p0 =	seq.s32 s5, $0x0;
	s5 =	sld [smem:$0x3FB1]  }
0x2b: {  	s6 =	sld [smem:$0x3FB2]  }
0x2c: {  	s7 =	sld [smem:$0x3FB3]  }
0x2d: {  	s3 =	simm.s32 $0x108;
	s8 =	sld [smem:$0x3FB4]  }
0x2e: {  	s3 =	simm.s32 @!p0 $0x1082;
	s9 =	sld [smem:$0x3FB5]  }
0x2f: {  	lr =	sadd.s32 s0, s3;
	s0 =	sld [smem:$0x3FAC]  }
0x30: {  	s3 =	sld [smem:$0x3FAF]  }
0x31: {  	[smem:$0x3FB8] =	sst s10  }
0x32: {  	s10 =	sld [smem:$0x3FB6];
	_ =	sdelay $0x3  }
0x33: {  	p0 =	seq.s32 s10, $0x1;
	s10 =	sld [smem:$0x3FB8];
	_ =	sdelay $0x3  }
0x34: {  	[smem:$0x3FB8] =	sst s10  }
0x35: {  	s10 =	sld [smem:$0x3FB7];
	_ =	sdelay $0x3  }
0x36: {  	p1 =	seq.s32 s10, $0x1;
	s10 =	sld [smem:$0x3FB8];
	_ =	sdelay $0x3  }
0x37: {  	[smem:$0x3FB8] =	sst s10  }
0x38: {  	s10 =	sld [smem:$0x3FB9]  }
0x39: {  	_ = 	snop;
	(pc) =	sbr.ind lr, $3  }
0x3a: {  	_ = 	snop  }
0x3b: {  	_ = 	snop  }
0x3c: {  	p2 =	seq.s32 s10, $0x1;
	s10 =	sld [smem:$0x3FB8]  }
0x3d: {  	_ =	shalt  }
0x3e: {  	_ =	shalt  }
0x3f: {  	_ =	shalt  }
0x40: {  	_ =	shalt  }
0x41: {  	_ =	shalt  }
0x42: {  	_ =	shalt  }
0x43: {  	_ =	shalt  }
0x44: {  	_ =	shalt  }
0x45: {  	_ =	shalt  }
0x46: {  	_ =	shalt  }
0x47: {  	_ =	shalt  }
0x48: {  	_ =	shalt  }
0x49: {  	_ =	shalt  }
0x4a: {  	_ =	shalt  }
0x4b: {  	_ =	shalt  }
0x4c: {  	_ =	shalt  }
0x4d: {  	_ =	shalt  }
0x4e: {  	_ =	shalt  }
0x4f: {  	_ =	shalt  }
0x50: {  	_ =	shalt  }
0x51: {  	_ =	shalt  }
0x52: {  	_ =	shalt  }
0x53: {  	_ =	shalt  }
0x54: {  	_ =	shalt  }
0x55: {  	_ =	shalt  }
0x56: {  	_ =	shalt  }
0x57: {  	_ =	shalt  }
0x58: {  	_ =	shalt  }
0x59: {  	_ =	shalt  }
0x5a: {  	_ =	shalt  }
0x5b: {  	_ =	shalt  }
0x5c: {  	_ =	shalt  }
0x5d: {  	_ =	shalt  }
0x5e: {  	_ =	shalt  }
0x5f: {  	_ =	shalt  }
0x60: {  	_ =	shalt  }
0x61: {  	_ =	shalt  }
0x62: {  	_ =	shalt  }
0x63: {  	_ =	shalt  }
0x64: {  	_ =	shalt  }
0x65: {  	_ =	shalt  }
0x66: {  	_ =	shalt  }
0x67: {  	_ =	shalt  }
0x68: {  	_ =	shalt  }
0x69: {  	_ =	shalt  }
0x6a: {  	_ =	shalt  }
0x6b: {  	_ =	shalt  }
0x6c: {  	_ =	shalt  }
0x6d: {  	_ =	shalt  }
0x6e: {  	_ =	shalt  }
0x6f: {  	_ =	shalt  }
0x70: {  	_ =	shalt  }
0x71: {  	_ =	shalt  }
0x72: {  	_ =	shalt  }
0x73: {  	_ =	shalt  }
0x74: {  	_ =	shalt  }
0x75: {  	_ =	shalt  }
0x76: {  	_ =	shalt  }
0x77: {  	_ =	shalt  }
0x78: {  	_ =	shalt  }
0x79: {  	_ =	shalt  }
0x7a: {  	_ =	shalt  }
0x7b: {  	_ =	shalt  }
0x7c: {  	_ =	shalt  }
0x7d: {  	_ =	shalt  }
0x7e: {  	_ =	shalt  }
0x7f: {  	_ =	shalt  }
0x80: {  	_ =	shalt  }
0x81: {  	_ =	shalt  }
0x82: {  	_ =	shalt  }
0x83: {  	_ =	shalt  }
0x84: {  	_ =	shalt  }
0x85: {  	_ =	shalt  }
0x86: {  	_ =	shalt  }
0x87: {  	_ =	shalt  }
.Lfunc_end0:
.L_simem_size_0:
called_computation_lowered:
.L_overlay_start_0:
0x88: {  	s2 =	sld [smem:$0x3FD9]  }
0x89: {  	s3 =	sld [smem:$0x3FFE];
	_ =	sdelay $0x1  }
0x8a: {  	s1 =	srdreg.scid  }
0x8b: {  	s0 =	sand.u32 $0x1, s1  }
0x8c: {  	s14 =	sshll.u32 s0, $0xA;
	s2 =	sadd.s32 s3, s2  }
0x8d: {  	s2 =	sadd.s32 s2, s14  }
0x8e: {  	[smem:$0x3FC4] =	sst s2  }
0x8f: {  	_ = 	snop  }
0x90: {  	s2 =	sld [smem:$0x3FD0];
	_ =	sdelay $0x2  }
0x91: {  	s4 =	simm.s32 $0xA;
	s5 =	simm.s32 $0x10;
	s15 =	sld [smem:$0x3FC9]  }
0x92: {  	[smem:s5], [sflag:s4] =	dma.local [hbm:s2], $0x1  }
0x93: {  	_ =	swait.eq [sflag:s4], $0x1  }
0x94: {  	[sflag:s4] =	ssyncset.done $0x0  }
0x95: {  	[sflag:s4] =	ssyncadd.s32 $0xFFFFFFFF  }
0x96: {  	s16 =	sld [smem:$0x10];
	(tm) =	ssettm $0x1  }
0x97: {  	s17 =	sld [smem:$0x3FFB];
	_ =	sdelay $0x3  }
0x98: {  	_ =	strace s17  }
0x99: {  	s4 =	sld [smem:$0x3FFC];
	_ =	sdelay $0x3  }
0x9a: {  	_ =	strace s4  }
0x9b: {  	s4 =	sld [smem:$0x3FFD];
	_ =	sdelay $0x3  }
0x9c: {  	_ =	strace s4  }
0x9d: {  	_ =	strace $0x8FFFFFFF  }
0x9e: {  	s18 =	sld [smem:$0x3FDB];
	_ =	sdelay $0x1  }
0x9f: {  	s19 =	simm.s32 $_scs_section_size  }
0xa0: {  	s6 =	simm.s32 $_size__tile_overlayer_lowered;
	s7 =	simm.s32 $_tile_overlayer_lowered  }
0xa1: {  	s22 =	simm.s32 $0x1BFF;
	s21 =	sshll.u32 s7, $0x1;
	s4 =	sadd.s32 s19, s18  }
0xa2: {  	s8 =	simm.s32 $0x0;
	s20 =	sshll.u32 s6, $0x1;
	s6 =	sadd.s32 s21, s4  }
0xa3: {  	[timem:s8], [sflag:s22] =	dma.local [hbm:s6], s20  }
0xa4: {  	_ =	swait.ge [sflag:s22], s20  }
0xa5: {  	s5 =	ssub.s32 $0x0, s20;
	[sflag:s22] =	ssyncset.done $0x0  }
0xa6: {  	[sflag:s22] =	ssyncadd.s32 s5;
	_ =	sdelay $0x1  }
0xa7: {  	s23 =	simm.s32 $0x1B8B  }
0xa8: {  	_ =	swait.ge [sflag:s23], $0x1  }
0xa9: {  	[sflag:s23] =	ssyncset.done $0x0  }
0xaa: {  	s25 =	simm.s32 $0x1B8E;
	s24 =	sld [smem:$0x3FFE];
	[sflag:s23] =	ssyncadd.s32 $0xFFFFFFFF  }
0xab: {  	s26 =	simm.s32 $execute0_lowered;
	[smem:$0x3FD2] =	sst s25  }
0xac: {  	s6 =	sshll.u32 s26, $0x1;
	_ =	strace $0x80000046;
	[dreg:$0x1] =	wrdreg $0xFFFFFFFF  }
0xad: {  	s28 =	simm.s32 $_size_execute0_lowered;
	s4 =	sadd.s32 s4, s6;
	[dreg:$0x0] =	wrdreg $0x0  }
0xae: {  	s6 =	sshll.u32 s28, $0x1;
	[dreg:$0x2] =	wrdreg s4  }
0xaf: {  	[dreg:$0x3] =	wrdreg s6  }
0xb0: {  	[dreg:$0x4] =	wrdreg $0xC0  }
0xb1: {  	_ =	task [dreg:s8], $0x5FFFF  }
0xb2: {  	[dreg:$0x1] =	wrdreg $0xFFFFFFFF  }
0xb3: {  	[dreg:$0x0] =	wrdreg $0x60  }
0xb4: {  	[dreg:$0x2] =	wrdreg s15  }
0xb5: {  	[dreg:$0x3] =	wrdreg s16  }
0xb6: {  	[dreg:$0x4] =	wrdreg s24  }
0xb7: {  	[dreg:$0x5] =	wrdreg $0x9  }
0xb8: {  	_ =	task.clear_ibuf [dreg:s8], $0x6FFFF;
	_ =	strace $0x90000046  }
0xb9: {  	s29 =	simm.s32 $0x9;
	_ =	strace $0x80000048  }
0xba: {  	_ =	swait.ge [sflag:s29], $0x1  }
0xbb: {  	[sflag:s29] =	ssyncadd.s32 $0xFFFFFFFF  }
0xbc: {  	_ =	strace $0x90000048  }
0xbd: {  	_ =	sfence  }
0xbe: {  	s30 =	sld [smem:$0x0];
	_ =	sdelay $0x2  }
0xbf: {  	s31 =	sshll.u32 s1, $0xD;
	s1 =	sshrl.u32 s1, $0x2  }
0xc0: {  	s3 =	sand.u32 $0x4000, s31;
	s1 =	sadd.s32 s1, s30  }
0xc1: {  	s0 =	sor.u32 s3, s0;
	s1 =	sshll.u32 s1, $0x11  }
0xc2: {  	s0 =	sor.u32 s1, s0  }
0xc3: {  	s0 =	sadd.s32 $0x8F2B, s0  }
0xc4: {  	[sflag:s0] =	ssyncadd.remote.s32 $0x1  }
0xc5: {  	_ =	sfence.sel $0xFFFF  }
0xc6: {  	[dreg:$0x0] =	wrdreg $0xFFFFFFFF;
	(pc) =	sbr.abs _section_cstart, $3  }
0xc7: {  	[dreg:$0x1] =	wrdreg $0xFFFFFFFF  }
0xc8: {  	_ =	task.clear_ibuf [dreg:s8], $0x2FFFF;
	_ =	strace $0x9FFFFFFF  }
0xc9: {  	(tm) =	ssettm $0x7FFFFFFF  }
tec
execute0_lowered:
.L_overlay_start_1:
0x0: {  	(tag) =	ssettag $0x1  }
0x1: {  	s1 =	rddreg [dreg:$0x0]  }
0x2: {  	s0 =	rddreg [dreg:$0x1]  }
0x3: {  	s2 =	rddreg [dreg:$0x2];
	s3 =	simm.s32 $0x0;
	s4 =	srdreg.scid  }
0x4: {  	s5 =	stileid.u32;
	s24 =	simm.s32 $0x100;
	s25 =	simm.s32 $0x400  }
0x5: {  	s15 =	simm.s32 $0x9;
	s17 =	simm.s32 $0xA;
	[smem:$0x7FF] =	sst s3  }
0x6: {  	s4 =	sand.u32 $0x1, s4;
	s5 =	sshll.u32 s5, $0x1;
	s26 =	sadd.s32 $0x800, s2  }
0x7: {  	s28 =	sadd.s32 $0x820, s2;
	s29 =	sadd.s32 $0x840, s2;
	s10 =	sadd.s32 $0x860, s2  }
0x8: {  	s2 =	simm.s32 $0x10C00;
	_ =	strace $0x80000047;
	[dreg:$0x4] =	wrdreg s26  }
0x9: {  	s6 =	ssub.s32 $0x2, s4;
	s5 =	sor.u32 s4, s5;
	[dreg:$0x6] =	wrdreg s28  }
.Ltmp0:
0xa: {  	[dreg:$0x7] =	wrdreg s29;
	s8 =	sshll.u32 s5, $0x8;
	(pc) =	sbr.rel .LBB2_1-.Ltmp0, $4  }
0xb: {  	s7 =	sshrl.u32 s6, $0x1;
	s4 =	sshll.u32 s5, $0xE;
	s0 =	sadd.s32 s0, s8  }
0xc: {  	v2 =	vlaneseq.u32;
	s11 =	ssub.s32 s6, s7;
	s31 =	sor.u32 $0x200, s4;
	[dreg:$0x5] =	wrdreg s0  }
0xd: {  	vm0 =	vmmov $0xffff;
	v1 =	vshrl.u32 v2, $0x3;
	s26 =	simm.s32 $0x10800;
	s30 =	smax.u32 s11, $0x1;
	[dreg:$0x9] =	wrdreg s31  }
0xe: {  	v0 =	vand.u32 $0x7, v2;
	v2 =	vor.u32 $0x8, v2;
	v1 =	vmul.u32 $0x8, v1;
	s5 =	simm.s32 $0x0;
	s6 =	sadd.s32 $0x100, s1;
	[dreg:$0x8] =	wrdreg s30  }
.LBB2_20:
0xf: {  	_ =	swait.ge [sflag:s15], $0x400  }
0x10: {  	[sflag:s15] =	ssyncset.done $0x0  }
0x11: {  	[sflag:s15] =	ssyncadd.s32 $0xFFFFFC00  }
0x12: {  	_ =	swait.ge [sflag:s17], $0x400  }
0x13: {  	s5 =	rddreg [dreg:$0xa]  }
0x14: {  	s0 =	rddreg [dreg:$0x8];
	s5 =	sadd.s32 $0x1, s5  }
0x15: {  	p0 =	sne.s32 s5, s0  }
.Ltmp1:
0x16: {  	_ = 	snop;
	(pc) =	sbr.rel @!p0 .LBB2_21-.Ltmp1, $3  }
0x17: {  	_ =	sdelay $0x1  }
0x18: {  	[sflag:s17] =	ssyncset.done $0x0  }
0x19: {  	[sflag:s17] =	ssyncadd.s32 $0xFFFFFC00  }
.LBB2_1:
0x1a: {  	[dreg:$0xa] =	wrdreg s5  }
0x1b: {  	s0 =	rddreg [dreg:$0x5];
	s18 =	simm.s32 $0xB  }
0x1c: {  	[tilespmem:s3], [sflag:$0xB] =	stream.linear.gather [hbm4b:s0+s3], $0x800, $0x38;
	[tilespmem:$0x11000] =	vst v63  }
0x1d: {  	_ =	swait.ge [sflag:s18], $0x800  }
0x1e: {  	[sflag:s18] =	ssyncset.done $0x0  }
0x1f: {  	[sflag:s18] =	ssyncadd.s32 $0xFFFFF800  }
0x20: {  	v3 =	vld [tilespmem:$0x0];
	_ =	sdelay $0x4  }
0x21: {  	v4 =	vshll.u32 v3, $0x2  }
0x22: {  	v3 =	vand.u32 $0x7, v3;
	v4 =	vand.u32 $0xFFFFFFE0, v4  }
0x23: {  	v3 =	vor.u32 v3, v4  }
0x24: {  	v4 =	vperm.xlane v3, v0;
	_ =	sdelay $0x1  }
0x25: {  	v4 =	vadd.s32 v1, v4;
	_ =	sdelay $0x1  }
0x26: {  	v3 =	vperm.xlane v3, v2;
	_ =	sdelay $0x1  }
0x27: {  	s19 =	simm.s32 $0x800;
	v3 =	vadd.s32 v1, v3  }
0x28: {  	[tilespmem:s19], [sflag:$0x1] =	stream.indirect_vreg.gather [hbm4b:s1+s3], $0x80, v4, vm0, $0xb8;
	[tilespmem:$0x11000] =	vst v63  }
0x29: {  	s20 =	simm.s32 $0x1000  }
0x2a: {  	[tilespmem:s20], [sflag:$0x1] =	stream.indirect_vreg.gather [hbm4b:s6+s3], $0x80, v4, vm0, $0xb8;
	[tilespmem:$0x11000] =	vst v63  }
0x2b: {  	s21 =	simm.s32 $0x1800  }
0x2c: {  	[tilespmem:s21], [sflag:$0x1] =	stream.indirect_vreg.gather [hbm4b:s1+s3], $0x80, v3, vm0, $0xb8;
	[tilespmem:$0x11000] =	vst v63  }
0x2d: {  	s22 =	simm.s32 $0x2000  }
0x2e: {  	[tilespmem:s22], [sflag:$0x1] =	stream.indirect_vreg.gather [hbm4b:s6+s3], $0x80, v3, vm0, $0xb8;
	[tilespmem:$0x11000] =	vst v63  }
0x2f: {  	v3 =	vld [tilespmem:$0x10];
	_ =	sdelay $0x4  }
0x30: {  	v58 =	vshll.u32 v3, $0x2  }
0x31: {  	v3 =	vand.u32 $0x7, v3;
	v4 =	vand.u32 $0xFFFFFFE0, v58  }
0x32: {  	v3 =	vor.u32 v3, v4  }
0x33: {  	v4 =	vperm.xlane v3, v0;
	_ =	sdelay $0x1  }
0x34: {  	v4 =	vadd.s32 v1, v4;
	_ =	sdelay $0x1  }
0x35: {  	v3 =	vperm.xlane v3, v2;
	_ =	sdelay $0x1  }
0x36: {  	s23 =	simm.s32 $0x2800;
	v3 =	vadd.s32 v1, v3  }
0x37: {  	[tilespmem:s23], [sflag:$0x2] =	stream.indirect_vreg.gather [hbm4b:s1+s3], $0x80, v4, vm0, $0xb8;
	[tilespmem:$0x11000] =	vst v63  }
0x38: {  	s28 =	simm.s32 $0x3000  }
0x39: {  	[tilespmem:s28], [sflag:$0x2] =	stream.indirect_vreg.gather [hbm4b:s6+s3], $0x80, v4, vm0, $0xb8;
	[tilespmem:$0x11000] =	vst v63  }
0x3a: {  	s29 =	simm.s32 $0x3800  }
0x3b: {  	[tilespmem:s29], [sflag:$0x2] =	stream.indirect_vreg.gather [hbm4b:s1+s3], $0x80, v3, vm0, $0xb8;
	[tilespmem:$0x11000] =	vst v63  }
0x3c: {  	s30 =	simm.s32 $0x4000  }
0x3d: {  	[tilespmem:s30], [sflag:$0x2] =	stream.indirect_vreg.gather [hbm4b:s6+s3], $0x80, v3, vm0, $0xb8;
	[tilespmem:$0x11000] =	vst v63  }
0x3e: {  	v3 =	vld [tilespmem:$0x20];
	_ =	sdelay $0x4  }
0x3f: {  	v59 =	vshll.u32 v3, $0x2  }
0x40: {  	v3 =	vand.u32 $0x7, v3;
	v4 =	vand.u32 $0xFFFFFFE0, v59  }
0x41: {  	v3 =	vor.u32 v3, v4  }
0x42: {  	v4 =	vperm.xlane v3, v0;
	_ =	sdelay $0x1  }
0x43: {  	v4 =	vadd.s32 v1, v4;
	_ =	sdelay $0x1  }
0x44: {  	v3 =	vperm.xlane v3, v2;
	_ =	sdelay $0x1  }
0x45: {  	s31 =	simm.s32 $0x4800;
	v3 =	vadd.s32 v1, v3  }
0x46: {  	[tilespmem:s31], [sflag:$0x3] =	stream.indirect_vreg.gather [hbm4b:s1+s3], $0x80, v4, vm0, $0xb8;
	[tilespmem:$0x11000] =	vst v63  }
0x47: {  	s5 =	simm.s32 $0x5000  }
0x48: {  	[tilespmem:s5], [sflag:$0x3] =	stream.indirect_vreg.gather [hbm4b:s6+s3], $0x80, v4, vm0, $0xb8;
	[tilespmem:$0x11000] =	vst v63  }
0x49: {  	s7 =	simm.s32 $0x5800  }
0x4a: {  	[tilespmem:s7], [sflag:$0x3] =	stream.indirect_vreg.gather [hbm4b:s1+s3], $0x80, v3, vm0, $0xb8;
	[tilespmem:$0x11000] =	vst v63  }
0x4b: {  	s8 =	simm.s32 $0x6000  }
0x4c: {  	[tilespmem:s8], [sflag:$0x3] =	stream.indirect_vreg.gather [hbm4b:s6+s3], $0x80, v3, vm0, $0xb8;
	[tilespmem:$0x11000] =	vst v63  }
0x4d: {  	v3 =	vld [tilespmem:$0x30];
	_ =	sdelay $0x4  }
0x4e: {  	v60 =	vshll.u32 v3, $0x2  }
0x4f: {  	v3 =	vand.u32 $0x7, v3;
	v4 =	vand.u32 $0xFFFFFFE0, v60  }
0x50: {  	v3 =	vor.u32 v3, v4  }
0x51: {  	v4 =	vperm.xlane v3, v0;
	_ =	sdelay $0x1  }
0x52: {  	v4 =	vadd.s32 v1, v4;
	_ =	sdelay $0x1  }
0x53: {  	v3 =	vperm.xlane v3, v2;
	_ =	sdelay $0x1  }
0x54: {  	s9 =	simm.s32 $0x6800;
	v3 =	vadd.s32 v1, v3  }
0x55: {  	[tilespmem:s9], [sflag:$0x4] =	stream.indirect_vreg.gather [hbm4b:s1+s3], $0x80, v4, vm0, $0xb8;
	[tilespmem:$0x11000] =	vst v63  }
0x56: {  	s11 =	simm.s32 $0x7000  }
0x57: {  	[tilespmem:s11], [sflag:$0x4] =	stream.indirect_vreg.gather [hbm4b:s6+s3], $0x80, v4, vm0, $0xb8;
	[tilespmem:$0x11000] =	vst v63  }
0x58: {  	s12 =	simm.s32 $0x7800  }
0x59: {  	[tilespmem:s12], [sflag:$0x4] =	stream.indirect_vreg.gather [hbm4b:s1+s3], $0x80, v3, vm0, $0xb8;
	[tilespmem:$0x11000] =	vst v63  }
0x5a: {  	s13 =	simm.s32 $0x8000  }
0x5b: {  	[tilespmem:s13], [sflag:$0x4] =	stream.indirect_vreg.gather [hbm4b:s6+s3], $0x80, v3, vm0, $0xb8;
	[tilespmem:$0x11000] =	vst v63  }
0x5c: {  	v3 =	vld [tilespmem:$0x40];
	_ =	sdelay $0x4  }
0x5d: {  	v61 =	vshll.u32 v3, $0x2  }
0x5e: {  	v3 =	vand.u32 $0x7, v3;
	v4 =	vand.u32 $0xFFFFFFE0, v61  }
0x5f: {  	v3 =	vor.u32 v3, v4  }
0x60: {  	v4 =	vperm.xlane v3, v0;
	_ =	sdelay $0x1  }
0x61: {  	v4 =	vadd.s32 v1, v4;
	_ =	sdelay $0x1  }
0x62: {  	v3 =	vperm.xlane v3, v2;
	_ =	sdelay $0x1  }
0x63: {  	s14 =	simm.s32 $0x8800;
	v3 =	vadd.s32 v1, v3  }
0x64: {  	[tilespmem:s14], [sflag:$0x5] =	stream.indirect_vreg.gather [hbm4b:s1+s3], $0x80, v4, vm0, $0xb8;
	[tilespmem:$0x11000] =	vst v63  }
0x65: {  	s16 =	simm.s32 $0x9000  }
0x66: {  	[tilespmem:s16], [sflag:$0x5] =	stream.indirect_vreg.gather [hbm4b:s6+s3], $0x80, v4, vm0, $0xb8;
	[tilespmem:$0x11000] =	vst v63  }
0x67: {  	s18 =	simm.s32 $0x9800  }
0x68: {  	[tilespmem:s18], [sflag:$0x5] =	stream.indirect_vreg.gather [hbm4b:s1+s3], $0x80, v3, vm0, $0xb8;
	[tilespmem:$0x11000] =	vst v63  }
0x69: {  	s19 =	simm.s32 $0xA000  }
0x6a: {  	[tilespmem:s19], [sflag:$0x5] =	stream.indirect_vreg.gather [hbm4b:s6+s3], $0x80, v3, vm0, $0xb8;
	[tilespmem:$0x11000] =	vst v63  }
0x6b: {  	v3 =	vld [tilespmem:$0x50];
	_ =	sdelay $0x4  }
0x6c: {  	v62 =	vshll.u32 v3, $0x2  }
0x6d: {  	v3 =	vand.u32 $0x7, v3;
	v4 =	vand.u32 $0xFFFFFFE0, v62  }
0x6e: {  	v3 =	vor.u32 v3, v4  }
0x6f: {  	v4 =	vperm.xlane v3, v0;
	_ =	sdelay $0x1  }
0x70: {  	v4 =	vadd.s32 v1, v4;
	_ =	sdelay $0x1  }
0x71: {  	v3 =	vperm.xlane v3, v2;
	_ =	sdelay $0x1  }
0x72: {  	s20 =	simm.s32 $0xA800;
	v3 =	vadd.s32 v1, v3  }
0x73: {  	[tilespmem:s20], [sflag:$0x6] =	stream.indirect_vreg.gather [hbm4b:s1+s3], $0x80, v4, vm0, $0xb8;
	[tilespmem:$0x11000] =	vst v63  }
0x74: {  	s21 =	simm.s32 $0xB000  }
0x75: {  	[tilespmem:s21], [sflag:$0x6] =	stream.indirect_vreg.gather [hbm4b:s6+s3], $0x80, v4, vm0, $0xb8;
	[tilespmem:$0x11000] =	vst v63  }
0x76: {  	s22 =	simm.s32 $0xB800  }
0x77: {  	[tilespmem:s22], [sflag:$0x6] =	stream.indirect_vreg.gather [hbm4b:s1+s3], $0x80, v3, vm0, $0xb8;
	[tilespmem:$0x11000] =	vst v63  }
0x78: {  	s23 =	simm.s32 $0xC000  }
0x79: {  	[tilespmem:s23], [sflag:$0x6] =	stream.indirect_vreg.gather [hbm4b:s6+s3], $0x80, v3, vm0, $0xb8;
	[tilespmem:$0x11000] =	vst v63  }
0x7a: {  	v3 =	vld [tilespmem:$0x60];
	_ =	sdelay $0x4  }
0x7b: {  	v63 =	vshll.u32 v3, $0x2  }
0x7c: {  	v3 =	vand.u32 $0x7, v3;
	v4 =	vand.u32 $0xFFFFFFE0, v63  }
0x7d: {  	v3 =	vor.u32 v3, v4  }
0x7e: {  	v4 =	vperm.xlane v3, v0;
	_ =	sdelay $0x1  }
0x7f: {  	v4 =	vadd.s32 v1, v4;
	_ =	sdelay $0x1  }
0x80: {  	v3 =	vperm.xlane v3, v2;
	_ =	sdelay $0x1  }
0x81: {  	s28 =	simm.s32 $0xC800;
	v3 =	vadd.s32 v1, v3  }
0x82: {  	[tilespmem:s28], [sflag:$0x7] =	stream.indirect_vreg.gather [hbm4b:s1+s3], $0x80, v4, vm0, $0xb8;
	[tilespmem:$0x11000] =	vst v63  }
0x83: {  	s29 =	simm.s32 $0xD000  }
0x84: {  	[tilespmem:s29], [sflag:$0x7] =	stream.indirect_vreg.gather [hbm4b:s6+s3], $0x80, v4, vm0, $0xb8;
	[tilespmem:$0x11000] =	vst v63  }
0x85: {  	s30 =	simm.s32 $0xD800  }
0x86: {  	[tilespmem:s30], [sflag:$0x7] =	stream.indirect_vreg.gather [hbm4b:s1+s3], $0x80, v3, vm0, $0xb8;
	[tilespmem:$0x11000] =	vst v63  }
0x87: {  	s31 =	simm.s32 $0xE000;
	s19 =	simm.s32 $0x0  }
0x88: {  	[tilespmem:s31], [sflag:$0x7] =	stream.indirect_vreg.gather [hbm4b:s6+s3], $0x80, v3, vm0, $0xb8;
	[tilespmem:$0x11000] =	vst v63  }
.LBB2_2:
0x89: {  	s0 =	simm.s32 $0x1  }
0x8a: {  	p0 =	seq.s32 s19, $0x0;
	s20 =	simm.s32 $0x0;
	_ =	swait.ge [sflag:s0], $0x2000  }
0x8b: {  	s21 =	simm.s32 $0x0;
	s5 =	simm.s32 @!p0 $0x9;
	[sflag:s0] =	ssyncset.done $0x0  }
0x8c: {  	s11 =	sand.u32 $0xC00, s20;
	[sflag:s0] =	ssyncadd.s32 $0xFFFFE000;
	s0 =	sand.u32 $0x3FFFF000, s21  }
0x8d: {  	s12 =	sand.u32 $0x40, s20;
	_ =	swait.ge @!p0 [sflag:s5], $0x400;
	s0 =	sor.u32 s11, s0  }
0x8e: {  	s13 =	sor.u32 $0x30, s12;
	[sflag:s5] =	ssyncset.done @!p0 $0x0;
	s0 =	sadd.s32 $0x800, s0  }
0x8f: {  	[sflag:s5] =	ssyncadd.s32 @!p0 $0xFFFFFC00;
	s22 =	sor.u32 s13, s0  }
0x90: {  	v3 =	vld [tilespmem:s22+$0x0]  }
0x91: {  	v4 =	vld [tilespmem:s22+$0x80]  }
0x92: {  	v5 =	vld [tilespmem:s22+$0x100]  }
0x93: {  	v6 =	vld [tilespmem:s22+$0x180]  }
0x94: {  	v7 =	vld [tilespmem:s22+$0x200]  }
0x95: {  	v8 =	vld [tilespmem:s22+$0x280]  }
0x96: {  	v9 =	vld [tilespmem:s22+$0x300]  }
0x97: {  	s14 =	sor.u32 s12, s0;
	v10 =	vld [tilespmem:s22+$0x380]  }
0x98: {  	v11 =	vld [tilespmem:s14+$0x0]  }
0x99: {  	v12 =	vld [tilespmem:s14+$0x80]  }
0x9a: {  	v13 =	vld [tilespmem:s14+$0x100]  }
0x9b: {  	v14 =	vld [tilespmem:s14+$0x180]  }
0x9c: {  	v15 =	vld [tilespmem:s14+$0x200]  }
0x9d: {  	v16 =	vld [tilespmem:s14+$0x280]  }
0x9e: {  	v17 =	vld [tilespmem:s14+$0x300]  }
0x9f: {  	s23 =	sor.u32 $0x10, s12;
	v18 =	vld [tilespmem:s14+$0x380]  }
0xa0: {  	s16 =	sor.u32 s23, s0  }
0xa1: {  	v19 =	vld [tilespmem:s16+$0x100];
	v3 =	vadd.f32 v4, v3;
	v4 =	vadd.f32 v6, v5  }
0xa2: {  	v20 =	vld [tilespmem:s16+$0x180];
	v5 =	vadd.f32 v8, v7;
	v7 =	vadd.f32 v10, v9  }
0xa3: {  	v6 =	vld [tilespmem:s16+$0x0];
	v9 =	vadd.f32 v12, v11;
	v10 =	vadd.f32 v14, v13  }
0xa4: {  	v8 =	vld [tilespmem:s16+$0x80];
	v11 =	vadd.f32 v16, v15;
	v62 =	vadd.f32 v18, v17  }
0xa5: {  	s30 =	simm.s32 $0x0;
	v4 =	vadd.f32 v4, v3;
	v7 =	vadd.f32 v7, v5;
	v3 =	vld [tilespmem:s16+$0x200]  }
0xa6: {  	s11 =	sshrl.u32 s11, $0x2;
	s14 =	sand.u32 $0x3FFFFF80, s30;
	v5 =	vld [tilespmem:s16+$0x280];
	v10 =	vadd.f32 v10, v9;
	v11 =	vadd.f32 v62, v11  }
0xa7: {  	s18 =	sor.u32 $0x20, s12;
	s11 =	sadd.s32 s14, s11;
	v63 =	vadd.f32 v7, v4;
	v4 =	vld [tilespmem:s16+$0x300]  }
0xa8: {  	s28 =	simm.s32 $0x0;
	s22 =	sor.u32 s18, s0;
	s31 =	sadd.s32 $0x10800, s11;
	v7 =	vld [tilespmem:s16+$0x380];
	v10 =	vadd.f32 v11, v10  }
0xa9: {  	s29 =	simm.s32 $0x0;
	s21 =	sshll.u32 s19, $0x3;
	s13 =	sor.u32 s13, s31;
	v11 =	vadd.f32 v20, v19;
	v9 =	vadd.f32 v8, v6;
	v6 =	vld [tilespmem:s22+$0x0]  }
0xaa: {  	s11 =	sor.u32 s12, s31;
	s23 =	sor.u32 s23, s31;
	s12 =	sor.u32 s18, s31;
	v8 =	vld [tilespmem:s22+$0x80];
	[tilespmem:s13+$0x0] =	vst v63  }
.LBB2_3:
0xab: {  	s28 =	sadd.s32 $0x4, s28;
	[tilespmem:s11+$0x0] =	vst v10;
	v3 =	vadd.f32 v5, v3;
	v5 =	vadd.f32 v11, v9;
	v9 =	vld [tilespmem:s22+$0x100]  }
0xac: {  	s20 =	sadd.s32 $0x200, s20;
	s0 =	sshll.u32 s28, $0x7;
	p1 =	slt.u32 s28, $0x3C;
	v10 =	vld [tilespmem:s22+$0x180]  }
0xad: {  	s29 =	sadd.s32 $0x40, s29;
	s11 =	sand.u32 $0xC00, s20;
	s0 =	sand.u32 $0x3FFFF000, s0;
	v4 =	vadd.f32 v7, v4;
	v7 =	vld [tilespmem:s22+$0x200]  }
0xae: {  	s14 =	sand.u32 $0x40, s29;
	s0 =	sor.u32 s11, s0;
	v11 =	vld [tilespmem:s22+$0x280]  }
0xaf: {  	s16 =	sor.u32 $0x10, s14;
	s30 =	sor.u32 $0x30, s14;
	s13 =	sadd.s32 $0x800, s0;
	v3 =	vadd.f32 v4, v3;
	v4 =	vadd.f32 v8, v6;
	v6 =	vld [tilespmem:s22+$0x300]  }
0xb0: {  	s5 =	sor.u32 $0x20, s14;
	s18 =	sor.u32 s14, s13;
	s31 =	sor.u32 s30, s13;
	v8 =	vld [tilespmem:s22+$0x380]  }
0xb1: {  	s0 =	sor.u32 s16, s13;
	s22 =	sor.u32 s5, s13;
	v12 =	vld [tilespmem:s31+$0x0];
	v3 =	vadd.f32 v3, v5;
	v5 =	vadd.f32 v10, v9  }
0xb2: {  	v9 =	vld [tilespmem:s31+$0x80]  }
0xb3: {  	v10 =	vld [tilespmem:s31+$0x100];
	[tilespmem:s23+$0x0] =	vst v3;
	v3 =	vadd.f32 v11, v7;
	v4 =	vadd.f32 v5, v4  }
0xb4: {  	v5 =	vld [tilespmem:s31+$0x180]  }
0xb5: {  	v7 =	vld [tilespmem:s31+$0x200];
	v6 =	vadd.f32 v8, v6  }
0xb6: {  	v8 =	vld [tilespmem:s31+$0x280]  }
0xb7: {  	v11 =	vld [tilespmem:s31+$0x300];
	v3 =	vadd.f32 v6, v3  }
0xb8: {  	v6 =	vld [tilespmem:s31+$0x380]  }
0xb9: {  	v13 =	vld [tilespmem:s18+$0x0];
	v3 =	vadd.f32 v3, v4  }
0xba: {  	v4 =	vld [tilespmem:s18+$0x80]  }
0xbb: {  	v14 =	vld [tilespmem:s18+$0x100];
	[tilespmem:s12+$0x0] =	vst v3  }
0xbc: {  	v9 =	vadd.f32 v9, v12;
	v5 =	vadd.f32 v5, v10;
	v3 =	vld [tilespmem:s18+$0x180]  }
0xbd: {  	v7 =	vadd.f32 v8, v7;
	v10 =	vld [tilespmem:s18+$0x200];
	v6 =	vadd.f32 v6, v11  }
0xbe: {  	s12 =	sshll.u32 s28, $0x2;
	v8 =	vld [tilespmem:s18+$0x280]  }
0xbf: {  	s11 =	sshrl.u32 s11, $0x2;
	v5 =	vadd.f32 v5, v9;
	s12 =	sand.u32 $0x3FFFFF80, s12;
	v11 =	vld [tilespmem:s18+$0x300];
	v6 =	vadd.f32 v6, v7  }
0xc0: {  	s11 =	sadd.s32 s12, s11;
	v4 =	vadd.f32 v4, v13;
	v7 =	vld [tilespmem:s18+$0x380]  }
0xc1: {  	s12 =	sadd.s32 $0x10800, s11;
	v3 =	vadd.f32 v3, v14;
	v9 =	vld [tilespmem:s0+$0x0];
	v5 =	vadd.f32 v6, v5  }
0xc2: {  	s11 =	sor.u32 s14, s12;
	s23 =	sor.u32 s16, s12;
	s13 =	sor.u32 s30, s12;
	v6 =	vld [tilespmem:s0+$0x80]  }
0xc3: {  	s12 =	sor.u32 s5, s12;
	v8 =	vadd.f32 v8, v10;
	v10 =	vadd.f32 v3, v4;
	v12 =	vld [tilespmem:s0+$0x100];
	[tilespmem:s13+$0x0] =	vst v5  }
0xc4: {  	v13 =	vld [tilespmem:s0+$0x180]  }
0xc5: {  	v4 =	vadd.f32 v7, v11;
	v3 =	vld [tilespmem:s0+$0x200]  }
.Ltmp2:
0xc6: {  	v5 =	vld [tilespmem:s0+$0x280];
	(pc) =	sbr.rel @p1 .LBB2_3-.Ltmp2, $4  }
0xc7: {  	v8 =	vadd.f32 v4, v8;
	v9 =	vadd.f32 v6, v9;
	v4 =	vld [tilespmem:s0+$0x300]  }
0xc8: {  	v7 =	vld [tilespmem:s0+$0x380]  }
0xc9: {  	v10 =	vadd.f32 v8, v10;
	v11 =	vadd.f32 v13, v12;
	v6 =	vld [tilespmem:s22+$0x0]  }
0xca: {  	v8 =	vld [tilespmem:s22+$0x80]  }
0xcb: {  	v12 =	vld [tilespmem:s22+$0x100]  }
0xcc: {  	v13 =	vld [tilespmem:s22+$0x180]  }
0xcd: {  	v14 =	vld [tilespmem:s22+$0x200]  }
0xce: {  	v15 =	vld [tilespmem:s22+$0x280]  }
0xcf: {  	v16 =	vld [tilespmem:s22+$0x300]  }
0xd0: {  	v17 =	vld [tilespmem:s22+$0x380];
	_ =	sdelay $0x2  }
0xd1: {  	v3 =	vadd.f32 v5, v3;
	v4 =	vadd.f32 v7, v4  }
0xd2: {  	v5 =	vadd.f32 v8, v6;
	v6 =	vadd.f32 v13, v12  }
0xd3: {  	v7 =	vadd.f32 v15, v14;
	v8 =	vadd.f32 v17, v16  }
0xd4: {  	v9 =	vadd.f32 v11, v9;
	v3 =	vadd.f32 v4, v3  }
0xd5: {  	v4 =	vadd.f32 v6, v5;
	v5 =	vadd.f32 v8, v7  }
0xd6: {  	v3 =	vadd.f32 v3, v9  }
0xd7: {  	[tilespmem:s11+$0x0] =	vst v10;
	v4 =	vadd.f32 v5, v4  }
0xd8: {  	[tilespmem:s23+$0x0] =	vst v3  }
0xd9: {  	s22 =	sshll.u32 s19, $0xA;
	[tilespmem:s12+$0x0] =	vst v4  }
0xda: {  	s20 =	sor.u32 $0x7, s21;
	s28 =	sadd.s32 s4, s22;
	s0 =	rddreg [dreg:$0x4]  }
0xdb: {  	s21 =	sshll.u32 s20, $0x4;
	s0 =	sadd.s32 s0, s28  }
0xdc: {  	[hbm4b:s0+s24] =	stream.strided.scatter [tilespmem:s26], [sflag:$0x9], $0x400, s25, s24, $0x38;
	[tilespmem:$0x11000] =	vst v63  }
0xdd: {  	s0 =	sand.u32 $0x3FFFFFF0, s21  }
0xde: {  	v3 =	vld [tilespmem:s0+$0x0];
	_ =	sdelay $0x4  }
0xdf: {  	v4 =	vshll.u32 v3, $0x2  }
0xe0: {  	v3 =	vand.u32 $0x7, v3;
	v4 =	vand.u32 $0xFFFFFFE0, v4  }
0xe1: {  	v3 =	vor.u32 v3, v4  }
0xe2: {  	v4 =	vperm.xlane v3, v0;
	_ =	sdelay $0x1  }
0xe3: {  	v4 =	vadd.s32 v1, v4;
	_ =	sdelay $0x1  }
0xe4: {  	v3 =	vperm.xlane v3, v2;
	_ =	sdelay $0x1  }
0xe5: {  	s23 =	simm.s32 $0xE800;
	v3 =	vadd.s32 v1, v3  }
0xe6: {  	[tilespmem:s23], [sflag:$0x8] =	stream.indirect_vreg.gather [hbm4b:s1+s3], $0x80, v4, vm0, $0xb8;
	[tilespmem:$0x11000] =	vst v63  }
0xe7: {  	s9 =	smov.u32 s4;
	s4 =	simm.s32 $0xF000  }
0xe8: {  	[tilespmem:s4], [sflag:$0x8] =	stream.indirect_vreg.gather [hbm4b:s6+s3], $0x80, v4, vm0, $0xb8;
	[tilespmem:$0x11000] =	vst v63  }
0xe9: {  	s5 =	simm.s32 $0xF800  }
0xea: {  	[tilespmem:s5], [sflag:$0x8] =	stream.indirect_vreg.gather [hbm4b:s1+s3], $0x80, v3, vm0, $0xb8;
	[tilespmem:$0x11000] =	vst v63  }
0xeb: {  	s7 =	simm.s32 $0x10000;
	s8 =	simm.s32 $0x2  }
0xec: {  	[tilespmem:s7], [sflag:$0x8] =	stream.indirect_vreg.gather [hbm4b:s6+s3], $0x80, v3, vm0, $0xb8;
	[tilespmem:$0x11000] =	vst v63  }
0xed: {  	s21 =	simm.s32 $0x0;
	_ =	swait.ge [sflag:s8], $0x2000  }
0xee: {  	s11 =	simm.s32 $0x0;
	s12 =	sand.u32 $0xC00, s21;
	[sflag:s8] =	ssyncset.done $0x0  }
0xef: {  	s0 =	sand.u32 $0x3FFFF000, s11;
	s5 =	simm.s32 @!p0 $0xA;
	[sflag:s8] =	ssyncadd.s32 $0xFFFFE000  }
0xf0: {  	s18 =	sand.u32 $0x40, s21;
	s0 =	sor.u32 s12, s0;
	_ =	swait.ge @!p0 [sflag:s5], $0x400  }
0xf1: {  	s13 =	sor.u32 $0x30, s18;
	s0 =	sadd.s32 $0x2800, s0;
	[sflag:s5] =	ssyncset.done @!p0 $0x0  }
0xf2: {  	s23 =	sor.u32 s13, s0;
	[sflag:s5] =	ssyncadd.s32 @!p0 $0xFFFFFC00  }
0xf3: {  	v3 =	vld [tilespmem:s23+$0x0]  }
0xf4: {  	v4 =	vld [tilespmem:s23+$0x80]  }
0xf5: {  	v5 =	vld [tilespmem:s23+$0x100]  }
0xf6: {  	v6 =	vld [tilespmem:s23+$0x180]  }
0xf7: {  	v7 =	vld [tilespmem:s23+$0x200]  }
0xf8: {  	v8 =	vld [tilespmem:s23+$0x280]  }
0xf9: {  	v9 =	vld [tilespmem:s23+$0x300]  }
0xfa: {  	s14 =	sor.u32 s18, s0;
	v10 =	vld [tilespmem:s23+$0x380]  }
0xfb: {  	v11 =	vld [tilespmem:s14+$0x0]  }
0xfc: {  	v56 =	vld [tilespmem:s14+$0x80]  }
0xfd: {  	v57 =	vld [tilespmem:s14+$0x100]  }
0xfe: {  	v58 =	vld [tilespmem:s14+$0x180]  }
0xff: {  	v59 =	vld [tilespmem:s14+$0x200]  }
0x100: {  	v60 =	vld [tilespmem:s14+$0x280]  }
0x101: {  	v61 =	vld [tilespmem:s14+$0x300]  }
0x102: {  	s4 =	sor.u32 $0x10, s18;
	v18 =	vld [tilespmem:s14+$0x380]  }
0x103: {  	s16 =	sor.u32 s4, s0  }
0x104: {  	v19 =	vld [tilespmem:s16+$0x100];
	v3 =	vadd.f32 v4, v3;
	v4 =	vadd.f32 v6, v5  }
0x105: {  	v20 =	vld [tilespmem:s16+$0x180];
	v5 =	vadd.f32 v8, v7;
	v7 =	vadd.f32 v10, v9  }
0x106: {  	v6 =	vld [tilespmem:s16+$0x0];
	v9 =	vadd.f32 v56, v11;
	v10 =	vadd.f32 v58, v57  }
0x107: {  	v8 =	vld [tilespmem:s16+$0x80];
	v11 =	vadd.f32 v60, v59;
	v62 =	vadd.f32 v18, v61  }
0x108: {  	s7 =	simm.s32 $0x0;
	v4 =	vadd.f32 v4, v3;
	v5 =	vadd.f32 v7, v5;
	v3 =	vld [tilespmem:s16+$0x200]  }
0x109: {  	s11 =	sshrl.u32 s12, $0x2;
	s14 =	sand.u32 $0x3FFFFF80, s7;
	v7 =	vld [tilespmem:s16+$0x280];
	v10 =	vadd.f32 v10, v9;
	v11 =	vadd.f32 v62, v11  }
0x10a: {  	s8 =	sor.u32 $0x20, s18;
	s11 =	sadd.s32 s14, s11;
	v63 =	vadd.f32 v5, v4;
	v4 =	vld [tilespmem:s16+$0x300]  }
0x10b: {  	s29 =	sor.u32 s8, s0;
	v5 =	vld [tilespmem:s16+$0x380];
	s16 =	sadd.s32 $0x10C00, s11;
	v10 =	vadd.f32 v11, v10  }
0x10c: {  	s30 =	simm.s32 $0x0;
	v11 =	vadd.f32 v20, v19;
	s11 =	sor.u32 s18, s16;
	s18 =	sor.u32 s13, s16;
	v9 =	vadd.f32 v8, v6;
	v6 =	vld [tilespmem:s29+$0x0]  }
0x10d: {  	s31 =	simm.s32 $0x0;
	s23 =	sor.u32 s4, s16;
	s12 =	sor.u32 s8, s16;
	v8 =	vld [tilespmem:s29+$0x80];
	[tilespmem:s18+$0x0] =	vst v63  }
.LBB2_5:
0x10e: {  	s30 =	sadd.s32 $0x4, s30;
	[tilespmem:s11+$0x0] =	vst v10;
	v3 =	vadd.f32 v7, v3;
	v7 =	vadd.f32 v11, v9;
	v9 =	vld [tilespmem:s29+$0x100]  }
0x10f: {  	s21 =	sadd.s32 $0x200, s21;
	s0 =	sshll.u32 s30, $0x7;
	p0 =	slt.u32 s30, $0x3C;
	v10 =	vld [tilespmem:s29+$0x180]  }
0x110: {  	s31 =	sadd.s32 $0x40, s31;
	s11 =	sand.u32 $0xC00, s21;
	s0 =	sand.u32 $0x3FFFF000, s0;
	v4 =	vadd.f32 v5, v4;
	v5 =	vld [tilespmem:s29+$0x200]  }
0x111: {  	s14 =	sand.u32 $0x40, s31;
	s0 =	sor.u32 s11, s0;
	v11 =	vld [tilespmem:s29+$0x280]  }
0x112: {  	s16 =	sor.u32 $0x10, s14;
	s18 =	sor.u32 $0x30, s14;
	s13 =	sadd.s32 $0x2800, s0;
	v3 =	vadd.f32 v4, v3;
	v4 =	vadd.f32 v8, v6;
	v6 =	vld [tilespmem:s29+$0x300]  }
0x113: {  	s5 =	sor.u32 $0x20, s14;
	s4 =	sor.u32 s14, s13;
	s8 =	sor.u32 s18, s13;
	v8 =	vld [tilespmem:s29+$0x380]  }
0x114: {  	s0 =	sor.u32 s16, s13;
	s29 =	sor.u32 s5, s13;
	v12 =	vld [tilespmem:s8+$0x0];
	v3 =	vadd.f32 v3, v7;
	v7 =	vadd.f32 v10, v9  }
0x115: {  	v9 =	vld [tilespmem:s8+$0x80]  }
0x116: {  	v10 =	vld [tilespmem:s8+$0x100];
	[tilespmem:s23+$0x0] =	vst v3;
	v3 =	vadd.f32 v11, v5;
	v4 =	vadd.f32 v7, v4  }
0x117: {  	v5 =	vld [tilespmem:s8+$0x180]  }
0x118: {  	v7 =	vld [tilespmem:s8+$0x200];
	v6 =	vadd.f32 v8, v6  }
0x119: {  	v8 =	vld [tilespmem:s8+$0x280]  }
0x11a: {  	v11 =	vld [tilespmem:s8+$0x300];
	v3 =	vadd.f32 v6, v3  }
0x11b: {  	v6 =	vld [tilespmem:s8+$0x380]  }
0x11c: {  	v13 =	vld [tilespmem:s4+$0x0];
	v3 =	vadd.f32 v3, v4  }
0x11d: {  	v4 =	vld [tilespmem:s4+$0x80]  }
0x11e: {  	v14 =	vld [tilespmem:s4+$0x100];
	[tilespmem:s12+$0x0] =	vst v3  }
0x11f: {  	v9 =	vadd.f32 v9, v12;
	v5 =	vadd.f32 v5, v10;
	v3 =	vld [tilespmem:s4+$0x180]  }
0x120: {  	v7 =	vadd.f32 v8, v7;
	v10 =	vld [tilespmem:s4+$0x200];
	v6 =	vadd.f32 v6, v11  }
0x121: {  	s8 =	sshll.u32 s30, $0x2;
	v8 =	vld [tilespmem:s4+$0x280]  }
0x122: {  	s11 =	sshrl.u32 s11, $0x2;
	s8 =	sand.u32 $0x3FFFFF80, s8;
	v5 =	vadd.f32 v5, v9;
	v11 =	vld [tilespmem:s4+$0x300];
	v6 =	vadd.f32 v6, v7  }
0x123: {  	v4 =	vadd.f32 v4, v13;
	v7 =	vld [tilespmem:s4+$0x380];
	s4 =	sadd.s32 s8, s11  }
0x124: {  	v3 =	vadd.f32 v3, v14;
	s4 =	sadd.s32 $0x10C00, s4;
	v9 =	vld [tilespmem:s0+$0x0];
	v5 =	vadd.f32 v6, v5  }
0x125: {  	s11 =	sor.u32 s14, s4;
	v6 =	vld [tilespmem:s0+$0x80];
	s23 =	sor.u32 s16, s4;
	s8 =	sor.u32 s18, s4  }
0x126: {  	s12 =	sor.u32 s5, s4;
	v8 =	vadd.f32 v8, v10;
	v10 =	vadd.f32 v3, v4;
	v12 =	vld [tilespmem:s0+$0x100];
	[tilespmem:s8+$0x0] =	vst v5  }
0x127: {  	v13 =	vld [tilespmem:s0+$0x180]  }
0x128: {  	v4 =	vadd.f32 v7, v11;
	v3 =	vld [tilespmem:s0+$0x200]  }
.Ltmp3:
0x129: {  	v7 =	vld [tilespmem:s0+$0x280];
	(pc) =	sbr.rel @p0 .LBB2_5-.Ltmp3, $4  }
0x12a: {  	v8 =	vadd.f32 v4, v8;
	v9 =	vadd.f32 v6, v9;
	v4 =	vld [tilespmem:s0+$0x300]  }
0x12b: {  	v5 =	vld [tilespmem:s0+$0x380]  }
0x12c: {  	v10 =	vadd.f32 v8, v10;
	v11 =	vadd.f32 v13, v12;
	v6 =	vld [tilespmem:s29+$0x0]  }
0x12d: {  	v8 =	vld [tilespmem:s29+$0x80]  }
0x12e: {  	v12 =	vld [tilespmem:s29+$0x100]  }
0x12f: {  	v13 =	vld [tilespmem:s29+$0x180]  }
0x130: {  	v14 =	vld [tilespmem:s29+$0x200]  }
0x131: {  	v15 =	vld [tilespmem:s29+$0x280]  }
0x132: {  	v16 =	vld [tilespmem:s29+$0x300]  }
0x133: {  	v17 =	vld [tilespmem:s29+$0x380];
	_ =	sdelay $0x2  }
0x134: {  	v3 =	vadd.f32 v7, v3;
	v4 =	vadd.f32 v5, v4  }
0x135: {  	v5 =	vadd.f32 v8, v6;
	v6 =	vadd.f32 v13, v12  }
0x136: {  	v7 =	vadd.f32 v15, v14;
	v8 =	vadd.f32 v17, v16  }
0x137: {  	v9 =	vadd.f32 v11, v9;
	v3 =	vadd.f32 v4, v3  }
0x138: {  	v4 =	vadd.f32 v6, v5;
	v5 =	vadd.f32 v8, v7  }
0x139: {  	v3 =	vadd.f32 v3, v9  }
0x13a: {  	[tilespmem:s11+$0x0] =	vst v10;
	v4 =	vadd.f32 v5, v4  }
0x13b: {  	[tilespmem:s23+$0x0] =	vst v3  }
0x13c: {  	[tilespmem:s12+$0x0] =	vst v4  }
0x13d: {  	s0 =	rddreg [dreg:$0x6]  }
0x13e: {  	p0 =	seq.s32 s19, $0xF;
	s0 =	sadd.s32 s28, s0  }
0x13f: {  	[hbm4b:s0+s24] =	stream.strided.scatter [tilespmem:s2], [sflag:$0xA], $0x400, s25, s24, $0x38;
	[tilespmem:$0x11000] =	vst v63  }
0x140: {  	s0 =	sshll.u32 @!p0 s19, $0x7  }
0x141: {  	s21 =	sand.u32 @!p0 $0x3FFFFF80, s0  }
0x142: {  	v3 =	vld @!p0 [tilespmem:s21+$0x80];
	_ =	sdelay $0x4  }
0x143: {  	v4 =	vshll.u32 @!p0 v3, $0x2  }
0x144: {  	v5 =	vlaneseq.u32 @!p0;
	v3 =	vand.u32 @!p0 $0x7, v3;
	v4 =	vand.u32 @!p0 $0xFFFFFFE0, v4  }
0x145: {  	v6 =	vshrl.u32 @!p0 v5, $0x3;
	v3 =	vor.u32 @!p0 v3, v4;
	v4 =	vand.u32 @!p0 $0x7, v5  }
0x146: {  	v6 =	vmul.u32 @!p0 $0x8, v6;
	v4 =	vperm.xlane @!p0 v3, v4;
	_ =	sdelay $0x1  }
0x147: {  	v4 =	vadd.s32 @!p0 v6, v4  }
0x148: {  	v5 =	vor.u32 @!p0 $0x8, v5  }
0x149: {  	v3 =	vperm.xlane @!p0 v3, v5;
	_ =	sdelay $0x1  }
0x14a: {  	vm1 =	vmmov @!p0 $0xffff;
	s4 =	simm.s32 @!p0 $0x800;
	s0 =	simm.s32 @!p0 $0x0;
	v3 =	vadd.s32 @!p0 v6, v3  }
0x14b: {  	[tilespmem:s4], [sflag:$0x1] =	stream.indirect_vreg.gather @!p0 [hbm4b:s1+s0], $0x80, v4, vm1, $0xb8;
	[tilespmem:$0x11000] =	vst v63  }
0x14c: {  	s4 =	simm.s32 @!p0 $0x1000  }
0x14d: {  	[tilespmem:s4], [sflag:$0x1] =	stream.indirect_vreg.gather @!p0 [hbm4b:s6+s0], $0x80, v4, vm1, $0xb8;
	[tilespmem:$0x11000] =	vst v63  }
0x14e: {  	s4 =	simm.s32 @!p0 $0x1800  }
0x14f: {  	[tilespmem:s4], [sflag:$0x1] =	stream.indirect_vreg.gather @!p0 [hbm4b:s1+s0], $0x80, v3, vm1, $0xb8;
	[tilespmem:$0x11000] =	vst v63  }
0x150: {  	s12 =	simm.s32 $0x3;
	s4 =	simm.s32 @!p0 $0x2000  }
0x151: {  	[tilespmem:s4], [sflag:$0x1] =	stream.indirect_vreg.gather @!p0 [hbm4b:s6+s0], $0x80, v3, vm1, $0xb8;
	[tilespmem:$0x11000] =	vst v63  }
0x152: {  	_ =	swait.ge [sflag:s12], $0x2000  }
0x153: {  	s29 =	simm.s32 $0x0;
	s13 =	simm.s32 $0x0;
	[sflag:s12] =	ssyncset.done $0x0  }
0x154: {  	s14 =	sand.u32 $0xC00, s29;
	s0 =	sand.u32 $0x3FFFF000, s13;
	[sflag:s12] =	ssyncadd.s32 $0xFFFFE000  }
0x155: {  	s5 =	sand.u32 $0x40, s29;
	s0 =	sor.u32 s14, s0;
	_ =	swait.ge [sflag:s15], $0x400  }
0x156: {  	s8 =	sor.u32 $0x30, s5;
	s0 =	sadd.s32 $0x4800, s0;
	[sflag:s15] =	ssyncset.done $0x0  }
0x157: {  	s18 =	sor.u32 s8, s0;
	[sflag:s15] =	ssyncadd.s32 $0xFFFFFC00  }
0x158: {  	v3 =	vld [tilespmem:s18+$0x0]  }
0x159: {  	v4 =	vld [tilespmem:s18+$0x80]  }
0x15a: {  	v5 =	vld [tilespmem:s18+$0x100]  }
0x15b: {  	v6 =	vld [tilespmem:s18+$0x180]  }
0x15c: {  	v7 =	vld [tilespmem:s18+$0x200]  }
0x15d: {  	v8 =	vld [tilespmem:s18+$0x280]  }
0x15e: {  	v9 =	vld [tilespmem:s18+$0x300]  }
0x15f: {  	s23 =	sor.u32 s5, s0;
	v10 =	vld [tilespmem:s18+$0x380]  }
0x160: {  	v11 =	vld [tilespmem:s23+$0x0]  }
0x161: {  	v56 =	vld [tilespmem:s23+$0x80]  }
0x162: {  	v57 =	vld [tilespmem:s23+$0x100]  }
0x163: {  	v58 =	vld [tilespmem:s23+$0x180]  }
0x164: {  	v59 =	vld [tilespmem:s23+$0x200]  }
0x165: {  	v60 =	vld [tilespmem:s23+$0x280]  }
0x166: {  	v61 =	vld [tilespmem:s23+$0x300]  }
0x167: {  	s7 =	sor.u32 $0x10, s5;
	v18 =	vld [tilespmem:s23+$0x380]  }
0x168: {  	s13 =	sor.u32 s7, s0  }
0x169: {  	v19 =	vld [tilespmem:s13+$0x100];
	v3 =	vadd.f32 v4, v3;
	v4 =	vadd.f32 v6, v5  }
0x16a: {  	v20 =	vld [tilespmem:s13+$0x180];
	v6 =	vadd.f32 v8, v7;
	v7 =	vadd.f32 v10, v9  }
0x16b: {  	v5 =	vld [tilespmem:s13+$0x0];
	v9 =	vadd.f32 v56, v11;
	v10 =	vadd.f32 v58, v57  }
0x16c: {  	v8 =	vld [tilespmem:s13+$0x80];
	v11 =	vadd.f32 v60, v59;
	v62 =	vadd.f32 v18, v61  }
0x16d: {  	s16 =	simm.s32 $0x0;
	v4 =	vadd.f32 v4, v3;
	v7 =	vadd.f32 v7, v6;
	v3 =	vld [tilespmem:s13+$0x200]  }
0x16e: {  	s4 =	sshrl.u32 s14, $0x2;
	s12 =	sand.u32 $0x3FFFFF80, s16;
	v6 =	vld [tilespmem:s13+$0x280];
	v10 =	vadd.f32 v10, v9;
	v11 =	vadd.f32 v62, v11  }
0x16f: {  	s14 =	sor.u32 $0x20, s5;
	s4 =	sadd.s32 s12, s4;
	v63 =	vadd.f32 v7, v4;
	v4 =	vld [tilespmem:s13+$0x300]  }
0x170: {  	s30 =	sor.u32 s14, s0;
	s4 =	sadd.s32 $0x10800, s4;
	v7 =	vld [tilespmem:s13+$0x380];
	v10 =	vadd.f32 v11, v10  }
0x171: {  	s31 =	simm.s32 $0x0;
	s12 =	simm.s32 $0x0;
	s18 =	sor.u32 s8, s4;
	v11 =	vadd.f32 v20, v19;
	v9 =	vadd.f32 v8, v5;
	v5 =	vld [tilespmem:s30+$0x0]  }
0x172: {  	s0 =	sor.u32 s7, s4;
	s23 =	sor.u32 s14, s4;
	s13 =	sor.u32 s5, s4;
	v8 =	vld [tilespmem:s30+$0x80];
	[tilespmem:s18+$0x0] =	vst v63  }
.LBB2_7:
0x173: {  	s31 =	sadd.s32 $0x4, s31;
	[tilespmem:s13+$0x0] =	vst v10;
	v3 =	vadd.f32 v6, v3;
	v6 =	vadd.f32 v11, v9;
	v9 =	vld [tilespmem:s30+$0x100]  }
0x174: {  	s29 =	sadd.s32 $0x200, s29;
	s4 =	sshll.u32 s31, $0x7;
	p1 =	slt.u32 s31, $0x3C;
	v10 =	vld [tilespmem:s30+$0x180]  }
0x175: {  	s12 =	sadd.s32 $0x40, s12;
	s13 =	sand.u32 $0xC00, s29;
	s4 =	sand.u32 $0x3FFFF000, s4;
	v4 =	vadd.f32 v7, v4;
	v7 =	vld [tilespmem:s30+$0x200]  }
0x176: {  	s16 =	sand.u32 $0x40, s12;
	s4 =	sor.u32 s13, s4;
	v11 =	vld [tilespmem:s30+$0x280]  }
0x177: {  	s18 =	sor.u32 $0x10, s16;
	s5 =	sor.u32 $0x30, s16;
	s4 =	sadd.s32 $0x4800, s4;
	v3 =	vadd.f32 v4, v3;
	v4 =	vadd.f32 v8, v5;
	v5 =	vld [tilespmem:s30+$0x300]  }
0x178: {  	s11 =	sor.u32 $0x20, s16;
	s8 =	sor.u32 s16, s4;
	s7 =	sor.u32 s5, s4;
	v8 =	vld [tilespmem:s30+$0x380]  }
0x179: {  	s14 =	sor.u32 s18, s4;
	s30 =	sor.u32 s11, s4;
	v12 =	vld [tilespmem:s7+$0x0];
	v3 =	vadd.f32 v3, v6;
	v6 =	vadd.f32 v10, v9  }
0x17a: {  	v9 =	vld [tilespmem:s7+$0x80]  }
0x17b: {  	v10 =	vld [tilespmem:s7+$0x100];
	[tilespmem:s0+$0x0] =	vst v3;
	v3 =	vadd.f32 v11, v7;
	v4 =	vadd.f32 v6, v4  }
0x17c: {  	v6 =	vld [tilespmem:s7+$0x180]  }
0x17d: {  	v7 =	vld [tilespmem:s7+$0x200];
	v5 =	vadd.f32 v8, v5  }
0x17e: {  	v8 =	vld [tilespmem:s7+$0x280]  }
0x17f: {  	v11 =	vld [tilespmem:s7+$0x300];
	v3 =	vadd.f32 v5, v3  }
0x180: {  	v5 =	vld [tilespmem:s7+$0x380]  }
0x181: {  	v13 =	vld [tilespmem:s8+$0x0];
	v3 =	vadd.f32 v3, v4  }
0x182: {  	v4 =	vld [tilespmem:s8+$0x80]  }
0x183: {  	v14 =	vld [tilespmem:s8+$0x100];
	[tilespmem:s23+$0x0] =	vst v3  }
0x184: {  	v9 =	vadd.f32 v9, v12;
	v6 =	vadd.f32 v6, v10;
	v3 =	vld [tilespmem:s8+$0x180]  }
0x185: {  	v7 =	vadd.f32 v8, v7;
	v10 =	vld [tilespmem:s8+$0x200];
	v5 =	vadd.f32 v5, v11  }
0x186: {  	s0 =	sshll.u32 s31, $0x2;
	v8 =	vld [tilespmem:s8+$0x280]  }
0x187: {  	s4 =	sshrl.u32 s13, $0x2;
	s0 =	sand.u32 $0x3FFFFF80, s0;
	v6 =	vadd.f32 v6, v9;
	v11 =	vld [tilespmem:s8+$0x300];
	v5 =	vadd.f32 v5, v7  }
0x188: {  	s0 =	sadd.s32 s0, s4;
	v4 =	vadd.f32 v4, v13;
	v7 =	vld [tilespmem:s8+$0x380]  }
0x189: {  	s4 =	sadd.s32 $0x10800, s0;
	v3 =	vadd.f32 v3, v14;
	v9 =	vld [tilespmem:s14+$0x0];
	v5 =	vadd.f32 v5, v6  }
0x18a: {  	s13 =	sor.u32 s16, s4;
	s0 =	sor.u32 s18, s4;
	s5 =	sor.u32 s5, s4;
	v12 =	vld [tilespmem:s14+$0x80]  }
0x18b: {  	s23 =	sor.u32 s11, s4;
	v8 =	vadd.f32 v8, v10;
	v10 =	vadd.f32 v3, v4;
	v13 =	vld [tilespmem:s14+$0x100];
	[tilespmem:s5+$0x0] =	vst v5  }
0x18c: {  	v5 =	vld [tilespmem:s14+$0x180]  }
0x18d: {  	v4 =	vadd.f32 v7, v11;
	v3 =	vld [tilespmem:s14+$0x200]  }
.Ltmp4:
0x18e: {  	v6 =	vld [tilespmem:s14+$0x280];
	(pc) =	sbr.rel @p1 .LBB2_7-.Ltmp4, $4  }
0x18f: {  	v8 =	vadd.f32 v4, v8;
	v9 =	vadd.f32 v12, v9;
	v4 =	vld [tilespmem:s14+$0x300]  }
0x190: {  	v7 =	vld [tilespmem:s14+$0x380]  }
0x191: {  	v10 =	vadd.f32 v8, v10;
	v11 =	vadd.f32 v5, v13;
	v5 =	vld [tilespmem:s30+$0x0]  }
0x192: {  	v8 =	vld [tilespmem:s30+$0x80]  }
0x193: {  	v12 =	vld [tilespmem:s30+$0x100]  }
0x194: {  	v13 =	vld [tilespmem:s30+$0x180]  }
0x195: {  	v14 =	vld [tilespmem:s30+$0x200]  }
0x196: {  	v15 =	vld [tilespmem:s30+$0x280]  }
0x197: {  	v16 =	vld [tilespmem:s30+$0x300]  }
0x198: {  	v17 =	vld [tilespmem:s30+$0x380];
	_ =	sdelay $0x2  }
0x199: {  	v3 =	vadd.f32 v6, v3;
	v4 =	vadd.f32 v7, v4  }
0x19a: {  	v5 =	vadd.f32 v8, v5;
	v6 =	vadd.f32 v13, v12  }
0x19b: {  	v7 =	vadd.f32 v15, v14;
	v8 =	vadd.f32 v17, v16  }
0x19c: {  	v9 =	vadd.f32 v11, v9;
	v3 =	vadd.f32 v4, v3  }
0x19d: {  	v4 =	vadd.f32 v6, v5;
	v5 =	vadd.f32 v8, v7  }
0x19e: {  	v3 =	vadd.f32 v3, v9  }
0x19f: {  	[tilespmem:s13+$0x0] =	vst v10;
	v4 =	vadd.f32 v5, v4  }
0x1a0: {  	[tilespmem:s0+$0x0] =	vst v3  }
0x1a1: {  	[tilespmem:s23+$0x0] =	vst v4  }
0x1a2: {  	s0 =	rddreg [dreg:$0x7]  }
0x1a3: {  	s0 =	sadd.s32 s28, s0  }
0x1a4: {  	[hbm4b:s0+s24] =	stream.strided.scatter [tilespmem:s26], [sflag:$0x9], $0x400, s25, s24, $0x38;
	[tilespmem:$0x11000] =	vst v63  }
0x1a5: {  	v3 =	vld @!p0 [tilespmem:s21+$0x90];
	_ =	sdelay $0x4  }
0x1a6: {  	v4 =	vshll.u32 @!p0 v3, $0x2  }
0x1a7: {  	v5 =	vlaneseq.u32 @!p0;
	v3 =	vand.u32 @!p0 $0x7, v3;
	v4 =	vand.u32 @!p0 $0xFFFFFFE0, v4  }
0x1a8: {  	v6 =	vshrl.u32 @!p0 v5, $0x3;
	v3 =	vor.u32 @!p0 v3, v4;
	v4 =	vand.u32 @!p0 $0x7, v5  }
0x1a9: {  	v6 =	vmul.u32 @!p0 $0x8, v6;
	v4 =	vperm.xlane @!p0 v3, v4;
	_ =	sdelay $0x1  }
0x1aa: {  	v4 =	vadd.s32 @!p0 v6, v4  }
0x1ab: {  	v5 =	vor.u32 @!p0 $0x8, v5  }
0x1ac: {  	v3 =	vperm.xlane @!p0 v3, v5;
	_ =	sdelay $0x1  }
0x1ad: {  	s4 =	simm.s32 @!p0 $0x2800;
	s0 =	simm.s32 @!p0 $0x0;
	v3 =	vadd.s32 @!p0 v6, v3  }
0x1ae: {  	[tilespmem:s4], [sflag:$0x2] =	stream.indirect_vreg.gather @!p0 [hbm4b:s1+s0], $0x80, v4, vm1, $0xb8;
	[tilespmem:$0x11000] =	vst v63  }
0x1af: {  	s4 =	simm.s32 @!p0 $0x3000  }
0x1b0: {  	[tilespmem:s4], [sflag:$0x2] =	stream.indirect_vreg.gather @!p0 [hbm4b:s6+s0], $0x80, v4, vm1, $0xb8;
	[tilespmem:$0x11000] =	vst v63  }
0x1b1: {  	s4 =	simm.s32 @!p0 $0x3800  }
0x1b2: {  	[tilespmem:s4], [sflag:$0x2] =	stream.indirect_vreg.gather @!p0 [hbm4b:s1+s0], $0x80, v3, vm1, $0xb8;
	[tilespmem:$0x11000] =	vst v63  }
0x1b3: {  	s14 =	simm.s32 $0x4;
	s4 =	simm.s32 @!p0 $0x4000  }
0x1b4: {  	[tilespmem:s4], [sflag:$0x2] =	stream.indirect_vreg.gather @!p0 [hbm4b:s6+s0], $0x80, v3, vm1, $0xb8;
	[tilespmem:$0x11000] =	vst v63  }
0x1b5: {  	_ =	swait.ge [sflag:s14], $0x2000  }
0x1b6: {  	s29 =	simm.s32 $0x0;
	s16 =	simm.s32 $0x0;
	[sflag:s14] =	ssyncset.done $0x0  }
0x1b7: {  	s18 =	sand.u32 $0xC00, s29;
	s0 =	sand.u32 $0x3FFFF000, s16;
	[sflag:s14] =	ssyncadd.s32 $0xFFFFE000  }
0x1b8: {  	s5 =	sand.u32 $0x40, s29;
	s0 =	sor.u32 s18, s0;
	_ =	swait.ge [sflag:s17], $0x400  }
0x1b9: {  	s7 =	sor.u32 $0x30, s5;
	s0 =	sadd.s32 $0x6800, s0;
	[sflag:s17] =	ssyncset.done $0x0  }
0x1ba: {  	s8 =	sor.u32 s7, s0;
	[sflag:s17] =	ssyncadd.s32 $0xFFFFFC00  }
0x1bb: {  	v3 =	vld [tilespmem:s8+$0x0]  }
0x1bc: {  	v4 =	vld [tilespmem:s8+$0x80]  }
0x1bd: {  	v5 =	vld [tilespmem:s8+$0x100]  }
0x1be: {  	v6 =	vld [tilespmem:s8+$0x180]  }
0x1bf: {  	v7 =	vld [tilespmem:s8+$0x200]  }
0x1c0: {  	v8 =	vld [tilespmem:s8+$0x280]  }
0x1c1: {  	v9 =	vld [tilespmem:s8+$0x300]  }
0x1c2: {  	s11 =	sor.u32 s5, s0;
	v10 =	vld [tilespmem:s8+$0x380]  }
0x1c3: {  	v11 =	vld [tilespmem:s11+$0x0]  }
0x1c4: {  	v56 =	vld [tilespmem:s11+$0x80]  }
0x1c5: {  	v57 =	vld [tilespmem:s11+$0x100]  }
0x1c6: {  	v58 =	vld [tilespmem:s11+$0x180]  }
0x1c7: {  	v59 =	vld [tilespmem:s11+$0x200]  }
0x1c8: {  	v60 =	vld [tilespmem:s11+$0x280]  }
0x1c9: {  	v61 =	vld [tilespmem:s11+$0x300]  }
0x1ca: {  	s23 =	sor.u32 $0x10, s5;
	v18 =	vld [tilespmem:s11+$0x380]  }
0x1cb: {  	s12 =	sor.u32 s23, s0  }
0x1cc: {  	v19 =	vld [tilespmem:s12+$0x100];
	v3 =	vadd.f32 v4, v3;
	v4 =	vadd.f32 v6, v5  }
0x1cd: {  	v20 =	vld [tilespmem:s12+$0x180];
	v6 =	vadd.f32 v8, v7;
	v7 =	vadd.f32 v10, v9  }
0x1ce: {  	v5 =	vld [tilespmem:s12+$0x0];
	v9 =	vadd.f32 v56, v11;
	v10 =	vadd.f32 v58, v57  }
0x1cf: {  	v8 =	vld [tilespmem:s12+$0x80];
	v11 =	vadd.f32 v60, v59;
	v62 =	vadd.f32 v18, v61  }
0x1d0: {  	s16 =	simm.s32 $0x0;
	v4 =	vadd.f32 v4, v3;
	v7 =	vadd.f32 v7, v6;
	v3 =	vld [tilespmem:s12+$0x200]  }
0x1d1: {  	s4 =	sshrl.u32 s18, $0x2;
	s11 =	sand.u32 $0x3FFFFF80, s16;
	v6 =	vld [tilespmem:s12+$0x280];
	v10 =	vadd.f32 v10, v9;
	v11 =	vadd.f32 v62, v11  }
0x1d2: {  	s14 =	sor.u32 $0x20, s5;
	s4 =	sadd.s32 s11, s4;
	v63 =	vadd.f32 v7, v4;
	v4 =	vld [tilespmem:s12+$0x300]  }
0x1d3: {  	s30 =	sor.u32 s14, s0;
	s4 =	sadd.s32 $0x10C00, s4;
	v7 =	vld [tilespmem:s12+$0x380];
	v10 =	vadd.f32 v11, v10  }
0x1d4: {  	s31 =	simm.s32 $0x0;
	s13 =	sor.u32 s5, s4;
	s18 =	sor.u32 s7, s4;
	v11 =	vadd.f32 v20, v19;
	v9 =	vadd.f32 v8, v5;
	v5 =	vld [tilespmem:s30+$0x0]  }
0x1d5: {  	s0 =	sor.u32 s23, s4;
	s23 =	sor.u32 s14, s4;
	s12 =	simm.s32 $0x0;
	v8 =	vld [tilespmem:s30+$0x80];
	[tilespmem:s18+$0x0] =	vst v63  }
.LBB2_9:
0x1d6: {  	s31 =	sadd.s32 $0x4, s31;
	[tilespmem:s13+$0x0] =	vst v10;
	v3 =	vadd.f32 v6, v3;
	v6 =	vadd.f32 v11, v9;
	v9 =	vld [tilespmem:s30+$0x100]  }
0x1d7: {  	s29 =	sadd.s32 $0x200, s29;
	s4 =	sshll.u32 s31, $0x7;
	p1 =	slt.u32 s31, $0x3C;
	v10 =	vld [tilespmem:s30+$0x180]  }
0x1d8: {  	s12 =	sadd.s32 $0x40, s12;
	s13 =	sand.u32 $0xC00, s29;
	s4 =	sand.u32 $0x3FFFF000, s4;
	v4 =	vadd.f32 v7, v4;
	v7 =	vld [tilespmem:s30+$0x200]  }
0x1d9: {  	s16 =	sand.u32 $0x40, s12;
	s4 =	sor.u32 s13, s4;
	v11 =	vld [tilespmem:s30+$0x280]  }
0x1da: {  	s5 =	sor.u32 $0x10, s16;
	s18 =	sor.u32 $0x30, s16;
	s4 =	sadd.s32 $0x6800, s4;
	v3 =	vadd.f32 v4, v3;
	v4 =	vadd.f32 v8, v5;
	v5 =	vld [tilespmem:s30+$0x300]  }
0x1db: {  	s11 =	sor.u32 $0x20, s16;
	s7 =	sor.u32 s16, s4;
	s8 =	sor.u32 s18, s4;
	v8 =	vld [tilespmem:s30+$0x380]  }
0x1dc: {  	s14 =	sor.u32 s5, s4;
	s30 =	sor.u32 s11, s4;
	v12 =	vld [tilespmem:s8+$0x0];
	v3 =	vadd.f32 v3, v6;
	v6 =	vadd.f32 v10, v9  }
0x1dd: {  	v9 =	vld [tilespmem:s8+$0x80]  }
0x1de: {  	v10 =	vld [tilespmem:s8+$0x100];
	[tilespmem:s0+$0x0] =	vst v3;
	v3 =	vadd.f32 v11, v7;
	v4 =	vadd.f32 v6, v4  }
0x1df: {  	v6 =	vld [tilespmem:s8+$0x180]  }
0x1e0: {  	v7 =	vld [tilespmem:s8+$0x200];
	v5 =	vadd.f32 v8, v5  }
0x1e1: {  	v8 =	vld [tilespmem:s8+$0x280]  }
0x1e2: {  	v11 =	vld [tilespmem:s8+$0x300];
	v3 =	vadd.f32 v5, v3  }
0x1e3: {  	v5 =	vld [tilespmem:s8+$0x380]  }
0x1e4: {  	v13 =	vld [tilespmem:s7+$0x0];
	v3 =	vadd.f32 v3, v4  }
0x1e5: {  	v4 =	vld [tilespmem:s7+$0x80]  }
0x1e6: {  	v14 =	vld [tilespmem:s7+$0x100];
	[tilespmem:s23+$0x0] =	vst v3  }
0x1e7: {  	v9 =	vadd.f32 v9, v12;
	v6 =	vadd.f32 v6, v10;
	v3 =	vld [tilespmem:s7+$0x180]  }
0x1e8: {  	v7 =	vadd.f32 v8, v7;
	v10 =	vld [tilespmem:s7+$0x200];
	v5 =	vadd.f32 v5, v11  }
0x1e9: {  	s0 =	sshll.u32 s31, $0x2;
	v8 =	vld [tilespmem:s7+$0x280]  }
0x1ea: {  	s4 =	sshrl.u32 s13, $0x2;
	s0 =	sand.u32 $0x3FFFFF80, s0;
	v6 =	vadd.f32 v6, v9;
	v11 =	vld [tilespmem:s7+$0x300];
	v5 =	vadd.f32 v5, v7  }
0x1eb: {  	s0 =	sadd.s32 s0, s4;
	v4 =	vadd.f32 v4, v13;
	v7 =	vld [tilespmem:s7+$0x380]  }
0x1ec: {  	s4 =	sadd.s32 $0x10C00, s0;
	v3 =	vadd.f32 v3, v14;
	v9 =	vld [tilespmem:s14+$0x0];
	v5 =	vadd.f32 v5, v6  }
0x1ed: {  	s13 =	sor.u32 s16, s4;
	s0 =	sor.u32 s5, s4;
	s5 =	sor.u32 s18, s4;
	v12 =	vld [tilespmem:s14+$0x80]  }
0x1ee: {  	s23 =	sor.u32 s11, s4;
	v8 =	vadd.f32 v8, v10;
	v10 =	vadd.f32 v3, v4;
	v13 =	vld [tilespmem:s14+$0x100];
	[tilespmem:s5+$0x0] =	vst v5  }
0x1ef: {  	v5 =	vld [tilespmem:s14+$0x180]  }
0x1f0: {  	v4 =	vadd.f32 v7, v11;
	v3 =	vld [tilespmem:s14+$0x200]  }
.Ltmp5:
0x1f1: {  	v6 =	vld [tilespmem:s14+$0x280];
	(pc) =	sbr.rel @p1 .LBB2_9-.Ltmp5, $4  }
0x1f2: {  	v8 =	vadd.f32 v4, v8;
	v9 =	vadd.f32 v12, v9;
	v4 =	vld [tilespmem:s14+$0x300]  }
0x1f3: {  	v7 =	vld [tilespmem:s14+$0x380]  }
0x1f4: {  	v10 =	vadd.f32 v8, v10;
	v11 =	vadd.f32 v5, v13;
	v5 =	vld [tilespmem:s30+$0x0]  }
0x1f5: {  	v8 =	vld [tilespmem:s30+$0x80]  }
0x1f6: {  	v12 =	vld [tilespmem:s30+$0x100]  }
0x1f7: {  	v13 =	vld [tilespmem:s30+$0x180]  }
0x1f8: {  	v14 =	vld [tilespmem:s30+$0x200]  }
0x1f9: {  	v15 =	vld [tilespmem:s30+$0x280]  }
0x1fa: {  	v16 =	vld [tilespmem:s30+$0x300]  }
0x1fb: {  	v17 =	vld [tilespmem:s30+$0x380];
	_ =	sdelay $0x2  }
0x1fc: {  	v3 =	vadd.f32 v6, v3;
	v4 =	vadd.f32 v7, v4  }
0x1fd: {  	v5 =	vadd.f32 v8, v5;
	v6 =	vadd.f32 v13, v12  }
0x1fe: {  	v7 =	vadd.f32 v15, v14;
	v8 =	vadd.f32 v17, v16  }
0x1ff: {  	v9 =	vadd.f32 v11, v9;
	v3 =	vadd.f32 v4, v3  }
0x200: {  	v4 =	vadd.f32 v6, v5;
	v5 =	vadd.f32 v8, v7  }
0x201: {  	v3 =	vadd.f32 v3, v9  }
0x202: {  	[tilespmem:s13+$0x0] =	vst v10;
	v4 =	vadd.f32 v5, v4  }
0x203: {  	[tilespmem:s0+$0x0] =	vst v3  }
0x204: {  	s11 =	sadd.s32 s28, s10;
	[tilespmem:s23+$0x0] =	vst v4  }
0x205: {  	[hbm4b:s11+s24] =	stream.strided.scatter [tilespmem:s2], [sflag:$0xA], $0x400, s25, s24, $0x38;
	[tilespmem:$0x11000] =	vst v63  }
0x206: {  	v3 =	vld @!p0 [tilespmem:s21+$0xA0];
	_ =	sdelay $0x4  }
0x207: {  	v4 =	vshll.u32 @!p0 v3, $0x2  }
0x208: {  	v5 =	vlaneseq.u32 @!p0;
	v3 =	vand.u32 @!p0 $0x7, v3;
	v4 =	vand.u32 @!p0 $0xFFFFFFE0, v4  }
0x209: {  	v6 =	vshrl.u32 @!p0 v5, $0x3;
	v3 =	vor.u32 @!p0 v3, v4;
	v4 =	vand.u32 @!p0 $0x7, v5  }
0x20a: {  	v6 =	vmul.u32 @!p0 $0x8, v6;
	v4 =	vperm.xlane @!p0 v3, v4;
	_ =	sdelay $0x1  }
0x20b: {  	v4 =	vadd.s32 @!p0 v6, v4  }
0x20c: {  	v5 =	vor.u32 @!p0 $0x8, v5  }
0x20d: {  	v3 =	vperm.xlane @!p0 v3, v5;
	_ =	sdelay $0x1  }
0x20e: {  	s4 =	simm.s32 @!p0 $0x4800;
	s0 =	simm.s32 @!p0 $0x0;
	v3 =	vadd.s32 @!p0 v6, v3  }
0x20f: {  	[tilespmem:s4], [sflag:$0x3] =	stream.indirect_vreg.gather @!p0 [hbm4b:s1+s0], $0x80, v4, vm1, $0xb8;
	[tilespmem:$0x11000] =	vst v63  }
0x210: {  	s4 =	simm.s32 @!p0 $0x5000  }
0x211: {  	[tilespmem:s4], [sflag:$0x3] =	stream.indirect_vreg.gather @!p0 [hbm4b:s6+s0], $0x80, v4, vm1, $0xb8;
	[tilespmem:$0x11000] =	vst v63  }
0x212: {  	s4 =	simm.s32 @!p0 $0x5800  }
0x213: {  	[tilespmem:s4], [sflag:$0x3] =	stream.indirect_vreg.gather @!p0 [hbm4b:s1+s0], $0x80, v3, vm1, $0xb8;
	[tilespmem:$0x11000] =	vst v63  }
0x214: {  	s12 =	simm.s32 $0x5;
	s4 =	simm.s32 @!p0 $0x6000  }
0x215: {  	[tilespmem:s4], [sflag:$0x3] =	stream.indirect_vreg.gather @!p0 [hbm4b:s6+s0], $0x80, v3, vm1, $0xb8;
	[tilespmem:$0x11000] =	vst v63  }
0x216: {  	_ =	swait.ge [sflag:s12], $0x2000  }
0x217: {  	s28 =	simm.s32 $0x0;
	s13 =	simm.s32 $0x0;
	[sflag:s12] =	ssyncset.done $0x0  }
0x218: {  	s14 =	sand.u32 $0xC00, s28;
	s0 =	sand.u32 $0x3FFFF000, s13;
	[sflag:s12] =	ssyncadd.s32 $0xFFFFE000  }
0x219: {  	s5 =	sand.u32 $0x40, s28;
	s0 =	sor.u32 s14, s0;
	_ =	swait.ge [sflag:s15], $0x400  }
0x21a: {  	s7 =	sor.u32 $0x30, s5;
	s0 =	sadd.s32 $0x8800, s0;
	[sflag:s15] =	ssyncset.done $0x0  }
0x21b: {  	s8 =	sor.u32 s7, s0;
	[sflag:s15] =	ssyncadd.s32 $0xFFFFFC00  }
0x21c: {  	v3 =	vld [tilespmem:s8+$0x0]  }
0x21d: {  	v4 =	vld [tilespmem:s8+$0x80]  }
0x21e: {  	v5 =	vld [tilespmem:s8+$0x100]  }
0x21f: {  	v6 =	vld [tilespmem:s8+$0x180]  }
0x220: {  	v7 =	vld [tilespmem:s8+$0x200]  }
0x221: {  	v8 =	vld [tilespmem:s8+$0x280]  }
0x222: {  	v9 =	vld [tilespmem:s8+$0x300]  }
0x223: {  	s11 =	sor.u32 s5, s0;
	v10 =	vld [tilespmem:s8+$0x380]  }
0x224: {  	v11 =	vld [tilespmem:s11+$0x0]  }
0x225: {  	v56 =	vld [tilespmem:s11+$0x80]  }
0x226: {  	v57 =	vld [tilespmem:s11+$0x100]  }
0x227: {  	v58 =	vld [tilespmem:s11+$0x180]  }
0x228: {  	v59 =	vld [tilespmem:s11+$0x200]  }
0x229: {  	v60 =	vld [tilespmem:s11+$0x280]  }
0x22a: {  	v61 =	vld [tilespmem:s11+$0x300]  }
0x22b: {  	s16 =	sor.u32 $0x10, s5;
	v18 =	vld [tilespmem:s11+$0x380]  }
0x22c: {  	s12 =	sor.u32 s16, s0  }
0x22d: {  	v19 =	vld [tilespmem:s12+$0x100];
	v3 =	vadd.f32 v4, v3;
	v4 =	vadd.f32 v6, v5  }
0x22e: {  	v20 =	vld [tilespmem:s12+$0x180];
	v6 =	vadd.f32 v8, v7;
	v7 =	vadd.f32 v10, v9  }
0x22f: {  	v5 =	vld [tilespmem:s12+$0x0];
	v9 =	vadd.f32 v56, v11;
	v10 =	vadd.f32 v58, v57  }
0x230: {  	v8 =	vld [tilespmem:s12+$0x80];
	v11 =	vadd.f32 v60, v59;
	v62 =	vadd.f32 v18, v61  }
0x231: {  	s18 =	simm.s32 $0x0;
	v4 =	vadd.f32 v4, v3;
	v7 =	vadd.f32 v7, v6;
	v3 =	vld [tilespmem:s12+$0x200]  }
0x232: {  	s4 =	sshrl.u32 s14, $0x2;
	s11 =	sand.u32 $0x3FFFFF80, s18;
	v6 =	vld [tilespmem:s12+$0x280];
	v10 =	vadd.f32 v10, v9;
	v11 =	vadd.f32 v62, v11  }
0x233: {  	s14 =	sor.u32 $0x20, s5;
	s4 =	sadd.s32 s11, s4;
	v63 =	vadd.f32 v7, v4;
	v4 =	vld [tilespmem:s12+$0x300]  }
0x234: {  	s29 =	sor.u32 s14, s0;
	s4 =	sadd.s32 $0x10800, s4;
	v7 =	vld [tilespmem:s12+$0x380];
	v10 =	vadd.f32 v11, v10  }
0x235: {  	s30 =	simm.s32 $0x0;
	s13 =	sor.u32 s5, s4;
	s23 =	sor.u32 s7, s4;
	v11 =	vadd.f32 v20, v19;
	v9 =	vadd.f32 v8, v5;
	v5 =	vld [tilespmem:s29+$0x0]  }
0x236: {  	s0 =	sor.u32 s16, s4;
	s31 =	sor.u32 s14, s4;
	s12 =	simm.s32 $0x0;
	v8 =	vld [tilespmem:s29+$0x80];
	[tilespmem:s23+$0x0] =	vst v63  }
.LBB2_11:
0x237: {  	s30 =	sadd.s32 $0x4, s30;
	[tilespmem:s13+$0x0] =	vst v10;
	v3 =	vadd.f32 v6, v3;
	v6 =	vadd.f32 v11, v9;
	v9 =	vld [tilespmem:s29+$0x100]  }
0x238: {  	s28 =	sadd.s32 $0x200, s28;
	s4 =	sshll.u32 s30, $0x7;
	p1 =	slt.u32 s30, $0x3C;
	v10 =	vld [tilespmem:s29+$0x180]  }
0x239: {  	s12 =	sadd.s32 $0x40, s12;
	s13 =	sand.u32 $0xC00, s28;
	s4 =	sand.u32 $0x3FFFF000, s4;
	v4 =	vadd.f32 v7, v4;
	v7 =	vld [tilespmem:s29+$0x200]  }
0x23a: {  	s16 =	sand.u32 $0x40, s12;
	s4 =	sor.u32 s13, s4;
	v11 =	vld [tilespmem:s29+$0x280]  }
0x23b: {  	s5 =	sor.u32 $0x10, s16;
	s18 =	sor.u32 $0x30, s16;
	s4 =	sadd.s32 $0x8800, s4;
	v3 =	vadd.f32 v4, v3;
	v4 =	vadd.f32 v8, v5;
	v5 =	vld [tilespmem:s29+$0x300]  }
0x23c: {  	s11 =	sor.u32 $0x20, s16;
	s7 =	sor.u32 s16, s4;
	s8 =	sor.u32 s18, s4;
	v8 =	vld [tilespmem:s29+$0x380]  }
0x23d: {  	s14 =	sor.u32 s5, s4;
	s29 =	sor.u32 s11, s4;
	v12 =	vld [tilespmem:s8+$0x0];
	v3 =	vadd.f32 v3, v6;
	v6 =	vadd.f32 v10, v9  }
0x23e: {  	v9 =	vld [tilespmem:s8+$0x80]  }
0x23f: {  	v10 =	vld [tilespmem:s8+$0x100];
	[tilespmem:s0+$0x0] =	vst v3;
	v3 =	vadd.f32 v11, v7;
	v4 =	vadd.f32 v6, v4  }
0x240: {  	v6 =	vld [tilespmem:s8+$0x180]  }
0x241: {  	v7 =	vld [tilespmem:s8+$0x200];
	v5 =	vadd.f32 v8, v5  }
0x242: {  	v8 =	vld [tilespmem:s8+$0x280]  }
0x243: {  	v11 =	vld [tilespmem:s8+$0x300];
	v3 =	vadd.f32 v5, v3  }
0x244: {  	v5 =	vld [tilespmem:s8+$0x380]  }
0x245: {  	v13 =	vld [tilespmem:s7+$0x0];
	v3 =	vadd.f32 v3, v4  }
0x246: {  	v4 =	vld [tilespmem:s7+$0x80]  }
0x247: {  	v14 =	vld [tilespmem:s7+$0x100];
	[tilespmem:s31+$0x0] =	vst v3  }
0x248: {  	v9 =	vadd.f32 v9, v12;
	v6 =	vadd.f32 v6, v10;
	v3 =	vld [tilespmem:s7+$0x180]  }
0x249: {  	v7 =	vadd.f32 v8, v7;
	v10 =	vld [tilespmem:s7+$0x200];
	v5 =	vadd.f32 v5, v11  }
0x24a: {  	s0 =	sshll.u32 s30, $0x2;
	v8 =	vld [tilespmem:s7+$0x280]  }
0x24b: {  	s4 =	sshrl.u32 s13, $0x2;
	s0 =	sand.u32 $0x3FFFFF80, s0;
	v6 =	vadd.f32 v6, v9;
	v11 =	vld [tilespmem:s7+$0x300];
	v5 =	vadd.f32 v5, v7  }
0x24c: {  	s0 =	sadd.s32 s0, s4;
	v4 =	vadd.f32 v4, v13;
	v7 =	vld [tilespmem:s7+$0x380]  }
0x24d: {  	s4 =	sadd.s32 $0x10800, s0;
	v3 =	vadd.f32 v3, v14;
	v9 =	vld [tilespmem:s14+$0x0];
	v5 =	vadd.f32 v5, v6  }
0x24e: {  	s13 =	sor.u32 s16, s4;
	s0 =	sor.u32 s5, s4;
	s5 =	sor.u32 s18, s4;
	v12 =	vld [tilespmem:s14+$0x80]  }
0x24f: {  	s31 =	sor.u32 s11, s4;
	v8 =	vadd.f32 v8, v10;
	v10 =	vadd.f32 v3, v4;
	v13 =	vld [tilespmem:s14+$0x100];
	[tilespmem:s5+$0x0] =	vst v5  }
0x250: {  	v5 =	vld [tilespmem:s14+$0x180]  }
0x251: {  	v4 =	vadd.f32 v7, v11;
	v3 =	vld [tilespmem:s14+$0x200]  }
.Ltmp6:
0x252: {  	v6 =	vld [tilespmem:s14+$0x280];
	(pc) =	sbr.rel @p1 .LBB2_11-.Ltmp6, $4  }
0x253: {  	v8 =	vadd.f32 v4, v8;
	v9 =	vadd.f32 v12, v9;
	v4 =	vld [tilespmem:s14+$0x300]  }
0x254: {  	v7 =	vld [tilespmem:s14+$0x380]  }
0x255: {  	v10 =	vadd.f32 v8, v10;
	v11 =	vadd.f32 v5, v13;
	v5 =	vld [tilespmem:s29+$0x0]  }
0x256: {  	v8 =	vld [tilespmem:s29+$0x80]  }
0x257: {  	v12 =	vld [tilespmem:s29+$0x100]  }
0x258: {  	v13 =	vld [tilespmem:s29+$0x180]  }
0x259: {  	v14 =	vld [tilespmem:s29+$0x200]  }
0x25a: {  	v15 =	vld [tilespmem:s29+$0x280]  }
0x25b: {  	v16 =	vld [tilespmem:s29+$0x300]  }
0x25c: {  	v17 =	vld [tilespmem:s29+$0x380];
	_ =	sdelay $0x2  }
0x25d: {  	v3 =	vadd.f32 v6, v3;
	v4 =	vadd.f32 v7, v4  }
0x25e: {  	v5 =	vadd.f32 v8, v5;
	v6 =	vadd.f32 v13, v12  }
0x25f: {  	v7 =	vadd.f32 v15, v14;
	v8 =	vadd.f32 v17, v16  }
0x260: {  	v9 =	vadd.f32 v11, v9;
	v3 =	vadd.f32 v4, v3  }
0x261: {  	v4 =	vadd.f32 v6, v5;
	v5 =	vadd.f32 v8, v7  }
0x262: {  	v3 =	vadd.f32 v3, v9  }
0x263: {  	[tilespmem:s13+$0x0] =	vst v10;
	v4 =	vadd.f32 v5, v4  }
0x264: {  	[tilespmem:s0+$0x0] =	vst v3  }
0x265: {  	s0 =	rddreg [dreg:$0x9];
	[tilespmem:s31+$0x0] =	vst v4  }
0x266: {  	s22 =	sadd.s32 s0, s22;
	s12 =	rddreg [dreg:$0x4]  }
0x267: {  	s0 =	sadd.s32 s12, s22  }
0x268: {  	[hbm4b:s0+s24] =	stream.strided.scatter [tilespmem:s26], [sflag:$0x9], $0x400, s25, s24, $0x38;
	[tilespmem:$0x11000] =	vst v63  }
0x269: {  	v3 =	vld @!p0 [tilespmem:s21+$0xB0];
	_ =	sdelay $0x4  }
0x26a: {  	v4 =	vshll.u32 @!p0 v3, $0x2  }
0x26b: {  	v5 =	vlaneseq.u32 @!p0;
	v3 =	vand.u32 @!p0 $0x7, v3;
	v4 =	vand.u32 @!p0 $0xFFFFFFE0, v4  }
0x26c: {  	v6 =	vshrl.u32 @!p0 v5, $0x3;
	v3 =	vor.u32 @!p0 v3, v4;
	v4 =	vand.u32 @!p0 $0x7, v5  }
0x26d: {  	v6 =	vmul.u32 @!p0 $0x8, v6;
	v4 =	vperm.xlane @!p0 v3, v4;
	_ =	sdelay $0x1  }
0x26e: {  	v4 =	vadd.s32 @!p0 v6, v4  }
0x26f: {  	v5 =	vor.u32 @!p0 $0x8, v5  }
0x270: {  	v3 =	vperm.xlane @!p0 v3, v5;
	_ =	sdelay $0x1  }
0x271: {  	s4 =	simm.s32 @!p0 $0x6800;
	s0 =	simm.s32 @!p0 $0x0;
	v3 =	vadd.s32 @!p0 v6, v3  }
0x272: {  	[tilespmem:s4], [sflag:$0x4] =	stream.indirect_vreg.gather @!p0 [hbm4b:s1+s0], $0x80, v4, vm1, $0xb8;
	[tilespmem:$0x11000] =	vst v63  }
0x273: {  	s4 =	simm.s32 @!p0 $0x7000  }
0x274: {  	[tilespmem:s4], [sflag:$0x4] =	stream.indirect_vreg.gather @!p0 [hbm4b:s6+s0], $0x80, v4, vm1, $0xb8;
	[tilespmem:$0x11000] =	vst v63  }
0x275: {  	s4 =	simm.s32 @!p0 $0x7800  }
0x276: {  	[tilespmem:s4], [sflag:$0x4] =	stream.indirect_vreg.gather @!p0 [hbm4b:s1+s0], $0x80, v3, vm1, $0xb8;
	[tilespmem:$0x11000] =	vst v63  }
0x277: {  	s13 =	simm.s32 $0x6;
	s4 =	simm.s32 @!p0 $0x8000  }
0x278: {  	[tilespmem:s4], [sflag:$0x4] =	stream.indirect_vreg.gather @!p0 [hbm4b:s6+s0], $0x80, v3, vm1, $0xb8;
	[tilespmem:$0x11000] =	vst v63  }
0x279: {  	_ =	swait.ge [sflag:s13], $0x2000  }
0x27a: {  	s28 =	simm.s32 $0x0;
	s14 =	simm.s32 $0x0;
	[sflag:s13] =	ssyncset.done $0x0  }
0x27b: {  	s16 =	sand.u32 $0xC00, s28;
	s0 =	sand.u32 $0x3FFFF000, s14;
	[sflag:s13] =	ssyncadd.s32 $0xFFFFE000  }
0x27c: {  	s5 =	sand.u32 $0x40, s28;
	s0 =	sor.u32 s16, s0;
	_ =	swait.ge [sflag:s17], $0x400  }
0x27d: {  	s7 =	sor.u32 $0x30, s5;
	s0 =	sadd.s32 $0xA800, s0;
	[sflag:s17] =	ssyncset.done $0x0  }
0x27e: {  	s8 =	sor.u32 s7, s0;
	[sflag:s17] =	ssyncadd.s32 $0xFFFFFC00  }
0x27f: {  	v3 =	vld [tilespmem:s8+$0x0]  }
0x280: {  	v4 =	vld [tilespmem:s8+$0x80]  }
0x281: {  	v5 =	vld [tilespmem:s8+$0x100]  }
0x282: {  	v6 =	vld [tilespmem:s8+$0x180]  }
0x283: {  	v7 =	vld [tilespmem:s8+$0x200]  }
0x284: {  	v8 =	vld [tilespmem:s8+$0x280]  }
0x285: {  	v9 =	vld [tilespmem:s8+$0x300]  }
0x286: {  	s11 =	sor.u32 s5, s0;
	v10 =	vld [tilespmem:s8+$0x380]  }
0x287: {  	v11 =	vld [tilespmem:s11+$0x0]  }
0x288: {  	v56 =	vld [tilespmem:s11+$0x80]  }
0x289: {  	v57 =	vld [tilespmem:s11+$0x100]  }
0x28a: {  	v58 =	vld [tilespmem:s11+$0x180]  }
0x28b: {  	v59 =	vld [tilespmem:s11+$0x200]  }
0x28c: {  	v60 =	vld [tilespmem:s11+$0x280]  }
0x28d: {  	v61 =	vld [tilespmem:s11+$0x300]  }
0x28e: {  	s18 =	sor.u32 $0x10, s5;
	v18 =	vld [tilespmem:s11+$0x380]  }
0x28f: {  	s12 =	sor.u32 s18, s0  }
0x290: {  	v19 =	vld [tilespmem:s12+$0x100];
	v3 =	vadd.f32 v4, v3;
	v4 =	vadd.f32 v6, v5  }
0x291: {  	v20 =	vld [tilespmem:s12+$0x180];
	v6 =	vadd.f32 v8, v7;
	v7 =	vadd.f32 v10, v9  }
0x292: {  	v5 =	vld [tilespmem:s12+$0x0];
	v9 =	vadd.f32 v56, v11;
	v10 =	vadd.f32 v58, v57  }
0x293: {  	v8 =	vld [tilespmem:s12+$0x80];
	v11 =	vadd.f32 v60, v59;
	v62 =	vadd.f32 v18, v61  }
0x294: {  	s23 =	simm.s32 $0x0;
	v4 =	vadd.f32 v4, v3;
	v7 =	vadd.f32 v7, v6;
	v3 =	vld [tilespmem:s12+$0x200]  }
0x295: {  	s4 =	sshrl.u32 s16, $0x2;
	s11 =	sand.u32 $0x3FFFFF80, s23;
	v6 =	vld [tilespmem:s12+$0x280];
	v10 =	vadd.f32 v10, v9;
	v11 =	vadd.f32 v62, v11  }
0x296: {  	s14 =	sor.u32 $0x20, s5;
	s4 =	sadd.s32 s11, s4;
	v63 =	vadd.f32 v7, v4;
	v4 =	vld [tilespmem:s12+$0x300]  }
0x297: {  	s29 =	sor.u32 s14, s0;
	s4 =	sadd.s32 $0x10C00, s4;
	v7 =	vld [tilespmem:s12+$0x380];
	v10 =	vadd.f32 v11, v10  }
0x298: {  	s30 =	simm.s32 $0x0;
	s13 =	sor.u32 s5, s4;
	s31 =	sor.u32 s7, s4;
	v11 =	vadd.f32 v20, v19;
	v9 =	vadd.f32 v8, v5;
	v5 =	vld [tilespmem:s29+$0x0]  }
0x299: {  	s0 =	sor.u32 s18, s4;
	s23 =	sor.u32 s14, s4;
	s12 =	simm.s32 $0x0;
	v8 =	vld [tilespmem:s29+$0x80];
	[tilespmem:s31+$0x0] =	vst v63  }
.LBB2_13:
0x29a: {  	s30 =	sadd.s32 $0x4, s30;
	[tilespmem:s13+$0x0] =	vst v10;
	v3 =	vadd.f32 v6, v3;
	v6 =	vadd.f32 v11, v9;
	v9 =	vld [tilespmem:s29+$0x100]  }
0x29b: {  	s28 =	sadd.s32 $0x200, s28;
	s4 =	sshll.u32 s30, $0x7;
	p1 =	slt.u32 s30, $0x3C;
	v10 =	vld [tilespmem:s29+$0x180]  }
0x29c: {  	s12 =	sadd.s32 $0x40, s12;
	s13 =	sand.u32 $0xC00, s28;
	s4 =	sand.u32 $0x3FFFF000, s4;
	v4 =	vadd.f32 v7, v4;
	v7 =	vld [tilespmem:s29+$0x200]  }
0x29d: {  	s16 =	sand.u32 $0x40, s12;
	s4 =	sor.u32 s13, s4;
	v11 =	vld [tilespmem:s29+$0x280]  }
0x29e: {  	s5 =	sor.u32 $0x10, s16;
	s18 =	sor.u32 $0x30, s16;
	s4 =	sadd.s32 $0xA800, s4;
	v3 =	vadd.f32 v4, v3;
	v4 =	vadd.f32 v8, v5;
	v5 =	vld [tilespmem:s29+$0x300]  }
0x29f: {  	s11 =	sor.u32 $0x20, s16;
	s7 =	sor.u32 s16, s4;
	s8 =	sor.u32 s18, s4;
	v8 =	vld [tilespmem:s29+$0x380]  }
0x2a0: {  	s14 =	sor.u32 s5, s4;
	s29 =	sor.u32 s11, s4;
	v12 =	vld [tilespmem:s8+$0x0];
	v3 =	vadd.f32 v3, v6;
	v6 =	vadd.f32 v10, v9  }
0x2a1: {  	v9 =	vld [tilespmem:s8+$0x80]  }
0x2a2: {  	v10 =	vld [tilespmem:s8+$0x100];
	[tilespmem:s0+$0x0] =	vst v3;
	v3 =	vadd.f32 v11, v7;
	v4 =	vadd.f32 v6, v4  }
0x2a3: {  	v6 =	vld [tilespmem:s8+$0x180]  }
0x2a4: {  	v7 =	vld [tilespmem:s8+$0x200];
	v5 =	vadd.f32 v8, v5  }
0x2a5: {  	v8 =	vld [tilespmem:s8+$0x280]  }
0x2a6: {  	v11 =	vld [tilespmem:s8+$0x300];
	v3 =	vadd.f32 v5, v3  }
0x2a7: {  	v5 =	vld [tilespmem:s8+$0x380]  }
0x2a8: {  	v13 =	vld [tilespmem:s7+$0x0];
	v3 =	vadd.f32 v3, v4  }
0x2a9: {  	v4 =	vld [tilespmem:s7+$0x80]  }
0x2aa: {  	v14 =	vld [tilespmem:s7+$0x100];
	[tilespmem:s23+$0x0] =	vst v3  }
0x2ab: {  	v9 =	vadd.f32 v9, v12;
	v6 =	vadd.f32 v6, v10;
	v3 =	vld [tilespmem:s7+$0x180]  }
0x2ac: {  	v7 =	vadd.f32 v8, v7;
	v10 =	vld [tilespmem:s7+$0x200];
	v5 =	vadd.f32 v5, v11  }
0x2ad: {  	s0 =	sshll.u32 s30, $0x2;
	v8 =	vld [tilespmem:s7+$0x280]  }
0x2ae: {  	s4 =	sshrl.u32 s13, $0x2;
	s0 =	sand.u32 $0x3FFFFF80, s0;
	v6 =	vadd.f32 v6, v9;
	v11 =	vld [tilespmem:s7+$0x300];
	v5 =	vadd.f32 v5, v7  }
0x2af: {  	s0 =	sadd.s32 s0, s4;
	v4 =	vadd.f32 v4, v13;
	v7 =	vld [tilespmem:s7+$0x380]  }
0x2b0: {  	s4 =	sadd.s32 $0x10C00, s0;
	v3 =	vadd.f32 v3, v14;
	v9 =	vld [tilespmem:s14+$0x0];
	v5 =	vadd.f32 v5, v6  }
0x2b1: {  	s13 =	sor.u32 s16, s4;
	s0 =	sor.u32 s5, s4;
	s5 =	sor.u32 s18, s4;
	v12 =	vld [tilespmem:s14+$0x80]  }
0x2b2: {  	s23 =	sor.u32 s11, s4;
	v8 =	vadd.f32 v8, v10;
	v10 =	vadd.f32 v3, v4;
	v13 =	vld [tilespmem:s14+$0x100];
	[tilespmem:s5+$0x0] =	vst v5  }
0x2b3: {  	v5 =	vld [tilespmem:s14+$0x180]  }
0x2b4: {  	v4 =	vadd.f32 v7, v11;
	v3 =	vld [tilespmem:s14+$0x200]  }
.Ltmp7:
0x2b5: {  	v6 =	vld [tilespmem:s14+$0x280];
	(pc) =	sbr.rel @p1 .LBB2_13-.Ltmp7, $4  }
0x2b6: {  	v8 =	vadd.f32 v4, v8;
	v9 =	vadd.f32 v12, v9;
	v4 =	vld [tilespmem:s14+$0x300]  }
0x2b7: {  	v7 =	vld [tilespmem:s14+$0x380]  }
0x2b8: {  	v10 =	vadd.f32 v8, v10;
	v11 =	vadd.f32 v5, v13;
	v5 =	vld [tilespmem:s29+$0x0]  }
0x2b9: {  	v8 =	vld [tilespmem:s29+$0x80]  }
0x2ba: {  	v12 =	vld [tilespmem:s29+$0x100]  }
0x2bb: {  	v13 =	vld [tilespmem:s29+$0x180]  }
0x2bc: {  	v14 =	vld [tilespmem:s29+$0x200]  }
0x2bd: {  	v15 =	vld [tilespmem:s29+$0x280]  }
0x2be: {  	v16 =	vld [tilespmem:s29+$0x300]  }
0x2bf: {  	v17 =	vld [tilespmem:s29+$0x380];
	_ =	sdelay $0x2  }
0x2c0: {  	v3 =	vadd.f32 v6, v3;
	v4 =	vadd.f32 v7, v4  }
0x2c1: {  	v5 =	vadd.f32 v8, v5;
	v6 =	vadd.f32 v13, v12  }
0x2c2: {  	v7 =	vadd.f32 v15, v14;
	v8 =	vadd.f32 v17, v16  }
0x2c3: {  	v9 =	vadd.f32 v11, v9;
	v3 =	vadd.f32 v4, v3  }
0x2c4: {  	v4 =	vadd.f32 v6, v5;
	v5 =	vadd.f32 v8, v7  }
0x2c5: {  	v3 =	vadd.f32 v3, v9  }
0x2c6: {  	[tilespmem:s13+$0x0] =	vst v10;
	v4 =	vadd.f32 v5, v4  }
0x2c7: {  	[tilespmem:s0+$0x0] =	vst v3  }
0x2c8: {  	[tilespmem:s23+$0x0] =	vst v4  }
0x2c9: {  	s0 =	rddreg [dreg:$0x6]  }
0x2ca: {  	s0 =	sadd.s32 s22, s0  }
0x2cb: {  	[hbm4b:s0+s24] =	stream.strided.scatter [tilespmem:s2], [sflag:$0xA], $0x400, s25, s24, $0x38;
	[tilespmem:$0x11000] =	vst v63  }
0x2cc: {  	v3 =	vld @!p0 [tilespmem:s21+$0xC0];
	_ =	sdelay $0x4  }
0x2cd: {  	v4 =	vshll.u32 @!p0 v3, $0x2  }
0x2ce: {  	v5 =	vlaneseq.u32 @!p0;
	v3 =	vand.u32 @!p0 $0x7, v3;
	v4 =	vand.u32 @!p0 $0xFFFFFFE0, v4  }
0x2cf: {  	v6 =	vshrl.u32 @!p0 v5, $0x3;
	v3 =	vor.u32 @!p0 v3, v4;
	v4 =	vand.u32 @!p0 $0x7, v5  }
0x2d0: {  	v6 =	vmul.u32 @!p0 $0x8, v6;
	v4 =	vperm.xlane @!p0 v3, v4;
	_ =	sdelay $0x1  }
0x2d1: {  	v4 =	vadd.s32 @!p0 v6, v4  }
0x2d2: {  	v5 =	vor.u32 @!p0 $0x8, v5  }
0x2d3: {  	v3 =	vperm.xlane @!p0 v3, v5;
	_ =	sdelay $0x1  }
0x2d4: {  	s4 =	simm.s32 @!p0 $0x8800;
	s0 =	simm.s32 @!p0 $0x0;
	v3 =	vadd.s32 @!p0 v6, v3  }
0x2d5: {  	[tilespmem:s4], [sflag:$0x5] =	stream.indirect_vreg.gather @!p0 [hbm4b:s1+s0], $0x80, v4, vm1, $0xb8;
	[tilespmem:$0x11000] =	vst v63  }
0x2d6: {  	s4 =	simm.s32 @!p0 $0x9000  }
0x2d7: {  	[tilespmem:s4], [sflag:$0x5] =	stream.indirect_vreg.gather @!p0 [hbm4b:s6+s0], $0x80, v4, vm1, $0xb8;
	[tilespmem:$0x11000] =	vst v63  }
0x2d8: {  	s4 =	simm.s32 @!p0 $0x9800  }
0x2d9: {  	[tilespmem:s4], [sflag:$0x5] =	stream.indirect_vreg.gather @!p0 [hbm4b:s1+s0], $0x80, v3, vm1, $0xb8;
	[tilespmem:$0x11000] =	vst v63  }
0x2da: {  	s13 =	simm.s32 $0x7;
	s4 =	simm.s32 @!p0 $0xA000  }
0x2db: {  	[tilespmem:s4], [sflag:$0x5] =	stream.indirect_vreg.gather @!p0 [hbm4b:s6+s0], $0x80, v3, vm1, $0xb8;
	[tilespmem:$0x11000] =	vst v63  }
0x2dc: {  	_ =	swait.ge [sflag:s13], $0x2000  }
0x2dd: {  	s28 =	simm.s32 $0x0;
	s14 =	simm.s32 $0x0;
	[sflag:s13] =	ssyncset.done $0x0  }
0x2de: {  	s16 =	sand.u32 $0xC00, s28;
	s0 =	sand.u32 $0x3FFFF000, s14;
	[sflag:s13] =	ssyncadd.s32 $0xFFFFE000  }
0x2df: {  	s5 =	sand.u32 $0x40, s28;
	s0 =	sor.u32 s16, s0;
	_ =	swait.ge [sflag:s15], $0x400  }
0x2e0: {  	s7 =	sor.u32 $0x30, s5;
	s0 =	sadd.s32 $0xC800, s0;
	[sflag:s15] =	ssyncset.done $0x0  }
0x2e1: {  	s8 =	sor.u32 s7, s0;
	[sflag:s15] =	ssyncadd.s32 $0xFFFFFC00  }
0x2e2: {  	v3 =	vld [tilespmem:s8+$0x0]  }
0x2e3: {  	v4 =	vld [tilespmem:s8+$0x80]  }
0x2e4: {  	v5 =	vld [tilespmem:s8+$0x100]  }
0x2e5: {  	v6 =	vld [tilespmem:s8+$0x180]  }
0x2e6: {  	v7 =	vld [tilespmem:s8+$0x200]  }
0x2e7: {  	v8 =	vld [tilespmem:s8+$0x280]  }
0x2e8: {  	v9 =	vld [tilespmem:s8+$0x300]  }
0x2e9: {  	s11 =	sor.u32 s5, s0;
	v10 =	vld [tilespmem:s8+$0x380]  }
0x2ea: {  	v11 =	vld [tilespmem:s11+$0x0]  }
0x2eb: {  	v56 =	vld [tilespmem:s11+$0x80]  }
0x2ec: {  	v57 =	vld [tilespmem:s11+$0x100]  }
0x2ed: {  	v58 =	vld [tilespmem:s11+$0x180]  }
0x2ee: {  	v59 =	vld [tilespmem:s11+$0x200]  }
0x2ef: {  	v60 =	vld [tilespmem:s11+$0x280]  }
0x2f0: {  	v61 =	vld [tilespmem:s11+$0x300]  }
0x2f1: {  	s18 =	sor.u32 $0x10, s5;
	v18 =	vld [tilespmem:s11+$0x380]  }
0x2f2: {  	s12 =	sor.u32 s18, s0  }
0x2f3: {  	v19 =	vld [tilespmem:s12+$0x100];
	v3 =	vadd.f32 v4, v3;
	v4 =	vadd.f32 v6, v5  }
0x2f4: {  	v20 =	vld [tilespmem:s12+$0x180];
	v6 =	vadd.f32 v8, v7;
	v7 =	vadd.f32 v10, v9  }
0x2f5: {  	v5 =	vld [tilespmem:s12+$0x0];
	v9 =	vadd.f32 v56, v11;
	v10 =	vadd.f32 v58, v57  }
0x2f6: {  	v8 =	vld [tilespmem:s12+$0x80];
	v11 =	vadd.f32 v60, v59;
	v62 =	vadd.f32 v18, v61  }
0x2f7: {  	s23 =	simm.s32 $0x0;
	v4 =	vadd.f32 v4, v3;
	v7 =	vadd.f32 v7, v6;
	v3 =	vld [tilespmem:s12+$0x200]  }
0x2f8: {  	s4 =	sshrl.u32 s16, $0x2;
	s11 =	sand.u32 $0x3FFFFF80, s23;
	v6 =	vld [tilespmem:s12+$0x280];
	v10 =	vadd.f32 v10, v9;
	v11 =	vadd.f32 v62, v11  }
0x2f9: {  	s14 =	sor.u32 $0x20, s5;
	s4 =	sadd.s32 s11, s4;
	v63 =	vadd.f32 v7, v4;
	v4 =	vld [tilespmem:s12+$0x300]  }
0x2fa: {  	s29 =	sor.u32 s14, s0;
	s4 =	sadd.s32 $0x10800, s4;
	v7 =	vld [tilespmem:s12+$0x380];
	v10 =	vadd.f32 v11, v10  }
0x2fb: {  	s30 =	simm.s32 $0x0;
	s13 =	sor.u32 s5, s4;
	s31 =	sor.u32 s7, s4;
	v11 =	vadd.f32 v20, v19;
	v9 =	vadd.f32 v8, v5;
	v5 =	vld [tilespmem:s29+$0x0]  }
0x2fc: {  	s0 =	sor.u32 s18, s4;
	s23 =	sor.u32 s14, s4;
	s12 =	simm.s32 $0x0;
	v8 =	vld [tilespmem:s29+$0x80];
	[tilespmem:s31+$0x0] =	vst v63  }
.LBB2_15:
0x2fd: {  	s30 =	sadd.s32 $0x4, s30;
	[tilespmem:s13+$0x0] =	vst v10;
	v3 =	vadd.f32 v6, v3;
	v6 =	vadd.f32 v11, v9;
	v9 =	vld [tilespmem:s29+$0x100]  }
0x2fe: {  	s28 =	sadd.s32 $0x200, s28;
	s4 =	sshll.u32 s30, $0x7;
	p1 =	slt.u32 s30, $0x3C;
	v10 =	vld [tilespmem:s29+$0x180]  }
0x2ff: {  	s12 =	sadd.s32 $0x40, s12;
	s13 =	sand.u32 $0xC00, s28;
	s4 =	sand.u32 $0x3FFFF000, s4;
	v4 =	vadd.f32 v7, v4;
	v7 =	vld [tilespmem:s29+$0x200]  }
0x300: {  	s16 =	sand.u32 $0x40, s12;
	s4 =	sor.u32 s13, s4;
	v11 =	vld [tilespmem:s29+$0x280]  }
0x301: {  	s5 =	sor.u32 $0x10, s16;
	s18 =	sor.u32 $0x30, s16;
	s4 =	sadd.s32 $0xC800, s4;
	v3 =	vadd.f32 v4, v3;
	v4 =	vadd.f32 v8, v5;
	v5 =	vld [tilespmem:s29+$0x300]  }
0x302: {  	s11 =	sor.u32 $0x20, s16;
	s7 =	sor.u32 s16, s4;
	s8 =	sor.u32 s18, s4;
	v8 =	vld [tilespmem:s29+$0x380]  }
0x303: {  	s14 =	sor.u32 s5, s4;
	s29 =	sor.u32 s11, s4;
	v12 =	vld [tilespmem:s8+$0x0];
	v3 =	vadd.f32 v3, v6;
	v6 =	vadd.f32 v10, v9  }
0x304: {  	v9 =	vld [tilespmem:s8+$0x80]  }
0x305: {  	v10 =	vld [tilespmem:s8+$0x100];
	[tilespmem:s0+$0x0] =	vst v3;
	v3 =	vadd.f32 v11, v7;
	v4 =	vadd.f32 v6, v4  }
0x306: {  	v6 =	vld [tilespmem:s8+$0x180]  }
0x307: {  	v7 =	vld [tilespmem:s8+$0x200];
	v5 =	vadd.f32 v8, v5  }
0x308: {  	v8 =	vld [tilespmem:s8+$0x280]  }
0x309: {  	v11 =	vld [tilespmem:s8+$0x300];
	v3 =	vadd.f32 v5, v3  }
0x30a: {  	v5 =	vld [tilespmem:s8+$0x380]  }
0x30b: {  	v13 =	vld [tilespmem:s7+$0x0];
	v3 =	vadd.f32 v3, v4  }
0x30c: {  	v4 =	vld [tilespmem:s7+$0x80]  }
0x30d: {  	v14 =	vld [tilespmem:s7+$0x100];
	[tilespmem:s23+$0x0] =	vst v3  }
0x30e: {  	v9 =	vadd.f32 v9, v12;
	v6 =	vadd.f32 v6, v10;
	v3 =	vld [tilespmem:s7+$0x180]  }
0x30f: {  	v7 =	vadd.f32 v8, v7;
	v10 =	vld [tilespmem:s7+$0x200];
	v5 =	vadd.f32 v5, v11  }
0x310: {  	s0 =	sshll.u32 s30, $0x2;
	v8 =	vld [tilespmem:s7+$0x280]  }
0x311: {  	s4 =	sshrl.u32 s13, $0x2;
	s0 =	sand.u32 $0x3FFFFF80, s0;
	v6 =	vadd.f32 v6, v9;
	v11 =	vld [tilespmem:s7+$0x300];
	v5 =	vadd.f32 v5, v7  }
0x312: {  	s0 =	sadd.s32 s0, s4;
	v4 =	vadd.f32 v4, v13;
	v7 =	vld [tilespmem:s7+$0x380]  }
0x313: {  	s4 =	sadd.s32 $0x10800, s0;
	v3 =	vadd.f32 v3, v14;
	v9 =	vld [tilespmem:s14+$0x0];
	v5 =	vadd.f32 v5, v6  }
0x314: {  	s13 =	sor.u32 s16, s4;
	s0 =	sor.u32 s5, s4;
	s5 =	sor.u32 s18, s4;
	v12 =	vld [tilespmem:s14+$0x80]  }
0x315: {  	s23 =	sor.u32 s11, s4;
	v8 =	vadd.f32 v8, v10;
	v10 =	vadd.f32 v3, v4;
	v13 =	vld [tilespmem:s14+$0x100];
	[tilespmem:s5+$0x0] =	vst v5  }
0x316: {  	v5 =	vld [tilespmem:s14+$0x180]  }
0x317: {  	v4 =	vadd.f32 v7, v11;
	v3 =	vld [tilespmem:s14+$0x200]  }
.Ltmp8:
0x318: {  	v6 =	vld [tilespmem:s14+$0x280];
	(pc) =	sbr.rel @p1 .LBB2_15-.Ltmp8, $4  }
0x319: {  	v8 =	vadd.f32 v4, v8;
	v9 =	vadd.f32 v12, v9;
	v4 =	vld [tilespmem:s14+$0x300]  }
0x31a: {  	v7 =	vld [tilespmem:s14+$0x380]  }
0x31b: {  	v10 =	vadd.f32 v8, v10;
	v11 =	vadd.f32 v5, v13;
	v5 =	vld [tilespmem:s29+$0x0]  }
0x31c: {  	v8 =	vld [tilespmem:s29+$0x80]  }
0x31d: {  	v12 =	vld [tilespmem:s29+$0x100]  }
0x31e: {  	v13 =	vld [tilespmem:s29+$0x180]  }
0x31f: {  	v14 =	vld [tilespmem:s29+$0x200]  }
0x320: {  	v15 =	vld [tilespmem:s29+$0x280]  }
0x321: {  	v16 =	vld [tilespmem:s29+$0x300]  }
0x322: {  	v17 =	vld [tilespmem:s29+$0x380];
	_ =	sdelay $0x2  }
0x323: {  	v3 =	vadd.f32 v6, v3;
	v4 =	vadd.f32 v7, v4  }
0x324: {  	v5 =	vadd.f32 v8, v5;
	v6 =	vadd.f32 v13, v12  }
0x325: {  	v7 =	vadd.f32 v15, v14;
	v8 =	vadd.f32 v17, v16  }
0x326: {  	v9 =	vadd.f32 v11, v9;
	v3 =	vadd.f32 v4, v3  }
0x327: {  	v4 =	vadd.f32 v6, v5;
	v5 =	vadd.f32 v8, v7  }
0x328: {  	v3 =	vadd.f32 v3, v9  }
0x329: {  	[tilespmem:s13+$0x0] =	vst v10;
	v4 =	vadd.f32 v5, v4  }
0x32a: {  	[tilespmem:s0+$0x0] =	vst v3  }
0x32b: {  	[tilespmem:s23+$0x0] =	vst v4  }
0x32c: {  	s0 =	rddreg [dreg:$0x7]  }
0x32d: {  	s0 =	sadd.s32 s22, s0  }
0x32e: {  	[hbm4b:s0+s24] =	stream.strided.scatter [tilespmem:s26], [sflag:$0x9], $0x400, s25, s24, $0x38;
	[tilespmem:$0x11000] =	vst v63  }
0x32f: {  	v3 =	vld @!p0 [tilespmem:s21+$0xD0];
	_ =	sdelay $0x4  }
0x330: {  	v4 =	vshll.u32 @!p0 v3, $0x2  }
0x331: {  	v5 =	vlaneseq.u32 @!p0;
	v3 =	vand.u32 @!p0 $0x7, v3;
	v4 =	vand.u32 @!p0 $0xFFFFFFE0, v4  }
0x332: {  	v6 =	vshrl.u32 @!p0 v5, $0x3;
	v3 =	vor.u32 @!p0 v3, v4;
	v4 =	vand.u32 @!p0 $0x7, v5  }
0x333: {  	v6 =	vmul.u32 @!p0 $0x8, v6;
	v4 =	vperm.xlane @!p0 v3, v4;
	_ =	sdelay $0x1  }
0x334: {  	v4 =	vadd.s32 @!p0 v6, v4  }
0x335: {  	v5 =	vor.u32 @!p0 $0x8, v5  }
0x336: {  	v3 =	vperm.xlane @!p0 v3, v5;
	_ =	sdelay $0x1  }
0x337: {  	s4 =	simm.s32 @!p0 $0xA800;
	s0 =	simm.s32 @!p0 $0x0;
	v3 =	vadd.s32 @!p0 v6, v3  }
0x338: {  	[tilespmem:s4], [sflag:$0x6] =	stream.indirect_vreg.gather @!p0 [hbm4b:s1+s0], $0x80, v4, vm1, $0xb8;
	[tilespmem:$0x11000] =	vst v63  }
0x339: {  	s4 =	simm.s32 @!p0 $0xB000  }
0x33a: {  	[tilespmem:s4], [sflag:$0x6] =	stream.indirect_vreg.gather @!p0 [hbm4b:s6+s0], $0x80, v4, vm1, $0xb8;
	[tilespmem:$0x11000] =	vst v63  }
0x33b: {  	s4 =	simm.s32 @!p0 $0xB800  }
0x33c: {  	[tilespmem:s4], [sflag:$0x6] =	stream.indirect_vreg.gather @!p0 [hbm4b:s1+s0], $0x80, v3, vm1, $0xb8;
	[tilespmem:$0x11000] =	vst v63  }
0x33d: {  	s16 =	simm.s32 $0x8;
	s4 =	simm.s32 @!p0 $0xC000  }
0x33e: {  	[tilespmem:s4], [sflag:$0x6] =	stream.indirect_vreg.gather @!p0 [hbm4b:s6+s0], $0x80, v3, vm1, $0xb8;
	[tilespmem:$0x11000] =	vst v63  }
0x33f: {  	_ =	swait.ge [sflag:s16], $0x2000  }
0x340: {  	s18 =	simm.s32 $0x0;
	s21 =	simm.s32 $0x0;
	[sflag:s16] =	ssyncset.done $0x0  }
0x341: {  	s22 =	sand.u32 $0xC00, s21;
	s0 =	sand.u32 $0x3FFFF000, s18;
	[sflag:s16] =	ssyncadd.s32 $0xFFFFE000  }
0x342: {  	s5 =	sand.u32 $0x40, s21;
	s0 =	sor.u32 s22, s0;
	_ =	swait.ge [sflag:s17], $0x400  }
0x343: {  	s7 =	sor.u32 $0x30, s5;
	s0 =	sadd.s32 $0xE800, s0;
	[sflag:s17] =	ssyncset.done $0x0  }
0x344: {  	s8 =	sor.u32 s7, s0;
	[sflag:s17] =	ssyncadd.s32 $0xFFFFFC00  }
0x345: {  	v3 =	vld [tilespmem:s8+$0x0]  }
0x346: {  	v4 =	vld [tilespmem:s8+$0x80]  }
0x347: {  	v5 =	vld [tilespmem:s8+$0x100]  }
0x348: {  	v6 =	vld [tilespmem:s8+$0x180]  }
0x349: {  	v7 =	vld [tilespmem:s8+$0x200]  }
0x34a: {  	v8 =	vld [tilespmem:s8+$0x280]  }
0x34b: {  	v9 =	vld [tilespmem:s8+$0x300]  }
0x34c: {  	s11 =	sor.u32 s5, s0;
	v10 =	vld [tilespmem:s8+$0x380]  }
0x34d: {  	v11 =	vld [tilespmem:s11+$0x0]  }
0x34e: {  	v56 =	vld [tilespmem:s11+$0x80]  }
0x34f: {  	v57 =	vld [tilespmem:s11+$0x100]  }
0x350: {  	v58 =	vld [tilespmem:s11+$0x180]  }
0x351: {  	v59 =	vld [tilespmem:s11+$0x200]  }
0x352: {  	v60 =	vld [tilespmem:s11+$0x280]  }
0x353: {  	v61 =	vld [tilespmem:s11+$0x300]  }
0x354: {  	s23 =	sor.u32 $0x10, s5;
	v18 =	vld [tilespmem:s11+$0x380]  }
0x355: {  	s12 =	sor.u32 s23, s0  }
0x356: {  	v19 =	vld [tilespmem:s12+$0x100];
	v3 =	vadd.f32 v4, v3;
	v4 =	vadd.f32 v6, v5  }
0x357: {  	v20 =	vld [tilespmem:s12+$0x180];
	v6 =	vadd.f32 v8, v7;
	v7 =	vadd.f32 v10, v9  }
0x358: {  	v5 =	vld [tilespmem:s12+$0x0];
	v9 =	vadd.f32 v56, v11;
	v10 =	vadd.f32 v58, v57  }
0x359: {  	v8 =	vld [tilespmem:s12+$0x80];
	v11 =	vadd.f32 v60, v59;
	v62 =	vadd.f32 v18, v61  }
0x35a: {  	s30 =	simm.s32 $0x0;
	v4 =	vadd.f32 v4, v3;
	v7 =	vadd.f32 v7, v6;
	v3 =	vld [tilespmem:s12+$0x200]  }
0x35b: {  	s4 =	sshrl.u32 s22, $0x2;
	s11 =	sand.u32 $0x3FFFFF80, s30;
	v6 =	vld [tilespmem:s12+$0x280];
	v10 =	vadd.f32 v10, v9;
	v11 =	vadd.f32 v62, v11  }
0x35c: {  	s14 =	sor.u32 $0x20, s5;
	s4 =	sadd.s32 s11, s4;
	v63 =	vadd.f32 v7, v4;
	v4 =	vld [tilespmem:s12+$0x300]  }
0x35d: {  	s22 =	sor.u32 s14, s0;
	s31 =	sadd.s32 $0x10C00, s4;
	v7 =	vld [tilespmem:s12+$0x380];
	v10 =	vadd.f32 v11, v10  }
0x35e: {  	s28 =	simm.s32 $0x0;
	s13 =	sor.u32 s5, s31;
	s4 =	sor.u32 s7, s31;
	v11 =	vadd.f32 v20, v19;
	v9 =	vadd.f32 v8, v5;
	v5 =	vld [tilespmem:s22+$0x0]  }
0x35f: {  	s23 =	sor.u32 s23, s31;
	s29 =	sor.u32 s14, s31;
	s12 =	simm.s32 $0x0;
	v8 =	vld [tilespmem:s22+$0x80];
	[tilespmem:s4+$0x0] =	vst v63  }
.LBB2_17:
0x360: {  	s28 =	sadd.s32 $0x4, s28;
	[tilespmem:s13+$0x0] =	vst v10;
	v3 =	vadd.f32 v6, v3;
	v6 =	vadd.f32 v11, v9;
	v9 =	vld [tilespmem:s22+$0x100]  }
0x361: {  	s21 =	sadd.s32 $0x200, s21;
	s0 =	sshll.u32 s28, $0x7;
	p1 =	slt.u32 s28, $0x3C;
	v10 =	vld [tilespmem:s22+$0x180]  }
0x362: {  	s12 =	sadd.s32 $0x40, s12;
	s13 =	sand.u32 $0xC00, s21;
	s0 =	sand.u32 $0x3FFFF000, s0;
	v4 =	vadd.f32 v7, v4;
	v7 =	vld [tilespmem:s22+$0x200]  }
0x363: {  	s14 =	sand.u32 $0x40, s12;
	s0 =	sor.u32 s13, s0;
	v11 =	vld [tilespmem:s22+$0x280]  }
0x364: {  	s5 =	sor.u32 $0x10, s14;
	s16 =	sor.u32 $0x30, s14;
	s4 =	sadd.s32 $0xE800, s0;
	v3 =	vadd.f32 v4, v3;
	v4 =	vadd.f32 v8, v5;
	v5 =	vld [tilespmem:s22+$0x300]  }
0x365: {  	s11 =	sor.u32 $0x20, s14;
	s7 =	sor.u32 s14, s4;
	s8 =	sor.u32 s16, s4;
	v8 =	vld [tilespmem:s22+$0x380]  }
0x366: {  	s0 =	sor.u32 s5, s4;
	s22 =	sor.u32 s11, s4;
	v12 =	vld [tilespmem:s8+$0x0];
	v3 =	vadd.f32 v3, v6;
	v6 =	vadd.f32 v10, v9  }
0x367: {  	v9 =	vld [tilespmem:s8+$0x80]  }
0x368: {  	v10 =	vld [tilespmem:s8+$0x100];
	[tilespmem:s23+$0x0] =	vst v3;
	v3 =	vadd.f32 v11, v7;
	v4 =	vadd.f32 v6, v4  }
0x369: {  	v6 =	vld [tilespmem:s8+$0x180]  }
0x36a: {  	v7 =	vld [tilespmem:s8+$0x200];
	v5 =	vadd.f32 v8, v5  }
0x36b: {  	v8 =	vld [tilespmem:s8+$0x280]  }
0x36c: {  	v11 =	vld [tilespmem:s8+$0x300];
	v3 =	vadd.f32 v5, v3  }
0x36d: {  	v5 =	vld [tilespmem:s8+$0x380]  }
0x36e: {  	v13 =	vld [tilespmem:s7+$0x0];
	v3 =	vadd.f32 v3, v4  }
0x36f: {  	v4 =	vld [tilespmem:s7+$0x80]  }
0x370: {  	v14 =	vld [tilespmem:s7+$0x100];
	[tilespmem:s29+$0x0] =	vst v3  }
0x371: {  	v9 =	vadd.f32 v9, v12;
	v6 =	vadd.f32 v6, v10;
	v3 =	vld [tilespmem:s7+$0x180]  }
0x372: {  	v7 =	vadd.f32 v8, v7;
	v10 =	vld [tilespmem:s7+$0x200];
	v5 =	vadd.f32 v5, v11  }
0x373: {  	s4 =	sshll.u32 s28, $0x2;
	v8 =	vld [tilespmem:s7+$0x280]  }
0x374: {  	s4 =	sand.u32 $0x3FFFFF80, s4;
	s8 =	sshrl.u32 s13, $0x2;
	v6 =	vadd.f32 v6, v9;
	v11 =	vld [tilespmem:s7+$0x300];
	v5 =	vadd.f32 v5, v7  }
0x375: {  	s4 =	sadd.s32 s4, s8;
	v4 =	vadd.f32 v4, v13;
	v7 =	vld [tilespmem:s7+$0x380]  }
0x376: {  	s4 =	sadd.s32 $0x10C00, s4;
	v3 =	vadd.f32 v3, v14;
	v9 =	vld [tilespmem:s0+$0x0];
	v5 =	vadd.f32 v5, v6  }
0x377: {  	s13 =	sor.u32 s14, s4;
	s23 =	sor.u32 s5, s4;
	s5 =	sor.u32 s16, s4;
	v12 =	vld [tilespmem:s0+$0x80]  }
0x378: {  	s29 =	sor.u32 s11, s4;
	v8 =	vadd.f32 v8, v10;
	v10 =	vadd.f32 v3, v4;
	v13 =	vld [tilespmem:s0+$0x100];
	[tilespmem:s5+$0x0] =	vst v5  }
0x379: {  	v5 =	vld [tilespmem:s0+$0x180]  }
0x37a: {  	v4 =	vadd.f32 v7, v11;
	v3 =	vld [tilespmem:s0+$0x200]  }
.Ltmp9:
0x37b: {  	v6 =	vld [tilespmem:s0+$0x280];
	(pc) =	sbr.rel @p1 .LBB2_17-.Ltmp9, $4  }
0x37c: {  	v8 =	vadd.f32 v4, v8;
	v9 =	vadd.f32 v12, v9;
	v4 =	vld [tilespmem:s0+$0x300]  }
0x37d: {  	v7 =	vld [tilespmem:s0+$0x380]  }
0x37e: {  	v10 =	vadd.f32 v8, v10;
	v11 =	vadd.f32 v5, v13;
	v5 =	vld [tilespmem:s22+$0x0]  }
0x37f: {  	v8 =	vld [tilespmem:s22+$0x80]  }
0x380: {  	v12 =	vld [tilespmem:s22+$0x100]  }
0x381: {  	v13 =	vld [tilespmem:s22+$0x180]  }
0x382: {  	v14 =	vld [tilespmem:s22+$0x200]  }
0x383: {  	v15 =	vld [tilespmem:s22+$0x280]  }
0x384: {  	v16 =	vld [tilespmem:s22+$0x300]  }
0x385: {  	v17 =	vld [tilespmem:s22+$0x380];
	_ =	sdelay $0x2  }
0x386: {  	v3 =	vadd.f32 v6, v3;
	v4 =	vadd.f32 v7, v4  }
0x387: {  	v5 =	vadd.f32 v8, v5;
	v59 =	vadd.f32 v13, v12  }
0x388: {  	v60 =	vadd.f32 v15, v14;
	v61 =	vadd.f32 v17, v16  }
0x389: {  	v9 =	vadd.f32 v11, v9;
	v3 =	vadd.f32 v4, v3  }
0x38a: {  	v62 =	vadd.f32 v59, v5;
	v63 =	vadd.f32 v61, v60  }
.Ltmp10:
0x38b: {  	s0 =	sshll.u32 s20, $0x7;
	v3 =	vadd.f32 v3, v9;
	(pc) =	sbr.rel @p0 .LBB2_20-.Ltmp10, $4  }
0x38c: {  	[tilespmem:s13+$0x0] =	vst v10;
	s0 =	sand.u32 $0x3E00, s0;
	v4 =	vadd.f32 v63, v62  }
0x38d: {  	s0 =	sor.u32 s0, s9;
	[tilespmem:s23+$0x0] =	vst v3  }
0x38e: {  	s4 =	smov.u32 s9;
	s0 =	sadd.s32 s0, s10;
	[tilespmem:s29+$0x0] =	vst v4  }
0x38f: {  	[hbm4b:s0+s24] =	stream.strided.scatter [tilespmem:s2], [sflag:$0xA], $0x400, s25, s24, $0x38;
	[tilespmem:$0x11000] =	vst v63  }
0x390: {  	s0 =	sshll.u32 s19, $0x7  }
0x391: {  	s0 =	sand.u32 $0x3FFFFF80, s0  }
0x392: {  	v3 =	vld [tilespmem:s0+$0xE0];
	_ =	sdelay $0x4  }
0x393: {  	v4 =	vshll.u32 v3, $0x2  }
0x394: {  	v3 =	vand.u32 $0x7, v3;
	v4 =	vand.u32 $0xFFFFFFE0, v4  }
0x395: {  	v3 =	vor.u32 v3, v4  }
0x396: {  	v4 =	vperm.xlane v3, v0;
	_ =	sdelay $0x1  }
0x397: {  	v4 =	vadd.s32 v1, v4;
	_ =	sdelay $0x2  }
0x398: {  	v3 =	vperm.xlane v3, v2  }
0x399: {  	s28 =	simm.s32 $0xC800  }
0x39a: {  	v3 =	vadd.s32 v1, v3;
	[tilespmem:s28], [sflag:$0x7] =	stream.indirect_vreg.gather [hbm4b:s1+s3], $0x80, v4, vm0, $0xb8;
	[tilespmem:$0x11000] =	vst v63  }
0x39b: {  	s29 =	simm.s32 $0xD000  }
0x39c: {  	[tilespmem:s29], [sflag:$0x7] =	stream.indirect_vreg.gather [hbm4b:s6+s3], $0x80, v4, vm0, $0xb8;
	[tilespmem:$0x11000] =	vst v63  }
.Ltmp11:
0x39d: {  	_ = 	snop;
	(pc) =	sbr.rel .LBB2_2-.Ltmp11, $4  }
0x39e: {  	s30 =	simm.s32 $0xD800  }
0x39f: {  	[tilespmem:s30], [sflag:$0x7] =	stream.indirect_vreg.gather [hbm4b:s1+s3], $0x80, v3, vm0, $0xb8;
	[tilespmem:$0x11000] =	vst v63  }
0x3a0: {  	s31 =	simm.s32 $0xE000;
	s19 =	sadd.s32 $0x1, s19  }
0x3a1: {  	[tilespmem:s31], [sflag:$0x7] =	stream.indirect_vreg.gather [hbm4b:s6+s3], $0x80, v3, vm0, $0xb8;
	[tilespmem:$0x11000] =	vst v63  }
.LBB2_21:
0x3a2: {  	_ =	sfence.sel $0x180000  }
0x3a3: {  	[bflag:$0x0] =	sbarrier.arrive $0xFFFF  }
0x3a4: {  	_ =	strace $0x90000047  }
0x3a5: {  	s0 =	stileid.u32;
	[bflag:$0x2] =	sbarrier.arrive $0xFFFF  }
0x3a6: {  	p0 =	sne.s32 s0, $0x0;
	s0 =	rddreg [dreg:$0x3]  }
0x3a7: {  	s0 =	sadd.s32 @!p0 $0x100000, s0  }
0x3a8: {  	[sflag:s0] =	ssyncadd.tile.s32 @!p0 $0x1;
	_ =	shalt  }
.Lfunc_end2:
_tile_overlayer_lowered:
.L_overlay_start_2:
0x3a9: {  	(tag) =	ssettag $0x2  }
0x3aa: {  	s0 =	rddreg [dreg:$0x0];
	s2 =	stileid.u32  }
0x3ab: {  	s1 =	rddreg [dreg:$0x1];
	p0 =	sne.s32 s2, $0x0  }
0x3ac: {  	s3 =	rddreg [dreg:$0x2];
	[bflag:$0x3] =	sbarrier.arrive $0xFFFF;
	s2 =	simm.s32 @!p0 $0x1C0B  }
0x3ad: {  	[timem:s3], [sflag:s2] =	dma.local @!p0 [hbm:s0], s1  }
0x3ae: {  	s0 =	simm.s32 @!p0 $0xB  }
0x3af: {  	_ =	swait.ge @!p0 [sflag:s0], s1  }
0x3b0: {  	s1 =	ssub.s32 @!p0 $0x0, s1;
	[sflag:s0] =	ssyncset.done @!p0 $0x0  }
0x3b1: {  	[sflag:s0] =	ssyncadd.s32 @!p0 s1  }
0x3b2: {  	[bflag:$0x3] =	sbarrier.arrive $0xFFFF  }
0x3b3: {  	_ =	shalt  }

</sc_bundles>
